<compile_context>
chip_gen: v7x
topology: tpu7x:2x2x1
jax: 0.10.2.dev20260603
libtpu: 0.0.44.dev20260713+nightly
codegen_flags: <defaults>
</compile_context>

<pallas_src>
import functools

import jax
import jax.numpy as jnp
from jax import lax
from jax.experimental import pallas as pl
from jax.experimental.pallas import tpu as pltpu
from jax.experimental.pallas import tpu_sc as plsc

N = 10000
E = 160000
D = 128
W = 32
NP = 10240
NC = 2
NS = 16
NW = NC * NS
CH = 128
EPW = 5120
EPAD = NW * EPW
RPS = NP // NS
GK = 8
CPW = EPAD // CH // NS

BR = 400


def _k1_body(x_ref, ws_ref, wn_ref, cs_ref, t_ref):
    x = x_ref[...]
    cs_ref[...] = jnp.dot(x, ws_ref[...], preferred_element_type=jnp.float32)
    t = jnp.dot(x, wn_ref[...], preferred_element_type=jnp.float32)
    col = lax.broadcasted_iota(jnp.int32, t.shape, 1)
    t_ref[...] = jnp.where(col == W - 1, 1.0, t)


def _k1_call(x, ws_p, wn_p):
    blk = 1000
    return pl.pallas_call(
        _k1_body,
        grid=(N // blk,),
        in_specs=[
            pl.BlockSpec((blk, D), lambda i: (i, 0)),
            pl.BlockSpec((D, W), lambda i: (0, 0)),
            pl.BlockSpec((D, W), lambda i: (0, 0)),
        ],
        out_specs=[
            pl.BlockSpec((blk, W), lambda i: (i, 0)),
            pl.BlockSpec((blk, W), lambda i: (i, 0)),
        ],
        out_shape=[
            jax.ShapeDtypeStruct((N, W), jnp.float32),
            jax.ShapeDtypeStruct((N, W), jnp.float32),
        ],
    )(x, ws_p, wn_p)


def _make_prop(dt):
    mesh = plsc.VectorSubcoreMesh(core_axis_name="c", subcore_axis_name="s",
                                  num_cores=1, num_subcores=NS)

    @functools.partial(
        pl.kernel,
        out_type=jax.ShapeDtypeStruct((NP, dt), jnp.float32),
        mesh=mesh,
        compiler_params=pltpu.CompilerParams(use_tc_tiling_on_sc=False),
        scratch_types=[
            pltpu.VMEM((CPW, CH), jnp.int32),
            pltpu.VMEM((CPW, CH), jnp.int32),
            pltpu.VMEM((GK, CH, dt), jnp.float32),
            pltpu.VMEM_SHARED((NP, dt), jnp.float32),
            pltpu.SemaphoreType.DMA,
            pltpu.SemaphoreType.DMA,
        ],
    )
    def prop(table_hbm, src_hbm, dst_hbm, zeros_hbm, out_hbm,
             sidx, didx, rows, acc, sem_g, sem_s):
        s = lax.axis_index("s")
        pltpu.sync_copy(zeros_hbm, acc.at[pl.ds(s * RPS, RPS)])
        pltpu.sync_copy(src_hbm.at[pl.ds(s * CPW, CPW)], sidx)
        pltpu.sync_copy(dst_hbm.at[pl.ds(s * CPW, CPW)], didx)
        plsc.subcore_barrier()

        def drain_scatters():
            for b in range(GK):
                pltpu.make_async_copy(table_hbm.at[pl.ds(0, CH)],
                                      rows.at[b], sem_s).wait()

        def group(g, carry):
            @pl.when(g > 0)
            def _():
                drain_scatters()
            base = g * GK
            descs = [
                pltpu.async_copy(table_hbm.at[sidx.at[base + b]],
                                 rows.at[b], sem_g)
                for b in range(GK)
            ]
            for d in descs:
                d.wait()
            for b in range(GK):
                pltpu.async_copy(rows.at[b], acc.at[didx.at[base + b]],
                                 sem_s, add=True)
            return carry

        lax.fori_loop(0, CPW // GK, group, 0)
        drain_scatters()
        plsc.subcore_barrier()
        pltpu.sync_copy(acc.at[pl.ds(s * RPS, RPS)],
                        out_hbm.at[pl.ds(s * RPS, RPS)])

    return prop


_prop_cache = {}


def _get_prop(dt):
    if dt not in _prop_cache:
        _prop_cache[dt] = _make_prop(dt)
    return _prop_cache[dt]


def _k3_body(cs_ref, a1_ref, b1_ref, h_ref, inv_ref):
    a = a1_ref[...]
    deg = a[:, W - 1:W]
    inv = 1.0 / jnp.maximum(deg, 1.0)
    h = cs_ref[...] + a * inv + b1_ref[...]
    col = lax.broadcasted_iota(jnp.int32, h.shape, 1)
    h_ref[...] = jnp.where(col == W - 1, 0.0, h)
    inv_ref[...] = inv


def _k3_call(cs, a1, b1_p):
    blk = 1000
    return pl.pallas_call(
        _k3_body,
        grid=(N // blk,),
        in_specs=[
            pl.BlockSpec((blk, W), lambda i: (i, 0)),
            pl.BlockSpec((blk, W), lambda i: (i, 0)),
            pl.BlockSpec((1, W), lambda i: (0, 0)),
        ],
        out_specs=[
            pl.BlockSpec((blk, W), lambda i: (i, 0)),
            pl.BlockSpec((blk, 1), lambda i: (i, 0)),
        ],
        out_shape=[
            jax.ShapeDtypeStruct((N, W), jnp.float32),
            jax.ShapeDtypeStruct((N, 1), jnp.float32),
        ],
    )(cs, a1, b1_p)


def _k5_body(h_ref, a1_ref, inv_ref, ws_ref, wn_ref, b_ref, adj_ref,
             w2s_ref, w2n_ref, b2_ref, fc1w_ref, fc1b_ref, fc2w_ref,
             fc2b_ref, z_ref, reg_ref, p_scr, y_scr, css_scr):
    i = pl.program_id(0)
    nb = pl.num_programs(0)
    h_blk = h_ref[pl.ds(i * BR, BR), :]
    aggm = a1_ref[...] * inv_ref[...]
    s1 = (jnp.dot(h_blk, ws_ref[...], preferred_element_type=jnp.float32)
          + jnp.dot(aggm, wn_ref[...], preferred_element_type=jnp.float32)
          + b_ref[...])
    m = jnp.max(s1, axis=-1, keepdims=True)
    e = jnp.exp(s1 - m)
    p = e / jnp.sum(e, axis=-1, keepdims=True)
    p_scr[pl.ds(i * BR, BR), :] = p

    adj_b = adj_ref[...].astype(jnp.bfloat16)

    @pl.when(i == 0)
    def _init():
        y_scr[...] = jnp.zeros_like(y_scr)
        css_scr[...] = jnp.zeros_like(css_scr)

    y_scr[...] += lax.dot_general(p.astype(jnp.bfloat16), adj_b,
                                  (((0,), (0,)), ((), ())),
                                  preferred_element_type=jnp.float32)
    ones_b = jnp.ones((1, BR), jnp.bfloat16)
    css_scr[...] += lax.dot_general(ones_b, adj_b * adj_b,
                                    (((1,), (0,)), ((), ())),
                                    preferred_element_type=jnp.float32)

    @pl.when(i == nb - 1)
    def _tail():
        _k6_tail(y_scr, p_scr, h_ref, css_scr, w2s_ref, w2n_ref, b2_ref,
                 fc1w_ref, fc1b_ref, fc2w_ref, fc2b_ref, z_ref, reg_ref)


def _k5_call(h, a1, inv, ws_p, wn_p, b_p, adj, w2s_p, w2n_p, b2_p,
             fc1w_p, fc1b_p, fc2w, fc2b_p):
    return pl.pallas_call(
        _k5_body,
        grid=(N // BR,),
        in_specs=[
            pl.BlockSpec((N, W), lambda i: (0, 0)),
            pl.BlockSpec((BR, W), lambda i: (i, 0)),
            pl.BlockSpec((BR, 1), lambda i: (i, 0)),
            pl.BlockSpec((W, W), lambda i: (0, 0)),
            pl.BlockSpec((W, W), lambda i: (0, 0)),
            pl.BlockSpec((1, W), lambda i: (0, 0)),
            pl.BlockSpec((BR, N), lambda i: (i, 0)),
            pl.BlockSpec((W, W), lambda i: (0, 0)),
            pl.BlockSpec((W, W), lambda i: (0, 0)),
            pl.BlockSpec((1, W), lambda i: (0, 0)),
            pl.BlockSpec((4, W, W), lambda i: (0, 0, 0)),
            pl.BlockSpec((1, W), lambda i: (0, 0)),
            pl.BlockSpec((W, 2), lambda i: (0, 0)),
            pl.BlockSpec((1, 2), lambda i: (0, 0)),
        ],
        out_specs=[
            pl.BlockSpec((1, 2), lambda i: (0, 0)),
            pl.BlockSpec((1, 1), lambda i: (0, 0), memory_space=pltpu.SMEM),
        ],
        out_shape=[
            jax.ShapeDtypeStruct((1, 2), jnp.float32),
            jax.ShapeDtypeStruct((1, 1), jnp.float32),
        ],
        scratch_shapes=[
            pltpu.VMEM((N, W), jnp.float32),
            pltpu.VMEM((W, N), jnp.float32),
            pltpu.VMEM((1, N), jnp.float32),
        ],
        compiler_params=pltpu.CompilerParams(
            vmem_limit_bytes=100 * 1024 * 1024),
    )(h, a1, inv, ws_p, wn_p, b_p, adj, w2s_p, w2n_p, b2_p, fc1w_p,
      fc1b_p, fc2w, fc2b_p)


def _k6_tail(y_ref, p_ref, h_ref, css_ref, w2s_ref, w2n_ref, b2_ref,
             fc1w_ref, fc1b_ref, fc2w_ref, fc2b_ref, z_ref, reg_ref):
    y = y_ref[...]
    p = p_ref[...]
    h = h_ref[...]

    adj1 = jnp.dot(y, p, preferred_element_type=jnp.float32)
    sts = lax.dot_general(p, p, (((0,), (0,)), ((), ())),
                          preferred_element_type=jnp.float32)
    h1 = lax.dot_general(p, h, (((0,), (0,)), ((), ())),
                         preferred_element_type=jnp.float32)

    rid = lax.broadcasted_iota(jnp.int32, (W, W), 0)
    cid = lax.broadcasted_iota(jnp.int32, (W, W), 1)
    tr = jnp.sum(jnp.where(rid == cid, adj1, 0.0))
    ssq = jnp.sum(css_ref[...])
    l1 = jnp.sqrt(jnp.maximum(ssq - 2.0 * tr + jnp.sum(sts * sts), 0.0))
    link1 = l1 / (N * N)
    ent1 = jnp.sum(-p * jnp.log(p + 1e-15)) / N
    reg1 = link1 + ent1

    m1 = jnp.sum(h1, axis=0, keepdims=True) / W
    s2 = (jnp.dot(h1, w2s_ref[...], preferred_element_type=jnp.float32)
          + jnp.dot(m1, w2n_ref[...], preferred_element_type=jnp.float32)
          + b2_ref[...])
    s2 = jnp.where(cid < 4, s2, -1e30)
    mx = jnp.max(s2, axis=-1, keepdims=True)
    e2 = jnp.exp(s2 - mx)
    p2 = e2 / jnp.sum(e2, axis=-1, keepdims=True)

    h2 = lax.dot_general(p2, h1, (((0,), (0,)), ((), ())),
                         preferred_element_type=jnp.float32)
    pp2 = lax.dot_general(p2, p2, (((1,), (1,)), ((), ())),
                          preferred_element_type=jnp.float32)
    dif = adj1 - pp2
    link2 = jnp.sqrt(jnp.sum(dif * dif)) / (W * W)
    ent2 = jnp.sum(-p2 * jnp.log(p2 + 1e-15)) / W
    reg2 = link2 + ent2

    z = jnp.zeros((1, W), jnp.float32)
    for r in range(4):
        row = jnp.sum(jnp.where(rid == r, h2, 0.0), axis=0, keepdims=True)
        z = z + jnp.dot(row, fc1w_ref[r], preferred_element_type=jnp.float32)
    z = jnp.maximum(z + fc1b_ref[...], 0.0)
    z_ref[...] = jnp.dot(z, fc2w_ref[...],
                         preferred_element_type=jnp.float32) + fc2b_ref[...]
    reg_ref[0, 0] = reg1 * 10.0 + reg2 * 0.1


def kernel(x, edge_index, edge_attr, adj, W1s, W1n, b1, Wp1s, Wp1n, bp1,
           Wp2s, Wp2n, bp2, fc1_w, fc1_b, fc2_w, fc2_b):
    f32 = jnp.float32

    ws_p = jnp.zeros((D, W), f32).at[:, :30].set(W1s)
    wn_p = jnp.zeros((D, W), f32).at[:, :30].set(W1n)
    b1_p = jnp.zeros((1, W), f32).at[0, :30].set(b1)
    wp1s_p = jnp.zeros((W, W), f32).at[:30, :].set(Wp1s)
    wp1n_p = jnp.zeros((W, W), f32).at[:30, :].set(Wp1n)
    bp1_p = bp1.reshape(1, W)
    wp2s_p = jnp.zeros((W, W), f32).at[:30, :4].set(Wp2s)
    wp2n_p = jnp.zeros((W, W), f32).at[:30, :4].set(Wp2n)
    bp2_p = jnp.zeros((1, W), f32).at[0, :4].set(bp2)
    fc1w_p = jnp.zeros((4, W, W), f32).at[:, :30, :].set(
        fc1_w.reshape(4, 30, W))
    fc1b_p = fc1_b.reshape(1, W)
    fc2b_p = fc2_b.reshape(1, 2)

    src3 = jnp.concatenate(
        [edge_index[0], jnp.zeros((EPAD - E,), jnp.int32)]).reshape(
            EPAD // CH, CH)
    dst3 = jnp.concatenate(
        [edge_index[1], jnp.full((EPAD - E,), N + 200, jnp.int32)]).reshape(
            EPAD // CH, CH)
    zeros32 = jnp.zeros((RPS, W), f32)

    cs, table1 = _k1_call(x, ws_p, wn_p)

    agg1 = _get_prop(W)(table1, src3, dst3, zeros32)
    a1 = lax.slice(agg1, (0, 0), (N, W))

    h, invdeg = _k3_call(cs, a1, b1_p)

    agg2 = _get_prop(W)(h, src3, dst3, zeros32)
    a2 = lax.slice(agg2, (0, 0), (N, W))

    z, reg = _k5_call(h, a2, invdeg, wp1s_p, wp1n_p, bp1_p, adj,
                      wp2s_p, wp2n_p, bp2_p, fc1w_p, fc1b_p, fc2_w, fc2b_p)
    return z, reg[0, 0]

# --- scband reference (transcript-rebuilt; emitter-appended) ---
"""Pipeline reference for scband-sage-77429670412574 (READ-ONLY COPY).

The authoritative reference and input builder live on the scoring server;
editing this copy changes nothing except your own understanding.
"""

import jax, jax.numpy as jnp
import numpy as np

N = 10000
E = 160000
D = 128
ED = 4


def _w(key, shape):
    fan_in = shape[0]
    return jax.random.normal(key, shape, dtype=jnp.float32) / np.sqrt(fan_in)


def setup_inputs(seed: int = 0) -> dict:
    key = jax.random.key(seed)
    ks = jax.random.split(key, 20)
    inp = {}
    inp['x'] = jax.random.normal(ks[0], (N, D), dtype=jnp.float32)
    inp['edge_index'] = jax.random.randint(ks[1], (2, E), 0, N, dtype=jnp.int32)
    inp['edge_attr'] = jax.random.normal(ks[2], (E, ED), dtype=jnp.float32)
    inp['adj'] = jax.random.uniform(ks[3], (N, N), dtype=jnp.float32)
    # SAGEConv params (PyG-style: W_self, W_neigh, bias)
    inp['W1s'] = _w(ks[4], (D, 30)); inp['W1n'] = _w(ks[5], (D, 30)); inp['b1'] = jnp.zeros((30,), jnp.float32)
    inp['Wp1s'] = _w(ks[6], (30, 32)); inp['Wp1n'] = _w(ks[7], (30, 32)); inp['bp1'] = jnp.zeros((32,), jnp.float32)
    inp['Wp2s'] = _w(ks[8], (30, 4)); inp['Wp2n'] = _w(ks[9], (30, 4)); inp['bp2'] = jnp.zeros((4,), jnp.float32)
    inp['fc1_w'] = _w(ks[10], (120, 32)); inp['fc1_b'] = jnp.zeros((32,), jnp.float32)
    inp['fc2_w'] = _w(ks[11], (32, 2)); inp['fc2_b'] = jnp.zeros((2,), jnp.float32)
    return inp


def _sage_conv(x, src, dst, Ws, Wn, b, n):
    agg = jax.ops.segment_sum(x[src], dst, num_segments=n)
    deg = jax.ops.segment_sum(jnp.ones(src.shape[0], dtype=x.dtype), dst, num_segments=n)
    agg = agg / jnp.clip(deg, 1.0, None)[:, None]
    return x @ Ws + agg @ Wn + b


def _diff_pool(x, adj, s):
    s = jax.nn.softmax(s, axis=-1)
    x_new = s.T @ x
    adj_new = s.T @ adj @ s
    link = jnp.linalg.norm(adj - s @ s.T) / (adj.shape[0] * adj.shape[1])
    ent = jnp.mean(jnp.sum(-s * jnp.log(s + 1e-15), axis=-1))
    C = s.shape[1]
    ei = jnp.stack([jnp.repeat(jnp.arange(C), C), jnp.tile(jnp.arange(C), C)]).astype(jnp.int32)
    return x_new, ei, adj_new, link + ent


def reference(x, edge_index, edge_attr, adj, W1s, W1n, b1, Wp1s, Wp1n, bp1, Wp2s, Wp2n, bp2, fc1_w, fc1_b, fc2_w, fc2_b):
    src, dst = edge_index[0], edge_index[1]
    h = _sage_conv(x, src, dst, W1s, W1n, b1, x.shape[0])
    s1 = _sage_conv(h, src, dst, Wp1s, Wp1n, bp1, x.shape[0])
    h, ei1, adj1, reg1 = _diff_pool(h, adj, s1)
    src1, dst1 = ei1[0], ei1[1]
    s2 = _sage_conv(h, src1, dst1, Wp2s, Wp2n, bp2, h.shape[0])
    h, ei2, adj2, reg2 = _diff_pool(h, adj1, s2)
    z = h.reshape(1, -1)
    z = jax.nn.relu(z @ fc1_w + fc1_b)
    z = z @ fc2_w + fc2_b
    reg = reg1 * 10 + reg2 * 0.1
    return (z, reg)

if __name__ == "__main__":
    import jax
    _d = setup_inputs()
    print(jax.jit(kernel)(*tuple(_d.values())))

</pallas_src>

<mosaic_0001>
#map = affine_map<(d0, d1) -> (0, 0)>
module attributes {stable_mosaic.version = 14 : i64} {
  func.func @prop(%arg0: i32, %arg1: i32, %arg2: memref<10000x32xf32, #tpu.memory_space<hbm>>, %arg3: memref<1280x128xi32, #tpu.memory_space<hbm>>, %arg4: memref<1280x128xi32, #tpu.memory_space<hbm>>, %arg5: memref<640x32xf32, #tpu.memory_space<hbm>>, %arg6: memref<10240x32xf32, #tpu.memory_space<hbm>>, %arg7: memref<80x128xi32, #tpu.memory_space<vmem>>, %arg8: memref<80x128xi32, #tpu.memory_space<vmem>>, %arg9: memref<8x128x32xf32, #tpu.memory_space<vmem>>, %arg10: memref<10240x32xf32, #tpu.memory_space<vmem_shared>>, %arg11: memref<!tpu.dma_semaphore, #tpu.memory_space<semaphore_mem>>, %arg12: memref<!tpu.dma_semaphore, #tpu.memory_space<semaphore_mem>>) attributes {dimension_semantics = [#tpu.dimension_semantics<core_parallel>, #tpu.dimension_semantics<subcore_parallel>], iteration_bounds = array<i64: 1, 16>, scalar_prefetch = 0 : i64, scratch_operands = 6 : i64, tpu.core_type = #tpu.core_type<sc_vector_subcore>, window_params = [{transform_indices = #map}, {transform_indices = #map}, {transform_indices = #map}, {transform_indices = #map}, {transform_indices = #map}]} {
    %mul3A = arith.constant 640 : i32
    %mul3A_0 = arith.muli %arg1, %mul3A : i32
    "tpu.region"() ({
      %run_scoped3A = tpu.sem_alloc : memref<!tpu.dma_semaphore, #tpu.memory_space<semaphore_mem>>
      %dma_start3A = arith.constant 0 : i32
      %dma_start3A_134 = tpu.memref_slice %arg10[%mul3A_0, %dma_start3A] : memref<10240x32xf32, #tpu.memory_space<vmem_shared>> -> memref<640x32xf32, #tpu.memory_space<vmem_shared>>
      tpu.enqueue_dma source(%arg5 : memref<640x32xf32, #tpu.memory_space<hbm>>) target(%dma_start3A_134 : memref<640x32xf32, #tpu.memory_space<vmem_shared>>) target_semaphore(%run_scoped3A : memref<!tpu.dma_semaphore, #tpu.memory_space<semaphore_mem>>)
      %dma_wait3A_135 = arith.constant 0 : i32
      %dma_wait3A_136 = tpu.memref_slice %arg10[%mul3A_0, %dma_wait3A_135] : memref<10240x32xf32, #tpu.memory_space<vmem_shared>> -> memref<640x32xf32, #tpu.memory_space<vmem_shared>>
      tpu.wait_dma2 semaphore(%run_scoped3A : memref<!tpu.dma_semaphore, #tpu.memory_space<semaphore_mem>>) src(%arg5 : memref<640x32xf32, #tpu.memory_space<hbm>>) dst(%dma_wait3A_136 : memref<640x32xf32, #tpu.memory_space<vmem_shared>>)
      tpu.yield
    }) : () -> ()
    %mul3A_1 = arith.constant 80 : i32
    %mul3A_2 = arith.muli %arg1, %mul3A_1 : i32
    "tpu.region"() ({
      %run_scoped3A = tpu.sem_alloc : memref<!tpu.dma_semaphore, #tpu.memory_space<semaphore_mem>>
      %dma_start3A = arith.constant 0 : i32
      %dma_start3A_134 = tpu.memref_slice %arg3[%mul3A_2, %dma_start3A] : memref<1280x128xi32, #tpu.memory_space<hbm>> -> memref<80x128xi32, #tpu.memory_space<hbm>>
      %dma_start3A_135 = arith.constant 0 : i32
      %dma_start3A_136 = tpu.memref_slice %arg3[%mul3A_2, %dma_start3A_135] : memref<1280x128xi32, #tpu.memory_space<hbm>> -> memref<80x128xi32, #tpu.memory_space<hbm>>
      tpu.enqueue_dma source(%dma_start3A_136 : memref<80x128xi32, #tpu.memory_space<hbm>>) target(%arg7 : memref<80x128xi32, #tpu.memory_space<vmem>>) target_semaphore(%run_scoped3A : memref<!tpu.dma_semaphore, #tpu.memory_space<semaphore_mem>>)
      %dma_wait3A_137 = arith.constant 0 : i32
      %dma_wait3A_138 = tpu.memref_slice %arg3[%mul3A_2, %dma_wait3A_137] : memref<1280x128xi32, #tpu.memory_space<hbm>> -> memref<80x128xi32, #tpu.memory_space<hbm>>
      %dma_wait3A_139 = arith.constant 0 : i32
      %dma_wait3A_140 = tpu.memref_slice %arg3[%mul3A_2, %dma_wait3A_139] : memref<1280x128xi32, #tpu.memory_space<hbm>> -> memref<80x128xi32, #tpu.memory_space<hbm>>
      tpu.wait_dma2 semaphore(%run_scoped3A : memref<!tpu.dma_semaphore, #tpu.memory_space<semaphore_mem>>) src(%dma_wait3A_140 : memref<80x128xi32, #tpu.memory_space<hbm>>) dst(%arg7 : memref<80x128xi32, #tpu.memory_space<vmem>>)
      tpu.yield
    }) : () -> ()
    %mul3A_3 = arith.constant 80 : i32
    %mul3A_4 = arith.muli %arg1, %mul3A_3 : i32
    "tpu.region"() ({
      %run_scoped3A = tpu.sem_alloc : memref<!tpu.dma_semaphore, #tpu.memory_space<semaphore_mem>>
      %dma_start3A = arith.constant 0 : i32
      %dma_start3A_134 = tpu.memref_slice %arg4[%mul3A_4, %dma_start3A] : memref<1280x128xi32, #tpu.memory_space<hbm>> -> memref<80x128xi32, #tpu.memory_space<hbm>>
      %dma_start3A_135 = arith.constant 0 : i32
      %dma_start3A_136 = tpu.memref_slice %arg4[%mul3A_4, %dma_start3A_135] : memref<1280x128xi32, #tpu.memory_space<hbm>> -> memref<80x128xi32, #tpu.memory_space<hbm>>
      tpu.enqueue_dma source(%dma_start3A_136 : memref<80x128xi32, #tpu.memory_space<hbm>>) target(%arg8 : memref<80x128xi32, #tpu.memory_space<vmem>>) target_semaphore(%run_scoped3A : memref<!tpu.dma_semaphore, #tpu.memory_space<semaphore_mem>>)
      %dma_wait3A_137 = arith.constant 0 : i32
      %dma_wait3A_138 = tpu.memref_slice %arg4[%mul3A_4, %dma_wait3A_137] : memref<1280x128xi32, #tpu.memory_space<hbm>> -> memref<80x128xi32, #tpu.memory_space<hbm>>
      %dma_wait3A_139 = arith.constant 0 : i32
      %dma_wait3A_140 = tpu.memref_slice %arg4[%mul3A_4, %dma_wait3A_139] : memref<1280x128xi32, #tpu.memory_space<hbm>> -> memref<80x128xi32, #tpu.memory_space<hbm>>
      tpu.wait_dma2 semaphore(%run_scoped3A : memref<!tpu.dma_semaphore, #tpu.memory_space<semaphore_mem>>) src(%dma_wait3A_140 : memref<80x128xi32, #tpu.memory_space<hbm>>) dst(%arg8 : memref<80x128xi32, #tpu.memory_space<vmem>>)
      tpu.yield
    }) : () -> ()
    %barrier3A = arith.constant 0 : index
    tpu.barrier barrier_id(%barrier3A)
    %scan3A = arith.constant 0 : i32
    %scan3A_5 = arith.constant 0 : i32
    %scan3A_6 = arith.constant 10 : i32
    %scan3A_7 = arith.addi %scan3A_5, %scan3A_6 : i32
    %scan3A_8 = arith.constant 1 : i32
    scf.for %scan3A_134 = %scan3A_5 to %scan3A_7 step %scan3A_8  : i32 {
      %gt3A = arith.constant 0 : i32
      %gt3A_135 = arith.cmpi sgt, %scan3A_134, %gt3A : i32
      %convert_element_type3A = arith.extui %gt3A_135 : i1 to i32
      %cond3A = arith.constant 0 : i32
      %cond3A_136 = arith.cmpi ne, %convert_element_type3A, %cond3A : i32
      scf.if %cond3A_136 {
        %dma_wait3A_433 = arith.constant 0 : i32
        %dma_wait3A_434 = arith.constant 0 : i32
        %dma_wait3A_435 = arith.constant 0 : i32
        %dma_wait3A_436 = tpu.memref_slice %arg9[%dma_wait3A_433, %dma_wait3A_434, %dma_wait3A_435] : memref<8x128x32xf32, #tpu.memory_space<vmem>> -> memref<1x128x32xf32, #tpu.memory_space<vmem>>
        %dma_wait3A_437 = tpu.memref_squeeze %dma_wait3A_436 : memref<1x128x32xf32, #tpu.memory_space<vmem>> -> memref<128x32xf32, #tpu.memory_space<vmem>>
        %dma_wait3A_438 = arith.constant 0 : i32
        %dma_wait3A_439 = arith.constant 0 : i32
        %dma_wait3A_440 = tpu.memref_slice %arg2[%dma_wait3A_438, %dma_wait3A_439] : memref<10000x32xf32, #tpu.memory_space<hbm>> -> memref<128x32xf32, #tpu.memory_space<hbm>>
        %dma_wait3A_441 = arith.constant 0 : i32
        %dma_wait3A_442 = arith.constant 0 : i32
        %dma_wait3A_443 = tpu.memref_slice %arg9[%dma_wait3A_433, %dma_wait3A_441, %dma_wait3A_442] : memref<8x128x32xf32, #tpu.memory_space<vmem>> -> memref<1x128x32xf32, #tpu.memory_space<vmem>>
        %dma_wait3A_444 = tpu.memref_squeeze %dma_wait3A_443 : memref<1x128x32xf32, #tpu.memory_space<vmem>> -> memref<128x32xf32, #tpu.memory_space<vmem>>
        %dma_wait3A_445 = arith.constant 0 : i32
        %dma_wait3A_446 = arith.constant 0 : i32
        %dma_wait3A_447 = tpu.memref_slice %arg2[%dma_wait3A_445, %dma_wait3A_446] : memref<10000x32xf32, #tpu.memory_space<hbm>> -> memref<128x32xf32, #tpu.memory_space<hbm>>
        tpu.wait_dma2 semaphore(%arg12 : memref<!tpu.dma_semaphore, #tpu.memory_space<semaphore_mem>>) src(%dma_wait3A_447 : memref<128x32xf32, #tpu.memory_space<hbm>>) dst(%dma_wait3A_444 : memref<128x32xf32, #tpu.memory_space<vmem>>)
        %dma_wait3A_448 = arith.constant 1 : i32
        %dma_wait3A_449 = arith.constant 0 : i32
        %dma_wait3A_450 = arith.constant 0 : i32
        %dma_wait3A_451 = tpu.memref_slice %arg9[%dma_wait3A_448, %dma_wait3A_449, %dma_wait3A_450] : memref<8x128x32xf32, #tpu.memory_space<vmem>> -> memref<1x128x32xf32, #tpu.memory_space<vmem>>
        %dma_wait3A_452 = tpu.memref_squeeze %dma_wait3A_451 : memref<1x128x32xf32, #tpu.memory_space<vmem>> -> memref<128x32xf32, #tpu.memory_space<vmem>>
        %dma_wait3A_453 = arith.constant 0 : i32
        %dma_wait3A_454 = arith.constant 0 : i32
        %dma_wait3A_455 = tpu.memref_slice %arg2[%dma_wait3A_453, %dma_wait3A_454] : memref<10000x32xf32, #tpu.memory_space<hbm>> -> memref<128x32xf32, #tpu.memory_space<hbm>>
        %dma_wait3A_456 = arith.constant 0 : i32
        %dma_wait3A_457 = arith.constant 0 : i32
        %dma_wait3A_458 = tpu.memref_slice %arg9[%dma_wait3A_448, %dma_wait3A_456, %dma_wait3A_457] : memref<8x128x32xf32, #tpu.memory_space<vmem>> -> memref<1x128x32xf32, #tpu.memory_space<vmem>>
        %dma_wait3A_459 = tpu.memref_squeeze %dma_wait3A_458 : memref<1x128x32xf32, #tpu.memory_space<vmem>> -> memref<128x32xf32, #tpu.memory_space<vmem>>
        %dma_wait3A_460 = arith.constant 0 : i32
        %dma_wait3A_461 = arith.constant 0 : i32
        %dma_wait3A_462 = tpu.memref_slice %arg2[%dma_wait3A_460, %dma_wait3A_461] : memref<10000x32xf32, #tpu.memory_space<hbm>> -> memref<128x32xf32, #tpu.memory_space<hbm>>
        tpu.wait_dma2 semaphore(%arg12 : memref<!tpu.dma_semaphore, #tpu.memory_space<semaphore_mem>>) src(%dma_wait3A_462 : memref<128x32xf32, #tpu.memory_space<hbm>>) dst(%dma_wait3A_459 : memref<128x32xf32, #tpu.memory_space<vmem>>)
        %dma_wait3A_463 = arith.constant 2 : i32
        %dma_wait3A_464 = arith.constant 0 : i32
        %dma_wait3A_465 = arith.constant 0 : i32
        %dma_wait3A_466 = tpu.memref_slice %arg9[%dma_wait3A_463, %dma_wait3A_464, %dma_wait3A_465] : memref<8x128x32xf32, #tpu.memory_space<vmem>> -> memref<1x128x32xf32, #tpu.memory_space<vmem>>
        %dma_wait3A_467 = tpu.memref_squeeze %dma_wait3A_466 : memref<1x128x32xf32, #tpu.memory_space<vmem>> -> memref<128x32xf32, #tpu.memory_space<vmem>>
        %dma_wait3A_468 = arith.constant 0 : i32
        %dma_wait3A_469 = arith.constant 0 : i32
        %dma_wait3A_470 = tpu.memref_slice %arg2[%dma_wait3A_468, %dma_wait3A_469] : memref<10000x32xf32, #tpu.memory_space<hbm>> -> memref<128x32xf32, #tpu.memory_space<hbm>>
        %dma_wait3A_471 = arith.constant 0 : i32
        %dma_wait3A_472 = arith.constant 0 : i32
        %dma_wait3A_473 = tpu.memref_slice %arg9[%dma_wait3A_463, %dma_wait3A_471, %dma_wait3A_472] : memref<8x128x32xf32, #tpu.memory_space<vmem>> -> memref<1x128x32xf32, #tpu.memory_space<vmem>>
        %dma_wait3A_474 = tpu.memref_squeeze %dma_wait3A_473 : memref<1x128x32xf32, #tpu.memory_space<vmem>> -> memref<128x32xf32, #tpu.memory_space<vmem>>
        %dma_wait3A_475 = arith.constant 0 : i32
        %dma_wait3A_476 = arith.constant 0 : i32
        %dma_wait3A_477 = tpu.memref_slice %arg2[%dma_wait3A_475, %dma_wait3A_476] : memref<10000x32xf32, #tpu.memory_space<hbm>> -> memref<128x32xf32, #tpu.memory_space<hbm>>
        tpu.wait_dma2 semaphore(%arg12 : memref<!tpu.dma_semaphore, #tpu.memory_space<semaphore_mem>>) src(%dma_wait3A_477 : memref<128x32xf32, #tpu.memory_space<hbm>>) dst(%dma_wait3A_474 : memref<128x32xf32, #tpu.memory_space<vmem>>)
        %dma_wait3A_478 = arith.constant 3 : i32
        %dma_wait3A_479 = arith.constant 0 : i32
        %dma_wait3A_480 = arith.constant 0 : i32
        %dma_wait3A_481 = tpu.memref_slice %arg9[%dma_wait3A_478, %dma_wait3A_479, %dma_wait3A_480] : memref<8x128x32xf32, #tpu.memory_space<vmem>> -> memref<1x128x32xf32, #tpu.memory_space<vmem>>
        %dma_wait3A_482 = tpu.memref_squeeze %dma_wait3A_481 : memref<1x128x32xf32, #tpu.memory_space<vmem>> -> memref<128x32xf32, #tpu.memory_space<vmem>>
        %dma_wait3A_483 = arith.constant 0 : i32
        %dma_wait3A_484 = arith.constant 0 : i32
        %dma_wait3A_485 = tpu.memref_slice %arg2[%dma_wait3A_483, %dma_wait3A_484] : memref<10000x32xf32, #tpu.memory_space<hbm>> -> memref<128x32xf32, #tpu.memory_space<hbm>>
        %dma_wait3A_486 = arith.constant 0 : i32
        %dma_wait3A_487 = arith.constant 0 : i32
        %dma_wait3A_488 = tpu.memref_slice %arg9[%dma_wait3A_478, %dma_wait3A_486, %dma_wait3A_487] : memref<8x128x32xf32, #tpu.memory_space<vmem>> -> memref<1x128x32xf32, #tpu.memory_space<vmem>>
        %dma_wait3A_489 = tpu.memref_squeeze %dma_wait3A_488 : memref<1x128x32xf32, #tpu.memory_space<vmem>> -> memref<128x32xf32, #tpu.memory_space<vmem>>
        %dma_wait3A_490 = arith.constant 0 : i32
        %dma_wait3A_491 = arith.constant 0 : i32
        %dma_wait3A_492 = tpu.memref_slice %arg2[%dma_wait3A_490, %dma_wait3A_491] : memref<10000x32xf32, #tpu.memory_space<hbm>> -> memref<128x32xf32, #tpu.memory_space<hbm>>
        tpu.wait_dma2 semaphore(%arg12 : memref<!tpu.dma_semaphore, #tpu.memory_space<semaphore_mem>>) src(%dma_wait3A_492 : memref<128x32xf32, #tpu.memory_space<hbm>>) dst(%dma_wait3A_489 : memref<128x32xf32, #tpu.memory_space<vmem>>)
        %dma_wait3A_493 = arith.constant 4 : i32
        %dma_wait3A_494 = arith.constant 0 : i32
        %dma_wait3A_495 = arith.constant 0 : i32
        %dma_wait3A_496 = tpu.memref_slice %arg9[%dma_wait3A_493, %dma_wait3A_494, %dma_wait3A_495] : memref<8x128x32xf32, #tpu.memory_space<vmem>> -> memref<1x128x32xf32, #tpu.memory_space<vmem>>
        %dma_wait3A_497 = tpu.memref_squeeze %dma_wait3A_496 : memref<1x128x32xf32, #tpu.memory_space<vmem>> -> memref<128x32xf32, #tpu.memory_space<vmem>>
        %dma_wait3A_498 = arith.constant 0 : i32
        %dma_wait3A_499 = arith.constant 0 : i32
        %dma_wait3A_500 = tpu.memref_slice %arg2[%dma_wait3A_498, %dma_wait3A_499] : memref<10000x32xf32, #tpu.memory_space<hbm>> -> memref<128x32xf32, #tpu.memory_space<hbm>>
        %dma_wait3A_501 = arith.constant 0 : i32
        %dma_wait3A_502 = arith.constant 0 : i32
        %dma_wait3A_503 = tpu.memref_slice %arg9[%dma_wait3A_493, %dma_wait3A_501, %dma_wait3A_502] : memref<8x128x32xf32, #tpu.memory_space<vmem>> -> memref<1x128x32xf32, #tpu.memory_space<vmem>>
        %dma_wait3A_504 = tpu.memref_squeeze %dma_wait3A_503 : memref<1x128x32xf32, #tpu.memory_space<vmem>> -> memref<128x32xf32, #tpu.memory_space<vmem>>
        %dma_wait3A_505 = arith.constant 0 : i32
        %dma_wait3A_506 = arith.constant 0 : i32
        %dma_wait3A_507 = tpu.memref_slice %arg2[%dma_wait3A_505, %dma_wait3A_506] : memref<10000x32xf32, #tpu.memory_space<hbm>> -> memref<128x32xf32, #tpu.memory_space<hbm>>
        tpu.wait_dma2 semaphore(%arg12 : memref<!tpu.dma_semaphore, #tpu.memory_space<semaphore_mem>>) src(%dma_wait3A_507 : memref<128x32xf32, #tpu.memory_space<hbm>>) dst(%dma_wait3A_504 : memref<128x32xf32, #tpu.memory_space<vmem>>)
        %dma_wait3A_508 = arith.constant 5 : i32
        %dma_wait3A_509 = arith.constant 0 : i32
        %dma_wait3A_510 = arith.constant 0 : i32
        %dma_wait3A_511 = tpu.memref_slice %arg9[%dma_wait3A_508, %dma_wait3A_509, %dma_wait3A_510] : memref<8x128x32xf32, #tpu.memory_space<vmem>> -> memref<1x128x32xf32, #tpu.memory_space<vmem>>
        %dma_wait3A_512 = tpu.memref_squeeze %dma_wait3A_511 : memref<1x128x32xf32, #tpu.memory_space<vmem>> -> memref<128x32xf32, #tpu.memory_space<vmem>>
        %dma_wait3A_513 = arith.constant 0 : i32
        %dma_wait3A_514 = arith.constant 0 : i32
        %dma_wait3A_515 = tpu.memref_slice %arg2[%dma_wait3A_513, %dma_wait3A_514] : memref<10000x32xf32, #tpu.memory_space<hbm>> -> memref<128x32xf32, #tpu.memory_space<hbm>>
        %dma_wait3A_516 = arith.constant 0 : i32
        %dma_wait3A_517 = arith.constant 0 : i32
        %dma_wait3A_518 = tpu.memref_slice %arg9[%dma_wait3A_508, %dma_wait3A_516, %dma_wait3A_517] : memref<8x128x32xf32, #tpu.memory_space<vmem>> -> memref<1x128x32xf32, #tpu.memory_space<vmem>>
        %dma_wait3A_519 = tpu.memref_squeeze %dma_wait3A_518 : memref<1x128x32xf32, #tpu.memory_space<vmem>> -> memref<128x32xf32, #tpu.memory_space<vmem>>
        %dma_wait3A_520 = arith.constant 0 : i32
        %dma_wait3A_521 = arith.constant 0 : i32
        %dma_wait3A_522 = tpu.memref_slice %arg2[%dma_wait3A_520, %dma_wait3A_521] : memref<10000x32xf32, #tpu.memory_space<hbm>> -> memref<128x32xf32, #tpu.memory_space<hbm>>
        tpu.wait_dma2 semaphore(%arg12 : memref<!tpu.dma_semaphore, #tpu.memory_space<semaphore_mem>>) src(%dma_wait3A_522 : memref<128x32xf32, #tpu.memory_space<hbm>>) dst(%dma_wait3A_519 : memref<128x32xf32, #tpu.memory_space<vmem>>)
        %dma_wait3A_523 = arith.constant 6 : i32
        %dma_wait3A_524 = arith.constant 0 : i32
        %dma_wait3A_525 = arith.constant 0 : i32
        %dma_wait3A_526 = tpu.memref_slice %arg9[%dma_wait3A_523, %dma_wait3A_524, %dma_wait3A_525] : memref<8x128x32xf32, #tpu.memory_space<vmem>> -> memref<1x128x32xf32, #tpu.memory_space<vmem>>
        %dma_wait3A_527 = tpu.memref_squeeze %dma_wait3A_526 : memref<1x128x32xf32, #tpu.memory_space<vmem>> -> memref<128x32xf32, #tpu.memory_space<vmem>>
        %dma_wait3A_528 = arith.constant 0 : i32
        %dma_wait3A_529 = arith.constant 0 : i32
        %dma_wait3A_530 = tpu.memref_slice %arg2[%dma_wait3A_528, %dma_wait3A_529] : memref<10000x32xf32, #tpu.memory_space<hbm>> -> memref<128x32xf32, #tpu.memory_space<hbm>>
        %dma_wait3A_531 = arith.constant 0 : i32
        %dma_wait3A_532 = arith.constant 0 : i32
        %dma_wait3A_533 = tpu.memref_slice %arg9[%dma_wait3A_523, %dma_wait3A_531, %dma_wait3A_532] : memref<8x128x32xf32, #tpu.memory_space<vmem>> -> memref<1x128x32xf32, #tpu.memory_space<vmem>>
        %dma_wait3A_534 = tpu.memref_squeeze %dma_wait3A_533 : memref<1x128x32xf32, #tpu.memory_space<vmem>> -> memref<128x32xf32, #tpu.memory_space<vmem>>
        %dma_wait3A_535 = arith.constant 0 : i32
        %dma_wait3A_536 = arith.constant 0 : i32
        %dma_wait3A_537 = tpu.memref_slice %arg2[%dma_wait3A_535, %dma_wait3A_536] : memref<10000x32xf32, #tpu.memory_space<hbm>> -> memref<128x32xf32, #tpu.memory_space<hbm>>
        tpu.wait_dma2 semaphore(%arg12 : memref<!tpu.dma_semaphore, #tpu.memory_space<semaphore_mem>>) src(%dma_wait3A_537 : memref<128x32xf32, #tpu.memory_space<hbm>>) dst(%dma_wait3A_534 : memref<128x32xf32, #tpu.memory_space<vmem>>)
        %dma_wait3A_538 = arith.constant 7 : i32
        %dma_wait3A_539 = arith.constant 0 : i32
        %dma_wait3A_540 = arith.constant 0 : i32
        %dma_wait3A_541 = tpu.memref_slice %arg9[%dma_wait3A_538, %dma_wait3A_539, %dma_wait3A_540] : memref<8x128x32xf32, #tpu.memory_space<vmem>> -> memref<1x128x32xf32, #tpu.memory_space<vmem>>
        %dma_wait3A_542 = tpu.memref_squeeze %dma_wait3A_541 : memref<1x128x32xf32, #tpu.memory_space<vmem>> -> memref<128x32xf32, #tpu.memory_space<vmem>>
        %dma_wait3A_543 = arith.constant 0 : i32
        %dma_wait3A_544 = arith.constant 0 : i32
        %dma_wait3A_545 = tpu.memref_slice %arg2[%dma_wait3A_543, %dma_wait3A_544] : memref<10000x32xf32, #tpu.memory_space<hbm>> -> memref<128x32xf32, #tpu.memory_space<hbm>>
        %dma_wait3A_546 = arith.constant 0 : i32
        %dma_wait3A_547 = arith.constant 0 : i32
        %dma_wait3A_548 = tpu.memref_slice %arg9[%dma_wait3A_538, %dma_wait3A_546, %dma_wait3A_547] : memref<8x128x32xf32, #tpu.memory_space<vmem>> -> memref<1x128x32xf32, #tpu.memory_space<vmem>>
        %dma_wait3A_549 = tpu.memref_squeeze %dma_wait3A_548 : memref<1x128x32xf32, #tpu.memory_space<vmem>> -> memref<128x32xf32, #tpu.memory_space<vmem>>
        %dma_wait3A_550 = arith.constant 0 : i32
        %dma_wait3A_551 = arith.constant 0 : i32
        %dma_wait3A_552 = tpu.memref_slice %arg2[%dma_wait3A_550, %dma_wait3A_551] : memref<10000x32xf32, #tpu.memory_space<hbm>> -> memref<128x32xf32, #tpu.memory_space<hbm>>
        tpu.wait_dma2 semaphore(%arg12 : memref<!tpu.dma_semaphore, #tpu.memory_space<semaphore_mem>>) src(%dma_wait3A_552 : memref<128x32xf32, #tpu.memory_space<hbm>>) dst(%dma_wait3A_549 : memref<128x32xf32, #tpu.memory_space<vmem>>)
      } else {
      }
      %mul3A_137 = arith.constant 8 : i32
      %mul3A_138 = arith.muli %scan3A_134, %mul3A_137 : i32
      %add3A = arith.constant 0 : i32
      %add3A_139 = arith.addi %mul3A_138, %add3A : i32
      %dma_start3A = arith.constant 0 : i32
      %dma_start3A_140 = arith.constant 0 : i32
      %dma_start3A_141 = arith.constant 0 : i32
      %dma_start3A_142 = tpu.memref_slice %arg9[%dma_start3A, %dma_start3A_140, %dma_start3A_141] : memref<8x128x32xf32, #tpu.memory_space<vmem>> -> memref<1x128x32xf32, #tpu.memory_space<vmem>>
      %dma_start3A_143 = tpu.memref_squeeze %dma_start3A_142 : memref<1x128x32xf32, #tpu.memory_space<vmem>> -> memref<128x32xf32, #tpu.memory_space<vmem>>
      %dma_start3A_144 = arith.constant 0 : i32
      %dma_start3A_145 = tpu.memref_slice %arg7[%add3A_139, %dma_start3A_144] : memref<80x128xi32, #tpu.memory_space<vmem>> -> memref<1x128xi32, #tpu.memory_space<vmem>>
      %dma_start3A_146 = tpu.memref_squeeze %dma_start3A_145 : memref<1x128xi32, #tpu.memory_space<vmem>> -> memref<128xi32, #tpu.memory_space<vmem>>
      %dma_start3A_147 = arith.constant 0 : i32
      %dma_start3A_148 = arith.constant 0 : i32
      %dma_start3A_149 = tpu.memref_slice %arg2[%dma_start3A_147, %dma_start3A_148] : memref<10000x32xf32, #tpu.memory_space<hbm>> -> memref<10000x32xf32, #tpu.memory_space<hbm>>
      tpu.enqueue_indirect_dma source(%dma_start3A_149 : memref<10000x32xf32, #tpu.memory_space<hbm>>) target(%dma_start3A_143 : memref<128x32xf32, #tpu.memory_space<vmem>>) offsets(%dma_start3A_146 : memref<128xi32, #tpu.memory_space<vmem>>) semaphore(%arg11 : memref<!tpu.dma_semaphore, #tpu.memory_space<semaphore_mem>>)
      %add3A_150 = arith.constant 1 : i32
      %add3A_151 = arith.addi %mul3A_138, %add3A_150 : i32
      %dma_start3A_152 = arith.constant 1 : i32
      %dma_start3A_153 = arith.constant 0 : i32
      %dma_start3A_154 = arith.constant 0 : i32
      %dma_start3A_155 = tpu.memref_slice %arg9[%dma_start3A_152, %dma_start3A_153, %dma_start3A_154] : memref<8x128x32xf32, #tpu.memory_space<vmem>> -> memref<1x128x32xf32, #tpu.memory_space<vmem>>
      %dma_start3A_156 = tpu.memref_squeeze %dma_start3A_155 : memref<1x128x32xf32, #tpu.memory_space<vmem>> -> memref<128x32xf32, #tpu.memory_space<vmem>>
      %dma_start3A_157 = arith.constant 0 : i32
      %dma_start3A_158 = tpu.memref_slice %arg7[%add3A_151, %dma_start3A_157] : memref<80x128xi32, #tpu.memory_space<vmem>> -> memref<1x128xi32, #tpu.memory_space<vmem>>
      %dma_start3A_159 = tpu.memref_squeeze %dma_start3A_158 : memref<1x128xi32, #tpu.memory_space<vmem>> -> memref<128xi32, #tpu.memory_space<vmem>>
      %dma_start3A_160 = arith.constant 0 : i32
      %dma_start3A_161 = arith.constant 0 : i32
      %dma_start3A_162 = tpu.memref_slice %arg2[%dma_start3A_160, %dma_start3A_161] : memref<10000x32xf32, #tpu.memory_space<hbm>> -> memref<10000x32xf32, #tpu.memory_space<hbm>>
      tpu.enqueue_indirect_dma source(%dma_start3A_162 : memref<10000x32xf32, #tpu.memory_space<hbm>>) target(%dma_start3A_156 : memref<128x32xf32, #tpu.memory_space<vmem>>) offsets(%dma_start3A_159 : memref<128xi32, #tpu.memory_space<vmem>>) semaphore(%arg11 : memref<!tpu.dma_semaphore, #tpu.memory_space<semaphore_mem>>)
      %add3A_163 = arith.constant 2 : i32
      %add3A_164 = arith.addi %mul3A_138, %add3A_163 : i32
      %dma_start3A_165 = arith.constant 2 : i32
      %dma_start3A_166 = arith.constant 0 : i32
      %dma_start3A_167 = arith.constant 0 : i32
      %dma_start3A_168 = tpu.memref_slice %arg9[%dma_start3A_165, %dma_start3A_166, %dma_start3A_167] : memref<8x128x32xf32, #tpu.memory_space<vmem>> -> memref<1x128x32xf32, #tpu.memory_space<vmem>>
      %dma_start3A_169 = tpu.memref_squeeze %dma_start3A_168 : memref<1x128x32xf32, #tpu.memory_space<vmem>> -> memref<128x32xf32, #tpu.memory_space<vmem>>
      %dma_start3A_170 = arith.constant 0 : i32
      %dma_start3A_171 = tpu.memref_slice %arg7[%add3A_164, %dma_start3A_170] : memref<80x128xi32, #tpu.memory_space<vmem>> -> memref<1x128xi32, #tpu.memory_space<vmem>>
      %dma_start3A_172 = tpu.memref_squeeze %dma_start3A_171 : memref<1x128xi32, #tpu.memory_space<vmem>> -> memref<128xi32, #tpu.memory_space<vmem>>
      %dma_start3A_173 = arith.constant 0 : i32
      %dma_start3A_174 = arith.constant 0 : i32
      %dma_start3A_175 = tpu.memref_slice %arg2[%dma_start3A_173, %dma_start3A_174] : memref<10000x32xf32, #tpu.memory_space<hbm>> -> memref<10000x32xf32, #tpu.memory_space<hbm>>
      tpu.enqueue_indirect_dma source(%dma_start3A_175 : memref<10000x32xf32, #tpu.memory_space<hbm>>) target(%dma_start3A_169 : memref<128x32xf32, #tpu.memory_space<vmem>>) offsets(%dma_start3A_172 : memref<128xi32, #tpu.memory_space<vmem>>) semaphore(%arg11 : memref<!tpu.dma_semaphore, #tpu.memory_space<semaphore_mem>>)
      %add3A_176 = arith.constant 3 : i32
      %add3A_177 = arith.addi %mul3A_138, %add3A_176 : i32
      %dma_start3A_178 = arith.constant 3 : i32
      %dma_start3A_179 = arith.constant 0 : i32
      %dma_start3A_180 = arith.constant 0 : i32
      %dma_start3A_181 = tpu.memref_slice %arg9[%dma_start3A_178, %dma_start3A_179, %dma_start3A_180] : memref<8x128x32xf32, #tpu.memory_space<vmem>> -> memref<1x128x32xf32, #tpu.memory_space<vmem>>
      %dma_start3A_182 = tpu.memref_squeeze %dma_start3A_181 : memref<1x128x32xf32, #tpu.memory_space<vmem>> -> memref<128x32xf32, #tpu.memory_space<vmem>>
      %dma_start3A_183 = arith.constant 0 : i32
      %dma_start3A_184 = tpu.memref_slice %arg7[%add3A_177, %dma_start3A_183] : memref<80x128xi32, #tpu.memory_space<vmem>> -> memref<1x128xi32, #tpu.memory_space<vmem>>
      %dma_start3A_185 = tpu.memref_squeeze %dma_start3A_184 : memref<1x128xi32, #tpu.memory_space<vmem>> -> memref<128xi32, #tpu.memory_space<vmem>>
      %dma_start3A_186 = arith.constant 0 : i32
      %dma_start3A_187 = arith.constant 0 : i32
      %dma_start3A_188 = tpu.memref_slice %arg2[%dma_start3A_186, %dma_start3A_187] : memref<10000x32xf32, #tpu.memory_space<hbm>> -> memref<10000x32xf32, #tpu.memory_space<hbm>>
      tpu.enqueue_indirect_dma source(%dma_start3A_188 : memref<10000x32xf32, #tpu.memory_space<hbm>>) target(%dma_start3A_182 : memref<128x32xf32, #tpu.memory_space<vmem>>) offsets(%dma_start3A_185 : memref<128xi32, #tpu.memory_space<vmem>>) semaphore(%arg11 : memref<!tpu.dma_semaphore, #tpu.memory_space<semaphore_mem>>)
      %add3A_189 = arith.constant 4 : i32
      %add3A_190 = arith.addi %mul3A_138, %add3A_189 : i32
      %dma_start3A_191 = arith.constant 4 : i32
      %dma_start3A_192 = arith.constant 0 : i32
      %dma_start3A_193 = arith.constant 0 : i32
      %dma_start3A_194 = tpu.memref_slice %arg9[%dma_start3A_191, %dma_start3A_192, %dma_start3A_193] : memref<8x128x32xf32, #tpu.memory_space<vmem>> -> memref<1x128x32xf32, #tpu.memory_space<vmem>>
      %dma_start3A_195 = tpu.memref_squeeze %dma_start3A_194 : memref<1x128x32xf32, #tpu.memory_space<vmem>> -> memref<128x32xf32, #tpu.memory_space<vmem>>
      %dma_start3A_196 = arith.constant 0 : i32
      %dma_start3A_197 = tpu.memref_slice %arg7[%add3A_190, %dma_start3A_196] : memref<80x128xi32, #tpu.memory_space<vmem>> -> memref<1x128xi32, #tpu.memory_space<vmem>>
      %dma_start3A_198 = tpu.memref_squeeze %dma_start3A_197 : memref<1x128xi32, #tpu.memory_space<vmem>> -> memref<128xi32, #tpu.memory_space<vmem>>
      %dma_start3A_199 = arith.constant 0 : i32
      %dma_start3A_200 = arith.constant 0 : i32
      %dma_start3A_201 = tpu.memref_slice %arg2[%dma_start3A_199, %dma_start3A_200] : memref<10000x32xf32, #tpu.memory_space<hbm>> -> memref<10000x32xf32, #tpu.memory_space<hbm>>
      tpu.enqueue_indirect_dma source(%dma_start3A_201 : memref<10000x32xf32, #tpu.memory_space<hbm>>) target(%dma_start3A_195 : memref<128x32xf32, #tpu.memory_space<vmem>>) offsets(%dma_start3A_198 : memref<128xi32, #tpu.memory_space<vmem>>) semaphore(%arg11 : memref<!tpu.dma_semaphore, #tpu.memory_space<semaphore_mem>>)
      %add3A_202 = arith.constant 5 : i32
      %add3A_203 = arith.addi %mul3A_138, %add3A_202 : i32
      %dma_start3A_204 = arith.constant 5 : i32
      %dma_start3A_205 = arith.constant 0 : i32
      %dma_start3A_206 = arith.constant 0 : i32
      %dma_start3A_207 = tpu.memref_slice %arg9[%dma_start3A_204, %dma_start3A_205, %dma_start3A_206] : memref<8x128x32xf32, #tpu.memory_space<vmem>> -> memref<1x128x32xf32, #tpu.memory_space<vmem>>
      %dma_start3A_208 = tpu.memref_squeeze %dma_start3A_207 : memref<1x128x32xf32, #tpu.memory_space<vmem>> -> memref<128x32xf32, #tpu.memory_space<vmem>>
      %dma_start3A_209 = arith.constant 0 : i32
      %dma_start3A_210 = tpu.memref_slice %arg7[%add3A_203, %dma_start3A_209] : memref<80x128xi32, #tpu.memory_space<vmem>> -> memref<1x128xi32, #tpu.memory_space<vmem>>
      %dma_start3A_211 = tpu.memref_squeeze %dma_start3A_210 : memref<1x128xi32, #tpu.memory_space<vmem>> -> memref<128xi32, #tpu.memory_space<vmem>>
      %dma_start3A_212 = arith.constant 0 : i32
      %dma_start3A_213 = arith.constant 0 : i32
      %dma_start3A_214 = tpu.memref_slice %arg2[%dma_start3A_212, %dma_start3A_213] : memref<10000x32xf32, #tpu.memory_space<hbm>> -> memref<10000x32xf32, #tpu.memory_space<hbm>>
      tpu.enqueue_indirect_dma source(%dma_start3A_214 : memref<10000x32xf32, #tpu.memory_space<hbm>>) target(%dma_start3A_208 : memref<128x32xf32, #tpu.memory_space<vmem>>) offsets(%dma_start3A_211 : memref<128xi32, #tpu.memory_space<vmem>>) semaphore(%arg11 : memref<!tpu.dma_semaphore, #tpu.memory_space<semaphore_mem>>)
      %add3A_215 = arith.constant 6 : i32
      %add3A_216 = arith.addi %mul3A_138, %add3A_215 : i32
      %dma_start3A_217 = arith.constant 6 : i32
      %dma_start3A_218 = arith.constant 0 : i32
      %dma_start3A_219 = arith.constant 0 : i32
      %dma_start3A_220 = tpu.memref_slice %arg9[%dma_start3A_217, %dma_start3A_218, %dma_start3A_219] : memref<8x128x32xf32, #tpu.memory_space<vmem>> -> memref<1x128x32xf32, #tpu.memory_space<vmem>>
      %dma_start3A_221 = tpu.memref_squeeze %dma_start3A_220 : memref<1x128x32xf32, #tpu.memory_space<vmem>> -> memref<128x32xf32, #tpu.memory_space<vmem>>
      %dma_start3A_222 = arith.constant 0 : i32
      %dma_start3A_223 = tpu.memref_slice %arg7[%add3A_216, %dma_start3A_222] : memref<80x128xi32, #tpu.memory_space<vmem>> -> memref<1x128xi32, #tpu.memory_space<vmem>>
      %dma_start3A_224 = tpu.memref_squeeze %dma_start3A_223 : memref<1x128xi32, #tpu.memory_space<vmem>> -> memref<128xi32, #tpu.memory_space<vmem>>
      %dma_start3A_225 = arith.constant 0 : i32
      %dma_start3A_226 = arith.constant 0 : i32
      %dma_start3A_227 = tpu.memref_slice %arg2[%dma_start3A_225, %dma_start3A_226] : memref<10000x32xf32, #tpu.memory_space<hbm>> -> memref<10000x32xf32, #tpu.memory_space<hbm>>
      tpu.enqueue_indirect_dma source(%dma_start3A_227 : memref<10000x32xf32, #tpu.memory_space<hbm>>) target(%dma_start3A_221 : memref<128x32xf32, #tpu.memory_space<vmem>>) offsets(%dma_start3A_224 : memref<128xi32, #tpu.memory_space<vmem>>) semaphore(%arg11 : memref<!tpu.dma_semaphore, #tpu.memory_space<semaphore_mem>>)
      %add3A_228 = arith.constant 7 : i32
      %add3A_229 = arith.addi %mul3A_138, %add3A_228 : i32
      %dma_start3A_230 = arith.constant 7 : i32
      %dma_start3A_231 = arith.constant 0 : i32
      %dma_start3A_232 = arith.constant 0 : i32
      %dma_start3A_233 = tpu.memref_slice %arg9[%dma_start3A_230, %dma_start3A_231, %dma_start3A_232] : memref<8x128x32xf32, #tpu.memory_space<vmem>> -> memref<1x128x32xf32, #tpu.memory_space<vmem>>
      %dma_start3A_234 = tpu.memref_squeeze %dma_start3A_233 : memref<1x128x32xf32, #tpu.memory_space<vmem>> -> memref<128x32xf32, #tpu.memory_space<vmem>>
      %dma_start3A_235 = arith.constant 0 : i32
      %dma_start3A_236 = tpu.memref_slice %arg7[%add3A_229, %dma_start3A_235] : memref<80x128xi32, #tpu.memory_space<vmem>> -> memref<1x128xi32, #tpu.memory_space<vmem>>
      %dma_start3A_237 = tpu.memref_squeeze %dma_start3A_236 : memref<1x128xi32, #tpu.memory_space<vmem>> -> memref<128xi32, #tpu.memory_space<vmem>>
      %dma_start3A_238 = arith.constant 0 : i32
      %dma_start3A_239 = arith.constant 0 : i32
      %dma_start3A_240 = tpu.memref_slice %arg2[%dma_start3A_238, %dma_start3A_239] : memref<10000x32xf32, #tpu.memory_space<hbm>> -> memref<10000x32xf32, #tpu.memory_space<hbm>>
      tpu.enqueue_indirect_dma source(%dma_start3A_240 : memref<10000x32xf32, #tpu.memory_space<hbm>>) target(%dma_start3A_234 : memref<128x32xf32, #tpu.memory_space<vmem>>) offsets(%dma_start3A_237 : memref<128xi32, #tpu.memory_space<vmem>>) semaphore(%arg11 : memref<!tpu.dma_semaphore, #tpu.memory_space<semaphore_mem>>)
      %dma_wait3A_241 = arith.constant 0 : i32
      %dma_wait3A_242 = arith.constant 0 : i32
      %dma_wait3A_243 = arith.constant 0 : i32
      %dma_wait3A_244 = tpu.memref_slice %arg9[%dma_wait3A_241, %dma_wait3A_242, %dma_wait3A_243] : memref<8x128x32xf32, #tpu.memory_space<vmem>> -> memref<1x128x32xf32, #tpu.memory_space<vmem>>
      %dma_wait3A_245 = tpu.memref_squeeze %dma_wait3A_244 : memref<1x128x32xf32, #tpu.memory_space<vmem>> -> memref<128x32xf32, #tpu.memory_space<vmem>>
      %dma_wait3A_246 = arith.constant 0 : i32
      %dma_wait3A_247 = tpu.memref_slice %arg7[%add3A_139, %dma_wait3A_246] : memref<80x128xi32, #tpu.memory_space<vmem>> -> memref<1x128xi32, #tpu.memory_space<vmem>>
      %dma_wait3A_248 = tpu.memref_squeeze %dma_wait3A_247 : memref<1x128xi32, #tpu.memory_space<vmem>> -> memref<128xi32, #tpu.memory_space<vmem>>
      %dma_wait3A_249 = arith.constant 0 : i32
      %dma_wait3A_250 = arith.constant 0 : i32
      %dma_wait3A_251 = tpu.memref_slice %arg2[%dma_wait3A_249, %dma_wait3A_250] : memref<10000x32xf32, #tpu.memory_space<hbm>> -> memref<10000x32xf32, #tpu.memory_space<hbm>>
      tpu.wait_indirect_dma semaphore(%arg11 : memref<!tpu.dma_semaphore, #tpu.memory_space<semaphore_mem>>) src(%dma_wait3A_251 : memref<10000x32xf32, #tpu.memory_space<hbm>>) dst(%dma_wait3A_245 : memref<128x32xf32, #tpu.memory_space<vmem>>)
      %dma_wait3A_252 = arith.constant 1 : i32
      %dma_wait3A_253 = arith.constant 0 : i32
      %dma_wait3A_254 = arith.constant 0 : i32
      %dma_wait3A_255 = tpu.memref_slice %arg9[%dma_wait3A_252, %dma_wait3A_253, %dma_wait3A_254] : memref<8x128x32xf32, #tpu.memory_space<vmem>> -> memref<1x128x32xf32, #tpu.memory_space<vmem>>
      %dma_wait3A_256 = tpu.memref_squeeze %dma_wait3A_255 : memref<1x128x32xf32, #tpu.memory_space<vmem>> -> memref<128x32xf32, #tpu.memory_space<vmem>>
      %dma_wait3A_257 = arith.constant 0 : i32
      %dma_wait3A_258 = tpu.memref_slice %arg7[%add3A_151, %dma_wait3A_257] : memref<80x128xi32, #tpu.memory_space<vmem>> -> memref<1x128xi32, #tpu.memory_space<vmem>>
      %dma_wait3A_259 = tpu.memref_squeeze %dma_wait3A_258 : memref<1x128xi32, #tpu.memory_space<vmem>> -> memref<128xi32, #tpu.memory_space<vmem>>
      %dma_wait3A_260 = arith.constant 0 : i32
      %dma_wait3A_261 = arith.constant 0 : i32
      %dma_wait3A_262 = tpu.memref_slice %arg2[%dma_wait3A_260, %dma_wait3A_261] : memref<10000x32xf32, #tpu.memory_space<hbm>> -> memref<10000x32xf32, #tpu.memory_space<hbm>>
      tpu.wait_indirect_dma semaphore(%arg11 : memref<!tpu.dma_semaphore, #tpu.memory_space<semaphore_mem>>) src(%dma_wait3A_262 : memref<10000x32xf32, #tpu.memory_space<hbm>>) dst(%dma_wait3A_256 : memref<128x32xf32, #tpu.memory_space<vmem>>)
      %dma_wait3A_263 = arith.constant 2 : i32
      %dma_wait3A_264 = arith.constant 0 : i32
      %dma_wait3A_265 = arith.constant 0 : i32
      %dma_wait3A_266 = tpu.memref_slice %arg9[%dma_wait3A_263, %dma_wait3A_264, %dma_wait3A_265] : memref<8x128x32xf32, #tpu.memory_space<vmem>> -> memref<1x128x32xf32, #tpu.memory_space<vmem>>
      %dma_wait3A_267 = tpu.memref_squeeze %dma_wait3A_266 : memref<1x128x32xf32, #tpu.memory_space<vmem>> -> memref<128x32xf32, #tpu.memory_space<vmem>>
      %dma_wait3A_268 = arith.constant 0 : i32
      %dma_wait3A_269 = tpu.memref_slice %arg7[%add3A_164, %dma_wait3A_268] : memref<80x128xi32, #tpu.memory_space<vmem>> -> memref<1x128xi32, #tpu.memory_space<vmem>>
      %dma_wait3A_270 = tpu.memref_squeeze %dma_wait3A_269 : memref<1x128xi32, #tpu.memory_space<vmem>> -> memref<128xi32, #tpu.memory_space<vmem>>
      %dma_wait3A_271 = arith.constant 0 : i32
      %dma_wait3A_272 = arith.constant 0 : i32
      %dma_wait3A_273 = tpu.memref_slice %arg2[%dma_wait3A_271, %dma_wait3A_272] : memref<10000x32xf32, #tpu.memory_space<hbm>> -> memref<10000x32xf32, #tpu.memory_space<hbm>>
      tpu.wait_indirect_dma semaphore(%arg11 : memref<!tpu.dma_semaphore, #tpu.memory_space<semaphore_mem>>) src(%dma_wait3A_273 : memref<10000x32xf32, #tpu.memory_space<hbm>>) dst(%dma_wait3A_267 : memref<128x32xf32, #tpu.memory_space<vmem>>)
      %dma_wait3A_274 = arith.constant 3 : i32
      %dma_wait3A_275 = arith.constant 0 : i32
      %dma_wait3A_276 = arith.constant 0 : i32
      %dma_wait3A_277 = tpu.memref_slice %arg9[%dma_wait3A_274, %dma_wait3A_275, %dma_wait3A_276] : memref<8x128x32xf32, #tpu.memory_space<vmem>> -> memref<1x128x32xf32, #tpu.memory_space<vmem>>
      %dma_wait3A_278 = tpu.memref_squeeze %dma_wait3A_277 : memref<1x128x32xf32, #tpu.memory_space<vmem>> -> memref<128x32xf32, #tpu.memory_space<vmem>>
      %dma_wait3A_279 = arith.constant 0 : i32
      %dma_wait3A_280 = tpu.memref_slice %arg7[%add3A_177, %dma_wait3A_279] : memref<80x128xi32, #tpu.memory_space<vmem>> -> memref<1x128xi32, #tpu.memory_space<vmem>>
      %dma_wait3A_281 = tpu.memref_squeeze %dma_wait3A_280 : memref<1x128xi32, #tpu.memory_space<vmem>> -> memref<128xi32, #tpu.memory_space<vmem>>
      %dma_wait3A_282 = arith.constant 0 : i32
      %dma_wait3A_283 = arith.constant 0 : i32
      %dma_wait3A_284 = tpu.memref_slice %arg2[%dma_wait3A_282, %dma_wait3A_283] : memref<10000x32xf32, #tpu.memory_space<hbm>> -> memref<10000x32xf32, #tpu.memory_space<hbm>>
      tpu.wait_indirect_dma semaphore(%arg11 : memref<!tpu.dma_semaphore, #tpu.memory_space<semaphore_mem>>) src(%dma_wait3A_284 : memref<10000x32xf32, #tpu.memory_space<hbm>>) dst(%dma_wait3A_278 : memref<128x32xf32, #tpu.memory_space<vmem>>)
      %dma_wait3A_285 = arith.constant 4 : i32
      %dma_wait3A_286 = arith.constant 0 : i32
      %dma_wait3A_287 = arith.constant 0 : i32
      %dma_wait3A_288 = tpu.memref_slice %arg9[%dma_wait3A_285, %dma_wait3A_286, %dma_wait3A_287] : memref<8x128x32xf32, #tpu.memory_space<vmem>> -> memref<1x128x32xf32, #tpu.memory_space<vmem>>
      %dma_wait3A_289 = tpu.memref_squeeze %dma_wait3A_288 : memref<1x128x32xf32, #tpu.memory_space<vmem>> -> memref<128x32xf32, #tpu.memory_space<vmem>>
      %dma_wait3A_290 = arith.constant 0 : i32
      %dma_wait3A_291 = tpu.memref_slice %arg7[%add3A_190, %dma_wait3A_290] : memref<80x128xi32, #tpu.memory_space<vmem>> -> memref<1x128xi32, #tpu.memory_space<vmem>>
      %dma_wait3A_292 = tpu.memref_squeeze %dma_wait3A_291 : memref<1x128xi32, #tpu.memory_space<vmem>> -> memref<128xi32, #tpu.memory_space<vmem>>
      %dma_wait3A_293 = arith.constant 0 : i32
      %dma_wait3A_294 = arith.constant 0 : i32
      %dma_wait3A_295 = tpu.memref_slice %arg2[%dma_wait3A_293, %dma_wait3A_294] : memref<10000x32xf32, #tpu.memory_space<hbm>> -> memref<10000x32xf32, #tpu.memory_space<hbm>>
      tpu.wait_indirect_dma semaphore(%arg11 : memref<!tpu.dma_semaphore, #tpu.memory_space<semaphore_mem>>) src(%dma_wait3A_295 : memref<10000x32xf32, #tpu.memory_space<hbm>>) dst(%dma_wait3A_289 : memref<128x32xf32, #tpu.memory_space<vmem>>)
      %dma_wait3A_296 = arith.constant 5 : i32
      %dma_wait3A_297 = arith.constant 0 : i32
      %dma_wait3A_298 = arith.constant 0 : i32
      %dma_wait3A_299 = tpu.memref_slice %arg9[%dma_wait3A_296, %dma_wait3A_297, %dma_wait3A_298] : memref<8x128x32xf32, #tpu.memory_space<vmem>> -> memref<1x128x32xf32, #tpu.memory_space<vmem>>
      %dma_wait3A_300 = tpu.memref_squeeze %dma_wait3A_299 : memref<1x128x32xf32, #tpu.memory_space<vmem>> -> memref<128x32xf32, #tpu.memory_space<vmem>>
      %dma_wait3A_301 = arith.constant 0 : i32
      %dma_wait3A_302 = tpu.memref_slice %arg7[%add3A_203, %dma_wait3A_301] : memref<80x128xi32, #tpu.memory_space<vmem>> -> memref<1x128xi32, #tpu.memory_space<vmem>>
      %dma_wait3A_303 = tpu.memref_squeeze %dma_wait3A_302 : memref<1x128xi32, #tpu.memory_space<vmem>> -> memref<128xi32, #tpu.memory_space<vmem>>
      %dma_wait3A_304 = arith.constant 0 : i32
      %dma_wait3A_305 = arith.constant 0 : i32
      %dma_wait3A_306 = tpu.memref_slice %arg2[%dma_wait3A_304, %dma_wait3A_305] : memref<10000x32xf32, #tpu.memory_space<hbm>> -> memref<10000x32xf32, #tpu.memory_space<hbm>>
      tpu.wait_indirect_dma semaphore(%arg11 : memref<!tpu.dma_semaphore, #tpu.memory_space<semaphore_mem>>) src(%dma_wait3A_306 : memref<10000x32xf32, #tpu.memory_space<hbm>>) dst(%dma_wait3A_300 : memref<128x32xf32, #tpu.memory_space<vmem>>)
      %dma_wait3A_307 = arith.constant 6 : i32
      %dma_wait3A_308 = arith.constant 0 : i32
      %dma_wait3A_309 = arith.constant 0 : i32
      %dma_wait3A_310 = tpu.memref_slice %arg9[%dma_wait3A_307, %dma_wait3A_308, %dma_wait3A_309] : memref<8x128x32xf32, #tpu.memory_space<vmem>> -> memref<1x128x32xf32, #tpu.memory_space<vmem>>
      %dma_wait3A_311 = tpu.memref_squeeze %dma_wait3A_310 : memref<1x128x32xf32, #tpu.memory_space<vmem>> -> memref<128x32xf32, #tpu.memory_space<vmem>>
      %dma_wait3A_312 = arith.constant 0 : i32
      %dma_wait3A_313 = tpu.memref_slice %arg7[%add3A_216, %dma_wait3A_312] : memref<80x128xi32, #tpu.memory_space<vmem>> -> memref<1x128xi32, #tpu.memory_space<vmem>>
      %dma_wait3A_314 = tpu.memref_squeeze %dma_wait3A_313 : memref<1x128xi32, #tpu.memory_space<vmem>> -> memref<128xi32, #tpu.memory_space<vmem>>
      %dma_wait3A_315 = arith.constant 0 : i32
      %dma_wait3A_316 = arith.constant 0 : i32
      %dma_wait3A_317 = tpu.memref_slice %arg2[%dma_wait3A_315, %dma_wait3A_316] : memref<10000x32xf32, #tpu.memory_space<hbm>> -> memref<10000x32xf32, #tpu.memory_space<hbm>>
      tpu.wait_indirect_dma semaphore(%arg11 : memref<!tpu.dma_semaphore, #tpu.memory_space<semaphore_mem>>) src(%dma_wait3A_317 : memref<10000x32xf32, #tpu.memory_space<hbm>>) dst(%dma_wait3A_311 : memref<128x32xf32, #tpu.memory_space<vmem>>)
      %dma_wait3A_318 = arith.constant 7 : i32
      %dma_wait3A_319 = arith.constant 0 : i32
      %dma_wait3A_320 = arith.constant 0 : i32
      %dma_wait3A_321 = tpu.memref_slice %arg9[%dma_wait3A_318, %dma_wait3A_319, %dma_wait3A_320] : memref<8x128x32xf32, #tpu.memory_space<vmem>> -> memref<1x128x32xf32, #tpu.memory_space<vmem>>
      %dma_wait3A_322 = tpu.memref_squeeze %dma_wait3A_321 : memref<1x128x32xf32, #tpu.memory_space<vmem>> -> memref<128x32xf32, #tpu.memory_space<vmem>>
      %dma_wait3A_323 = arith.constant 0 : i32
      %dma_wait3A_324 = tpu.memref_slice %arg7[%add3A_229, %dma_wait3A_323] : memref<80x128xi32, #tpu.memory_space<vmem>> -> memref<1x128xi32, #tpu.memory_space<vmem>>
      %dma_wait3A_325 = tpu.memref_squeeze %dma_wait3A_324 : memref<1x128xi32, #tpu.memory_space<vmem>> -> memref<128xi32, #tpu.memory_space<vmem>>
      %dma_wait3A_326 = arith.constant 0 : i32
      %dma_wait3A_327 = arith.constant 0 : i32
      %dma_wait3A_328 = tpu.memref_slice %arg2[%dma_wait3A_326, %dma_wait3A_327] : memref<10000x32xf32, #tpu.memory_space<hbm>> -> memref<10000x32xf32, #tpu.memory_space<hbm>>
      tpu.wait_indirect_dma semaphore(%arg11 : memref<!tpu.dma_semaphore, #tpu.memory_space<semaphore_mem>>) src(%dma_wait3A_328 : memref<10000x32xf32, #tpu.memory_space<hbm>>) dst(%dma_wait3A_322 : memref<128x32xf32, #tpu.memory_space<vmem>>)
      %add3A_329 = arith.constant 0 : i32
      %add3A_330 = arith.addi %mul3A_138, %add3A_329 : i32
      %dma_start3A_331 = arith.constant 0 : i32
      %dma_start3A_332 = arith.constant 0 : i32
      %dma_start3A_333 = arith.constant 0 : i32
      %dma_start3A_334 = tpu.memref_slice %arg9[%dma_start3A_331, %dma_start3A_332, %dma_start3A_333] : memref<8x128x32xf32, #tpu.memory_space<vmem>> -> memref<1x128x32xf32, #tpu.memory_space<vmem>>
      %dma_start3A_335 = tpu.memref_squeeze %dma_start3A_334 : memref<1x128x32xf32, #tpu.memory_space<vmem>> -> memref<128x32xf32, #tpu.memory_space<vmem>>
      %dma_start3A_336 = arith.constant 0 : i32
      %dma_start3A_337 = tpu.memref_slice %arg8[%add3A_330, %dma_start3A_336] : memref<80x128xi32, #tpu.memory_space<vmem>> -> memref<1x128xi32, #tpu.memory_space<vmem>>
      %dma_start3A_338 = tpu.memref_squeeze %dma_start3A_337 : memref<1x128xi32, #tpu.memory_space<vmem>> -> memref<128xi32, #tpu.memory_space<vmem>>
      %dma_start3A_339 = arith.constant 0 : i32
      %dma_start3A_340 = arith.constant 0 : i32
      %dma_start3A_341 = tpu.memref_slice %arg10[%dma_start3A_339, %dma_start3A_340] : memref<10240x32xf32, #tpu.memory_space<vmem_shared>> -> memref<10240x32xf32, #tpu.memory_space<vmem_shared>>
      tpu.enqueue_indirect_dma source(%dma_start3A_335 : memref<128x32xf32, #tpu.memory_space<vmem>>) target(%dma_start3A_341 : memref<10240x32xf32, #tpu.memory_space<vmem_shared>>) offsets(%dma_start3A_338 : memref<128xi32, #tpu.memory_space<vmem>>) semaphore(%arg12 : memref<!tpu.dma_semaphore, #tpu.memory_space<semaphore_mem>>) {add = true}
      %add3A_342 = arith.constant 1 : i32
      %add3A_343 = arith.addi %mul3A_138, %add3A_342 : i32
      %dma_start3A_344 = arith.constant 1 : i32
      %dma_start3A_345 = arith.constant 0 : i32
      %dma_start3A_346 = arith.constant 0 : i32
      %dma_start3A_347 = tpu.memref_slice %arg9[%dma_start3A_344, %dma_start3A_345, %dma_start3A_346] : memref<8x128x32xf32, #tpu.memory_space<vmem>> -> memref<1x128x32xf32, #tpu.memory_space<vmem>>
      %dma_start3A_348 = tpu.memref_squeeze %dma_start3A_347 : memref<1x128x32xf32, #tpu.memory_space<vmem>> -> memref<128x32xf32, #tpu.memory_space<vmem>>
      %dma_start3A_349 = arith.constant 0 : i32
      %dma_start3A_350 = tpu.memref_slice %arg8[%add3A_343, %dma_start3A_349] : memref<80x128xi32, #tpu.memory_space<vmem>> -> memref<1x128xi32, #tpu.memory_space<vmem>>
      %dma_start3A_351 = tpu.memref_squeeze %dma_start3A_350 : memref<1x128xi32, #tpu.memory_space<vmem>> -> memref<128xi32, #tpu.memory_space<vmem>>
      %dma_start3A_352 = arith.constant 0 : i32
      %dma_start3A_353 = arith.constant 0 : i32
      %dma_start3A_354 = tpu.memref_slice %arg10[%dma_start3A_352, %dma_start3A_353] : memref<10240x32xf32, #tpu.memory_space<vmem_shared>> -> memref<10240x32xf32, #tpu.memory_space<vmem_shared>>
      tpu.enqueue_indirect_dma source(%dma_start3A_348 : memref<128x32xf32, #tpu.memory_space<vmem>>) target(%dma_start3A_354 : memref<10240x32xf32, #tpu.memory_space<vmem_shared>>) offsets(%dma_start3A_351 : memref<128xi32, #tpu.memory_space<vmem>>) semaphore(%arg12 : memref<!tpu.dma_semaphore, #tpu.memory_space<semaphore_mem>>) {add = true}
      %add3A_355 = arith.constant 2 : i32
      %add3A_356 = arith.addi %mul3A_138, %add3A_355 : i32
      %dma_start3A_357 = arith.constant 2 : i32
      %dma_start3A_358 = arith.constant 0 : i32
      %dma_start3A_359 = arith.constant 0 : i32
      %dma_start3A_360 = tpu.memref_slice %arg9[%dma_start3A_357, %dma_start3A_358, %dma_start3A_359] : memref<8x128x32xf32, #tpu.memory_space<vmem>> -> memref<1x128x32xf32, #tpu.memory_space<vmem>>
      %dma_start3A_361 = tpu.memref_squeeze %dma_start3A_360 : memref<1x128x32xf32, #tpu.memory_space<vmem>> -> memref<128x32xf32, #tpu.memory_space<vmem>>
      %dma_start3A_362 = arith.constant 0 : i32
      %dma_start3A_363 = tpu.memref_slice %arg8[%add3A_356, %dma_start3A_362] : memref<80x128xi32, #tpu.memory_space<vmem>> -> memref<1x128xi32, #tpu.memory_space<vmem>>
      %dma_start3A_364 = tpu.memref_squeeze %dma_start3A_363 : memref<1x128xi32, #tpu.memory_space<vmem>> -> memref<128xi32, #tpu.memory_space<vmem>>
      %dma_start3A_365 = arith.constant 0 : i32
      %dma_start3A_366 = arith.constant 0 : i32
      %dma_start3A_367 = tpu.memref_slice %arg10[%dma_start3A_365, %dma_start3A_366] : memref<10240x32xf32, #tpu.memory_space<vmem_shared>> -> memref<10240x32xf32, #tpu.memory_space<vmem_shared>>
      tpu.enqueue_indirect_dma source(%dma_start3A_361 : memref<128x32xf32, #tpu.memory_space<vmem>>) target(%dma_start3A_367 : memref<10240x32xf32, #tpu.memory_space<vmem_shared>>) offsets(%dma_start3A_364 : memref<128xi32, #tpu.memory_space<vmem>>) semaphore(%arg12 : memref<!tpu.dma_semaphore, #tpu.memory_space<semaphore_mem>>) {add = true}
      %add3A_368 = arith.constant 3 : i32
      %add3A_369 = arith.addi %mul3A_138, %add3A_368 : i32
      %dma_start3A_370 = arith.constant 3 : i32
      %dma_start3A_371 = arith.constant 0 : i32
      %dma_start3A_372 = arith.constant 0 : i32
      %dma_start3A_373 = tpu.memref_slice %arg9[%dma_start3A_370, %dma_start3A_371, %dma_start3A_372] : memref<8x128x32xf32, #tpu.memory_space<vmem>> -> memref<1x128x32xf32, #tpu.memory_space<vmem>>
      %dma_start3A_374 = tpu.memref_squeeze %dma_start3A_373 : memref<1x128x32xf32, #tpu.memory_space<vmem>> -> memref<128x32xf32, #tpu.memory_space<vmem>>
      %dma_start3A_375 = arith.constant 0 : i32
      %dma_start3A_376 = tpu.memref_slice %arg8[%add3A_369, %dma_start3A_375] : memref<80x128xi32, #tpu.memory_space<vmem>> -> memref<1x128xi32, #tpu.memory_space<vmem>>
      %dma_start3A_377 = tpu.memref_squeeze %dma_start3A_376 : memref<1x128xi32, #tpu.memory_space<vmem>> -> memref<128xi32, #tpu.memory_space<vmem>>
      %dma_start3A_378 = arith.constant 0 : i32
      %dma_start3A_379 = arith.constant 0 : i32
      %dma_start3A_380 = tpu.memref_slice %arg10[%dma_start3A_378, %dma_start3A_379] : memref<10240x32xf32, #tpu.memory_space<vmem_shared>> -> memref<10240x32xf32, #tpu.memory_space<vmem_shared>>
      tpu.enqueue_indirect_dma source(%dma_start3A_374 : memref<128x32xf32, #tpu.memory_space<vmem>>) target(%dma_start3A_380 : memref<10240x32xf32, #tpu.memory_space<vmem_shared>>) offsets(%dma_start3A_377 : memref<128xi32, #tpu.memory_space<vmem>>) semaphore(%arg12 : memref<!tpu.dma_semaphore, #tpu.memory_space<semaphore_mem>>) {add = true}
      %add3A_381 = arith.constant 4 : i32
      %add3A_382 = arith.addi %mul3A_138, %add3A_381 : i32
      %dma_start3A_383 = arith.constant 4 : i32
      %dma_start3A_384 = arith.constant 0 : i32
      %dma_start3A_385 = arith.constant 0 : i32
      %dma_start3A_386 = tpu.memref_slice %arg9[%dma_start3A_383, %dma_start3A_384, %dma_start3A_385] : memref<8x128x32xf32, #tpu.memory_space<vmem>> -> memref<1x128x32xf32, #tpu.memory_space<vmem>>
      %dma_start3A_387 = tpu.memref_squeeze %dma_start3A_386 : memref<1x128x32xf32, #tpu.memory_space<vmem>> -> memref<128x32xf32, #tpu.memory_space<vmem>>
      %dma_start3A_388 = arith.constant 0 : i32
      %dma_start3A_389 = tpu.memref_slice %arg8[%add3A_382, %dma_start3A_388] : memref<80x128xi32, #tpu.memory_space<vmem>> -> memref<1x128xi32, #tpu.memory_space<vmem>>
      %dma_start3A_390 = tpu.memref_squeeze %dma_start3A_389 : memref<1x128xi32, #tpu.memory_space<vmem>> -> memref<128xi32, #tpu.memory_space<vmem>>
      %dma_start3A_391 = arith.constant 0 : i32
      %dma_start3A_392 = arith.constant 0 : i32
      %dma_start3A_393 = tpu.memref_slice %arg10[%dma_start3A_391, %dma_start3A_392] : memref<10240x32xf32, #tpu.memory_space<vmem_shared>> -> memref<10240x32xf32, #tpu.memory_space<vmem_shared>>
      tpu.enqueue_indirect_dma source(%dma_start3A_387 : memref<128x32xf32, #tpu.memory_space<vmem>>) target(%dma_start3A_393 : memref<10240x32xf32, #tpu.memory_space<vmem_shared>>) offsets(%dma_start3A_390 : memref<128xi32, #tpu.memory_space<vmem>>) semaphore(%arg12 : memref<!tpu.dma_semaphore, #tpu.memory_space<semaphore_mem>>) {add = true}
      %add3A_394 = arith.constant 5 : i32
      %add3A_395 = arith.addi %mul3A_138, %add3A_394 : i32
      %dma_start3A_396 = arith.constant 5 : i32
      %dma_start3A_397 = arith.constant 0 : i32
      %dma_start3A_398 = arith.constant 0 : i32
      %dma_start3A_399 = tpu.memref_slice %arg9[%dma_start3A_396, %dma_start3A_397, %dma_start3A_398] : memref<8x128x32xf32, #tpu.memory_space<vmem>> -> memref<1x128x32xf32, #tpu.memory_space<vmem>>
      %dma_start3A_400 = tpu.memref_squeeze %dma_start3A_399 : memref<1x128x32xf32, #tpu.memory_space<vmem>> -> memref<128x32xf32, #tpu.memory_space<vmem>>
      %dma_start3A_401 = arith.constant 0 : i32
      %dma_start3A_402 = tpu.memref_slice %arg8[%add3A_395, %dma_start3A_401] : memref<80x128xi32, #tpu.memory_space<vmem>> -> memref<1x128xi32, #tpu.memory_space<vmem>>
      %dma_start3A_403 = tpu.memref_squeeze %dma_start3A_402 : memref<1x128xi32, #tpu.memory_space<vmem>> -> memref<128xi32, #tpu.memory_space<vmem>>
      %dma_start3A_404 = arith.constant 0 : i32
      %dma_start3A_405 = arith.constant 0 : i32
      %dma_start3A_406 = tpu.memref_slice %arg10[%dma_start3A_404, %dma_start3A_405] : memref<10240x32xf32, #tpu.memory_space<vmem_shared>> -> memref<10240x32xf32, #tpu.memory_space<vmem_shared>>
      tpu.enqueue_indirect_dma source(%dma_start3A_400 : memref<128x32xf32, #tpu.memory_space<vmem>>) target(%dma_start3A_406 : memref<10240x32xf32, #tpu.memory_space<vmem_shared>>) offsets(%dma_start3A_403 : memref<128xi32, #tpu.memory_space<vmem>>) semaphore(%arg12 : memref<!tpu.dma_semaphore, #tpu.memory_space<semaphore_mem>>) {add = true}
      %add3A_407 = arith.constant 6 : i32
      %add3A_408 = arith.addi %mul3A_138, %add3A_407 : i32
      %dma_start3A_409 = arith.constant 6 : i32
      %dma_start3A_410 = arith.constant 0 : i32
      %dma_start3A_411 = arith.constant 0 : i32
      %dma_start3A_412 = tpu.memref_slice %arg9[%dma_start3A_409, %dma_start3A_410, %dma_start3A_411] : memref<8x128x32xf32, #tpu.memory_space<vmem>> -> memref<1x128x32xf32, #tpu.memory_space<vmem>>
      %dma_start3A_413 = tpu.memref_squeeze %dma_start3A_412 : memref<1x128x32xf32, #tpu.memory_space<vmem>> -> memref<128x32xf32, #tpu.memory_space<vmem>>
      %dma_start3A_414 = arith.constant 0 : i32
      %dma_start3A_415 = tpu.memref_slice %arg8[%add3A_408, %dma_start3A_414] : memref<80x128xi32, #tpu.memory_space<vmem>> -> memref<1x128xi32, #tpu.memory_space<vmem>>
      %dma_start3A_416 = tpu.memref_squeeze %dma_start3A_415 : memref<1x128xi32, #tpu.memory_space<vmem>> -> memref<128xi32, #tpu.memory_space<vmem>>
      %dma_start3A_417 = arith.constant 0 : i32
      %dma_start3A_418 = arith.constant 0 : i32
      %dma_start3A_419 = tpu.memref_slice %arg10[%dma_start3A_417, %dma_start3A_418] : memref<10240x32xf32, #tpu.memory_space<vmem_shared>> -> memref<10240x32xf32, #tpu.memory_space<vmem_shared>>
      tpu.enqueue_indirect_dma source(%dma_start3A_413 : memref<128x32xf32, #tpu.memory_space<vmem>>) target(%dma_start3A_419 : memref<10240x32xf32, #tpu.memory_space<vmem_shared>>) offsets(%dma_start3A_416 : memref<128xi32, #tpu.memory_space<vmem>>) semaphore(%arg12 : memref<!tpu.dma_semaphore, #tpu.memory_space<semaphore_mem>>) {add = true}
      %add3A_420 = arith.constant 7 : i32
      %add3A_421 = arith.addi %mul3A_138, %add3A_420 : i32
      %dma_start3A_422 = arith.constant 7 : i32
      %dma_start3A_423 = arith.constant 0 : i32
      %dma_start3A_424 = arith.constant 0 : i32
      %dma_start3A_425 = tpu.memref_slice %arg9[%dma_start3A_422, %dma_start3A_423, %dma_start3A_424] : memref<8x128x32xf32, #tpu.memory_space<vmem>> -> memref<1x128x32xf32, #tpu.memory_space<vmem>>
      %dma_start3A_426 = tpu.memref_squeeze %dma_start3A_425 : memref<1x128x32xf32, #tpu.memory_space<vmem>> -> memref<128x32xf32, #tpu.memory_space<vmem>>
      %dma_start3A_427 = arith.constant 0 : i32
      %dma_start3A_428 = tpu.memref_slice %arg8[%add3A_421, %dma_start3A_427] : memref<80x128xi32, #tpu.memory_space<vmem>> -> memref<1x128xi32, #tpu.memory_space<vmem>>
      %dma_start3A_429 = tpu.memref_squeeze %dma_start3A_428 : memref<1x128xi32, #tpu.memory_space<vmem>> -> memref<128xi32, #tpu.memory_space<vmem>>
      %dma_start3A_430 = arith.constant 0 : i32
      %dma_start3A_431 = arith.constant 0 : i32
      %dma_start3A_432 = tpu.memref_slice %arg10[%dma_start3A_430, %dma_start3A_431] : memref<10240x32xf32, #tpu.memory_space<vmem_shared>> -> memref<10240x32xf32, #tpu.memory_space<vmem_shared>>
      tpu.enqueue_indirect_dma source(%dma_start3A_426 : memref<128x32xf32, #tpu.memory_space<vmem>>) target(%dma_start3A_432 : memref<10240x32xf32, #tpu.memory_space<vmem_shared>>) offsets(%dma_start3A_429 : memref<128xi32, #tpu.memory_space<vmem>>) semaphore(%arg12 : memref<!tpu.dma_semaphore, #tpu.memory_space<semaphore_mem>>) {add = true}
    }
    %scan3A_9 = arith.constant 10 : i32
    %dma_wait3A = arith.constant 0 : i32
    %dma_wait3A_10 = arith.constant 0 : i32
    %dma_wait3A_11 = arith.constant 0 : i32
    %dma_wait3A_12 = tpu.memref_slice %arg9[%dma_wait3A, %dma_wait3A_10, %dma_wait3A_11] : memref<8x128x32xf32, #tpu.memory_space<vmem>> -> memref<1x128x32xf32, #tpu.memory_space<vmem>>
    %dma_wait3A_13 = tpu.memref_squeeze %dma_wait3A_12 : memref<1x128x32xf32, #tpu.memory_space<vmem>> -> memref<128x32xf32, #tpu.memory_space<vmem>>
    %dma_wait3A_14 = arith.constant 0 : i32
    %dma_wait3A_15 = arith.constant 0 : i32
    %dma_wait3A_16 = tpu.memref_slice %arg2[%dma_wait3A_14, %dma_wait3A_15] : memref<10000x32xf32, #tpu.memory_space<hbm>> -> memref<128x32xf32, #tpu.memory_space<hbm>>
    %dma_wait3A_17 = arith.constant 0 : i32
    %dma_wait3A_18 = arith.constant 0 : i32
    %dma_wait3A_19 = tpu.memref_slice %arg9[%dma_wait3A, %dma_wait3A_17, %dma_wait3A_18] : memref<8x128x32xf32, #tpu.memory_space<vmem>> -> memref<1x128x32xf32, #tpu.memory_space<vmem>>
    %dma_wait3A_20 = tpu.memref_squeeze %dma_wait3A_19 : memref<1x128x32xf32, #tpu.memory_space<vmem>> -> memref<128x32xf32, #tpu.memory_space<vmem>>
    %dma_wait3A_21 = arith.constant 0 : i32
    %dma_wait3A_22 = arith.constant 0 : i32
    %dma_wait3A_23 = tpu.memref_slice %arg2[%dma_wait3A_21, %dma_wait3A_22] : memref<10000x32xf32, #tpu.memory_space<hbm>> -> memref<128x32xf32, #tpu.memory_space<hbm>>
    tpu.wait_dma2 semaphore(%arg12 : memref<!tpu.dma_semaphore, #tpu.memory_space<semaphore_mem>>) src(%dma_wait3A_23 : memref<128x32xf32, #tpu.memory_space<hbm>>) dst(%dma_wait3A_20 : memref<128x32xf32, #tpu.memory_space<vmem>>)
    %dma_wait3A_24 = arith.constant 1 : i32
    %dma_wait3A_25 = arith.constant 0 : i32
    %dma_wait3A_26 = arith.constant 0 : i32
    %dma_wait3A_27 = tpu.memref_slice %arg9[%dma_wait3A_24, %dma_wait3A_25, %dma_wait3A_26] : memref<8x128x32xf32, #tpu.memory_space<vmem>> -> memref<1x128x32xf32, #tpu.memory_space<vmem>>
    %dma_wait3A_28 = tpu.memref_squeeze %dma_wait3A_27 : memref<1x128x32xf32, #tpu.memory_space<vmem>> -> memref<128x32xf32, #tpu.memory_space<vmem>>
    %dma_wait3A_29 = arith.constant 0 : i32
    %dma_wait3A_30 = arith.constant 0 : i32
    %dma_wait3A_31 = tpu.memref_slice %arg2[%dma_wait3A_29, %dma_wait3A_30] : memref<10000x32xf32, #tpu.memory_space<hbm>> -> memref<128x32xf32, #tpu.memory_space<hbm>>
    %dma_wait3A_32 = arith.constant 0 : i32
    %dma_wait3A_33 = arith.constant 0 : i32
    %dma_wait3A_34 = tpu.memref_slice %arg9[%dma_wait3A_24, %dma_wait3A_32, %dma_wait3A_33] : memref<8x128x32xf32, #tpu.memory_space<vmem>> -> memref<1x128x32xf32, #tpu.memory_space<vmem>>
    %dma_wait3A_35 = tpu.memref_squeeze %dma_wait3A_34 : memref<1x128x32xf32, #tpu.memory_space<vmem>> -> memref<128x32xf32, #tpu.memory_space<vmem>>
    %dma_wait3A_36 = arith.constant 0 : i32
    %dma_wait3A_37 = arith.constant 0 : i32
    %dma_wait3A_38 = tpu.memref_slice %arg2[%dma_wait3A_36, %dma_wait3A_37] : memref<10000x32xf32, #tpu.memory_space<hbm>> -> memref<128x32xf32, #tpu.memory_space<hbm>>
    tpu.wait_dma2 semaphore(%arg12 : memref<!tpu.dma_semaphore, #tpu.memory_space<semaphore_mem>>) src(%dma_wait3A_38 : memref<128x32xf32, #tpu.memory_space<hbm>>) dst(%dma_wait3A_35 : memref<128x32xf32, #tpu.memory_space<vmem>>)
    %dma_wait3A_39 = arith.constant 2 : i32
    %dma_wait3A_40 = arith.constant 0 : i32
    %dma_wait3A_41 = arith.constant 0 : i32
    %dma_wait3A_42 = tpu.memref_slice %arg9[%dma_wait3A_39, %dma_wait3A_40, %dma_wait3A_41] : memref<8x128x32xf32, #tpu.memory_space<vmem>> -> memref<1x128x32xf32, #tpu.memory_space<vmem>>
    %dma_wait3A_43 = tpu.memref_squeeze %dma_wait3A_42 : memref<1x128x32xf32, #tpu.memory_space<vmem>> -> memref<128x32xf32, #tpu.memory_space<vmem>>
    %dma_wait3A_44 = arith.constant 0 : i32
    %dma_wait3A_45 = arith.constant 0 : i32
    %dma_wait3A_46 = tpu.memref_slice %arg2[%dma_wait3A_44, %dma_wait3A_45] : memref<10000x32xf32, #tpu.memory_space<hbm>> -> memref<128x32xf32, #tpu.memory_space<hbm>>
    %dma_wait3A_47 = arith.constant 0 : i32
    %dma_wait3A_48 = arith.constant 0 : i32
    %dma_wait3A_49 = tpu.memref_slice %arg9[%dma_wait3A_39, %dma_wait3A_47, %dma_wait3A_48] : memref<8x128x32xf32, #tpu.memory_space<vmem>> -> memref<1x128x32xf32, #tpu.memory_space<vmem>>
    %dma_wait3A_50 = tpu.memref_squeeze %dma_wait3A_49 : memref<1x128x32xf32, #tpu.memory_space<vmem>> -> memref<128x32xf32, #tpu.memory_space<vmem>>
    %dma_wait3A_51 = arith.constant 0 : i32
    %dma_wait3A_52 = arith.constant 0 : i32
    %dma_wait3A_53 = tpu.memref_slice %arg2[%dma_wait3A_51, %dma_wait3A_52] : memref<10000x32xf32, #tpu.memory_space<hbm>> -> memref<128x32xf32, #tpu.memory_space<hbm>>
    tpu.wait_dma2 semaphore(%arg12 : memref<!tpu.dma_semaphore, #tpu.memory_space<semaphore_mem>>) src(%dma_wait3A_53 : memref<128x32xf32, #tpu.memory_space<hbm>>) dst(%dma_wait3A_50 : memref<128x32xf32, #tpu.memory_space<vmem>>)
    %dma_wait3A_54 = arith.constant 3 : i32
    %dma_wait3A_55 = arith.constant 0 : i32
    %dma_wait3A_56 = arith.constant 0 : i32
    %dma_wait3A_57 = tpu.memref_slice %arg9[%dma_wait3A_54, %dma_wait3A_55, %dma_wait3A_56] : memref<8x128x32xf32, #tpu.memory_space<vmem>> -> memref<1x128x32xf32, #tpu.memory_space<vmem>>
    %dma_wait3A_58 = tpu.memref_squeeze %dma_wait3A_57 : memref<1x128x32xf32, #tpu.memory_space<vmem>> -> memref<128x32xf32, #tpu.memory_space<vmem>>
    %dma_wait3A_59 = arith.constant 0 : i32
    %dma_wait3A_60 = arith.constant 0 : i32
    %dma_wait3A_61 = tpu.memref_slice %arg2[%dma_wait3A_59, %dma_wait3A_60] : memref<10000x32xf32, #tpu.memory_space<hbm>> -> memref<128x32xf32, #tpu.memory_space<hbm>>
    %dma_wait3A_62 = arith.constant 0 : i32
    %dma_wait3A_63 = arith.constant 0 : i32
    %dma_wait3A_64 = tpu.memref_slice %arg9[%dma_wait3A_54, %dma_wait3A_62, %dma_wait3A_63] : memref<8x128x32xf32, #tpu.memory_space<vmem>> -> memref<1x128x32xf32, #tpu.memory_space<vmem>>
    %dma_wait3A_65 = tpu.memref_squeeze %dma_wait3A_64 : memref<1x128x32xf32, #tpu.memory_space<vmem>> -> memref<128x32xf32, #tpu.memory_space<vmem>>
    %dma_wait3A_66 = arith.constant 0 : i32
    %dma_wait3A_67 = arith.constant 0 : i32
    %dma_wait3A_68 = tpu.memref_slice %arg2[%dma_wait3A_66, %dma_wait3A_67] : memref<10000x32xf32, #tpu.memory_space<hbm>> -> memref<128x32xf32, #tpu.memory_space<hbm>>
    tpu.wait_dma2 semaphore(%arg12 : memref<!tpu.dma_semaphore, #tpu.memory_space<semaphore_mem>>) src(%dma_wait3A_68 : memref<128x32xf32, #tpu.memory_space<hbm>>) dst(%dma_wait3A_65 : memref<128x32xf32, #tpu.memory_space<vmem>>)
    %dma_wait3A_69 = arith.constant 4 : i32
    %dma_wait3A_70 = arith.constant 0 : i32
    %dma_wait3A_71 = arith.constant 0 : i32
    %dma_wait3A_72 = tpu.memref_slice %arg9[%dma_wait3A_69, %dma_wait3A_70, %dma_wait3A_71] : memref<8x128x32xf32, #tpu.memory_space<vmem>> -> memref<1x128x32xf32, #tpu.memory_space<vmem>>
    %dma_wait3A_73 = tpu.memref_squeeze %dma_wait3A_72 : memref<1x128x32xf32, #tpu.memory_space<vmem>> -> memref<128x32xf32, #tpu.memory_space<vmem>>
    %dma_wait3A_74 = arith.constant 0 : i32
    %dma_wait3A_75 = arith.constant 0 : i32
    %dma_wait3A_76 = tpu.memref_slice %arg2[%dma_wait3A_74, %dma_wait3A_75] : memref<10000x32xf32, #tpu.memory_space<hbm>> -> memref<128x32xf32, #tpu.memory_space<hbm>>
    %dma_wait3A_77 = arith.constant 0 : i32
    %dma_wait3A_78 = arith.constant 0 : i32
    %dma_wait3A_79 = tpu.memref_slice %arg9[%dma_wait3A_69, %dma_wait3A_77, %dma_wait3A_78] : memref<8x128x32xf32, #tpu.memory_space<vmem>> -> memref<1x128x32xf32, #tpu.memory_space<vmem>>
    %dma_wait3A_80 = tpu.memref_squeeze %dma_wait3A_79 : memref<1x128x32xf32, #tpu.memory_space<vmem>> -> memref<128x32xf32, #tpu.memory_space<vmem>>
    %dma_wait3A_81 = arith.constant 0 : i32
    %dma_wait3A_82 = arith.constant 0 : i32
    %dma_wait3A_83 = tpu.memref_slice %arg2[%dma_wait3A_81, %dma_wait3A_82] : memref<10000x32xf32, #tpu.memory_space<hbm>> -> memref<128x32xf32, #tpu.memory_space<hbm>>
    tpu.wait_dma2 semaphore(%arg12 : memref<!tpu.dma_semaphore, #tpu.memory_space<semaphore_mem>>) src(%dma_wait3A_83 : memref<128x32xf32, #tpu.memory_space<hbm>>) dst(%dma_wait3A_80 : memref<128x32xf32, #tpu.memory_space<vmem>>)
    %dma_wait3A_84 = arith.constant 5 : i32
    %dma_wait3A_85 = arith.constant 0 : i32
    %dma_wait3A_86 = arith.constant 0 : i32
    %dma_wait3A_87 = tpu.memref_slice %arg9[%dma_wait3A_84, %dma_wait3A_85, %dma_wait3A_86] : memref<8x128x32xf32, #tpu.memory_space<vmem>> -> memref<1x128x32xf32, #tpu.memory_space<vmem>>
    %dma_wait3A_88 = tpu.memref_squeeze %dma_wait3A_87 : memref<1x128x32xf32, #tpu.memory_space<vmem>> -> memref<128x32xf32, #tpu.memory_space<vmem>>
    %dma_wait3A_89 = arith.constant 0 : i32
    %dma_wait3A_90 = arith.constant 0 : i32
    %dma_wait3A_91 = tpu.memref_slice %arg2[%dma_wait3A_89, %dma_wait3A_90] : memref<10000x32xf32, #tpu.memory_space<hbm>> -> memref<128x32xf32, #tpu.memory_space<hbm>>
    %dma_wait3A_92 = arith.constant 0 : i32
    %dma_wait3A_93 = arith.constant 0 : i32
    %dma_wait3A_94 = tpu.memref_slice %arg9[%dma_wait3A_84, %dma_wait3A_92, %dma_wait3A_93] : memref<8x128x32xf32, #tpu.memory_space<vmem>> -> memref<1x128x32xf32, #tpu.memory_space<vmem>>
    %dma_wait3A_95 = tpu.memref_squeeze %dma_wait3A_94 : memref<1x128x32xf32, #tpu.memory_space<vmem>> -> memref<128x32xf32, #tpu.memory_space<vmem>>
    %dma_wait3A_96 = arith.constant 0 : i32
    %dma_wait3A_97 = arith.constant 0 : i32
    %dma_wait3A_98 = tpu.memref_slice %arg2[%dma_wait3A_96, %dma_wait3A_97] : memref<10000x32xf32, #tpu.memory_space<hbm>> -> memref<128x32xf32, #tpu.memory_space<hbm>>
    tpu.wait_dma2 semaphore(%arg12 : memref<!tpu.dma_semaphore, #tpu.memory_space<semaphore_mem>>) src(%dma_wait3A_98 : memref<128x32xf32, #tpu.memory_space<hbm>>) dst(%dma_wait3A_95 : memref<128x32xf32, #tpu.memory_space<vmem>>)
    %dma_wait3A_99 = arith.constant 6 : i32
    %dma_wait3A_100 = arith.constant 0 : i32
    %dma_wait3A_101 = arith.constant 0 : i32
    %dma_wait3A_102 = tpu.memref_slice %arg9[%dma_wait3A_99, %dma_wait3A_100, %dma_wait3A_101] : memref<8x128x32xf32, #tpu.memory_space<vmem>> -> memref<1x128x32xf32, #tpu.memory_space<vmem>>
    %dma_wait3A_103 = tpu.memref_squeeze %dma_wait3A_102 : memref<1x128x32xf32, #tpu.memory_space<vmem>> -> memref<128x32xf32, #tpu.memory_space<vmem>>
    %dma_wait3A_104 = arith.constant 0 : i32
    %dma_wait3A_105 = arith.constant 0 : i32
    %dma_wait3A_106 = tpu.memref_slice %arg2[%dma_wait3A_104, %dma_wait3A_105] : memref<10000x32xf32, #tpu.memory_space<hbm>> -> memref<128x32xf32, #tpu.memory_space<hbm>>
    %dma_wait3A_107 = arith.constant 0 : i32
    %dma_wait3A_108 = arith.constant 0 : i32
    %dma_wait3A_109 = tpu.memref_slice %arg9[%dma_wait3A_99, %dma_wait3A_107, %dma_wait3A_108] : memref<8x128x32xf32, #tpu.memory_space<vmem>> -> memref<1x128x32xf32, #tpu.memory_space<vmem>>
    %dma_wait3A_110 = tpu.memref_squeeze %dma_wait3A_109 : memref<1x128x32xf32, #tpu.memory_space<vmem>> -> memref<128x32xf32, #tpu.memory_space<vmem>>
    %dma_wait3A_111 = arith.constant 0 : i32
    %dma_wait3A_112 = arith.constant 0 : i32
    %dma_wait3A_113 = tpu.memref_slice %arg2[%dma_wait3A_111, %dma_wait3A_112] : memref<10000x32xf32, #tpu.memory_space<hbm>> -> memref<128x32xf32, #tpu.memory_space<hbm>>
    tpu.wait_dma2 semaphore(%arg12 : memref<!tpu.dma_semaphore, #tpu.memory_space<semaphore_mem>>) src(%dma_wait3A_113 : memref<128x32xf32, #tpu.memory_space<hbm>>) dst(%dma_wait3A_110 : memref<128x32xf32, #tpu.memory_space<vmem>>)
    %dma_wait3A_114 = arith.constant 7 : i32
    %dma_wait3A_115 = arith.constant 0 : i32
    %dma_wait3A_116 = arith.constant 0 : i32
    %dma_wait3A_117 = tpu.memref_slice %arg9[%dma_wait3A_114, %dma_wait3A_115, %dma_wait3A_116] : memref<8x128x32xf32, #tpu.memory_space<vmem>> -> memref<1x128x32xf32, #tpu.memory_space<vmem>>
    %dma_wait3A_118 = tpu.memref_squeeze %dma_wait3A_117 : memref<1x128x32xf32, #tpu.memory_space<vmem>> -> memref<128x32xf32, #tpu.memory_space<vmem>>
    %dma_wait3A_119 = arith.constant 0 : i32
    %dma_wait3A_120 = arith.constant 0 : i32
    %dma_wait3A_121 = tpu.memref_slice %arg2[%dma_wait3A_119, %dma_wait3A_120] : memref<10000x32xf32, #tpu.memory_space<hbm>> -> memref<128x32xf32, #tpu.memory_space<hbm>>
    %dma_wait3A_122 = arith.constant 0 : i32
    %dma_wait3A_123 = arith.constant 0 : i32
    %dma_wait3A_124 = tpu.memref_slice %arg9[%dma_wait3A_114, %dma_wait3A_122, %dma_wait3A_123] : memref<8x128x32xf32, #tpu.memory_space<vmem>> -> memref<1x128x32xf32, #tpu.memory_space<vmem>>
    %dma_wait3A_125 = tpu.memref_squeeze %dma_wait3A_124 : memref<1x128x32xf32, #tpu.memory_space<vmem>> -> memref<128x32xf32, #tpu.memory_space<vmem>>
    %dma_wait3A_126 = arith.constant 0 : i32
    %dma_wait3A_127 = arith.constant 0 : i32
    %dma_wait3A_128 = tpu.memref_slice %arg2[%dma_wait3A_126, %dma_wait3A_127] : memref<10000x32xf32, #tpu.memory_space<hbm>> -> memref<128x32xf32, #tpu.memory_space<hbm>>
    tpu.wait_dma2 semaphore(%arg12 : memref<!tpu.dma_semaphore, #tpu.memory_space<semaphore_mem>>) src(%dma_wait3A_128 : memref<128x32xf32, #tpu.memory_space<hbm>>) dst(%dma_wait3A_125 : memref<128x32xf32, #tpu.memory_space<vmem>>)
    %barrier3A_129 = arith.constant 0 : index
    tpu.barrier barrier_id(%barrier3A_129)
    %mul3A_130 = arith.constant 640 : i32
    %mul3A_131 = arith.muli %arg1, %mul3A_130 : i32
    %mul3A_132 = arith.constant 640 : i32
    %mul3A_133 = arith.muli %arg1, %mul3A_132 : i32
    "tpu.region"() ({
      %run_scoped3A = tpu.sem_alloc : memref<!tpu.dma_semaphore, #tpu.memory_space<semaphore_mem>>
      %dma_start3A = arith.constant 0 : i32
      %dma_start3A_134 = tpu.memref_slice %arg6[%mul3A_133, %dma_start3A] : memref<10240x32xf32, #tpu.memory_space<hbm>> -> memref<640x32xf32, #tpu.memory_space<hbm>>
      %dma_start3A_135 = arith.constant 0 : i32
      %dma_start3A_136 = tpu.memref_slice %arg10[%mul3A_131, %dma_start3A_135] : memref<10240x32xf32, #tpu.memory_space<vmem_shared>> -> memref<640x32xf32, #tpu.memory_space<vmem_shared>>
      tpu.enqueue_dma source(%dma_start3A_136 : memref<640x32xf32, #tpu.memory_space<vmem_shared>>) target(%dma_start3A_134 : memref<640x32xf32, #tpu.memory_space<hbm>>) target_semaphore(%run_scoped3A : memref<!tpu.dma_semaphore, #tpu.memory_space<semaphore_mem>>)
      %dma_wait3A_137 = arith.constant 0 : i32
      %dma_wait3A_138 = tpu.memref_slice %arg6[%mul3A_133, %dma_wait3A_137] : memref<10240x32xf32, #tpu.memory_space<hbm>> -> memref<640x32xf32, #tpu.memory_space<hbm>>
      %dma_wait3A_139 = arith.constant 0 : i32
      %dma_wait3A_140 = tpu.memref_slice %arg10[%mul3A_131, %dma_wait3A_139] : memref<10240x32xf32, #tpu.memory_space<vmem_shared>> -> memref<640x32xf32, #tpu.memory_space<vmem_shared>>
      tpu.wait_dma2 semaphore(%run_scoped3A : memref<!tpu.dma_semaphore, #tpu.memory_space<semaphore_mem>>) src(%dma_wait3A_140 : memref<640x32xf32, #tpu.memory_space<vmem_shared>>) dst(%dma_wait3A_138 : memref<640x32xf32, #tpu.memory_space<hbm>>)
      tpu.yield
    }) : () -> ()
    return
  }
}

#map = affine_map<(d0, d1) -> (0, 0)>
module attributes {stable_mosaic.version = 14 : i64} {
  func.func @prop(%arg0: i32, %arg1: i32, %arg2: memref<10000x32xf32, #tpu.memory_space<hbm>>, %arg3: memref<1280x128xi32, #tpu.memory_space<hbm>>, %arg4: memref<1280x128xi32, #tpu.memory_space<hbm>>, %arg5: memref<640x32xf32, #tpu.memory_space<hbm>>, %arg6: memref<10240x32xf32, #tpu.memory_space<hbm>>, %arg7: memref<80x128xi32, #tpu.memory_space<vmem>>, %arg8: memref<80x128xi32, #tpu.memory_space<vmem>>, %arg9: memref<8x128x32xf32, #tpu.memory_space<vmem>>, %arg10: memref<10240x32xf32, #tpu.memory_space<vmem_shared>>, %arg11: memref<!tpu.dma_semaphore, #tpu.memory_space<semaphore_mem>>, %arg12: memref<!tpu.dma_semaphore, #tpu.memory_space<semaphore_mem>>) attributes {dimension_semantics = [#tpu.dimension_semantics<core_parallel>, #tpu.dimension_semantics<subcore_parallel>], iteration_bounds = array<i64: 1, 16>, scalar_prefetch = 0 : i64, scratch_operands = 6 : i64, tpu.core_type = #tpu.core_type<sc_vector_subcore>, window_params = [{transform_indices = #map}, {transform_indices = #map}, {transform_indices = #map}, {transform_indices = #map}, {transform_indices = #map}]} {
    %mul3A = arith.constant 640 : i32
    %mul3A_0 = arith.muli %arg1, %mul3A : i32
    "tpu.region"() ({
      %run_scoped3A = tpu.sem_alloc : memref<!tpu.dma_semaphore, #tpu.memory_space<semaphore_mem>>
      %dma_start3A = arith.constant 0 : i32
      %dma_start3A_134 = tpu.memref_slice %arg10[%mul3A_0, %dma_start3A] : memref<10240x32xf32, #tpu.memory_space<vmem_shared>> -> memref<640x32xf32, #tpu.memory_space<vmem_shared>>
      tpu.enqueue_dma source(%arg5 : memref<640x32xf32, #tpu.memory_space<hbm>>) target(%dma_start3A_134 : memref<640x32xf32, #tpu.memory_space<vmem_shared>>) target_semaphore(%run_scoped3A : memref<!tpu.dma_semaphore, #tpu.memory_space<semaphore_mem>>)
      %dma_wait3A_135 = arith.constant 0 : i32
      %dma_wait3A_136 = tpu.memref_slice %arg10[%mul3A_0, %dma_wait3A_135] : memref<10240x32xf32, #tpu.memory_space<vmem_shared>> -> memref<640x32xf32, #tpu.memory_space<vmem_shared>>
      tpu.wait_dma2 semaphore(%run_scoped3A : memref<!tpu.dma_semaphore, #tpu.memory_space<semaphore_mem>>) src(%arg5 : memref<640x32xf32, #tpu.memory_space<hbm>>) dst(%dma_wait3A_136 : memref<640x32xf32, #tpu.memory_space<vmem_shared>>)
      tpu.yield
    }) : () -> ()
    %mul3A_1 = arith.constant 80 : i32
    %mul3A_2 = arith.muli %arg1, %mul3A_1 : i32
    "tpu.region"() ({
      %run_scoped3A = tpu.sem_alloc : memref<!tpu.dma_semaphore, #tpu.memory_space<semaphore_mem>>
      %dma_start3A = arith.constant 0 : i32
      %dma_start3A_134 = tpu.memref_slice %arg3[%mul3A_2, %dma_start3A] : memref<1280x128xi32, #tpu.memory_space<hbm>> -> memref<80x128xi32, #tpu.memory_space<hbm>>
      %dma_start3A_135 = arith.constant 0 : i32
      %dma_start3A_136 = tpu.memref_slice %arg3[%mul3A_2, %dma_start3A_135] : memref<1280x128xi32, #tpu.memory_space<hbm>> -> memref<80x128xi32, #tpu.memory_space<hbm>>
      tpu.enqueue_dma source(%dma_start3A_136 : memref<80x128xi32, #tpu.memory_space<hbm>>) target(%arg7 : memref<80x128xi32, #tpu.memory_space<vmem>>) target_semaphore(%run_scoped3A : memref<!tpu.dma_semaphore, #tpu.memory_space<semaphore_mem>>)
      %dma_wait3A_137 = arith.constant 0 : i32
      %dma_wait3A_138 = tpu.memref_slice %arg3[%mul3A_2, %dma_wait3A_137] : memref<1280x128xi32, #tpu.memory_space<hbm>> -> memref<80x128xi32, #tpu.memory_space<hbm>>
      %dma_wait3A_139 = arith.constant 0 : i32
      %dma_wait3A_140 = tpu.memref_slice %arg3[%mul3A_2, %dma_wait3A_139] : memref<1280x128xi32, #tpu.memory_space<hbm>> -> memref<80x128xi32, #tpu.memory_space<hbm>>
      tpu.wait_dma2 semaphore(%run_scoped3A : memref<!tpu.dma_semaphore, #tpu.memory_space<semaphore_mem>>) src(%dma_wait3A_140 : memref<80x128xi32, #tpu.memory_space<hbm>>) dst(%arg7 : memref<80x128xi32, #tpu.memory_space<vmem>>)
      tpu.yield
    }) : () -> ()
    %mul3A_3 = arith.constant 80 : i32
    %mul3A_4 = arith.muli %arg1, %mul3A_3 : i32
    "tpu.region"() ({
      %run_scoped3A = tpu.sem_alloc : memref<!tpu.dma_semaphore, #tpu.memory_space<semaphore_mem>>
      %dma_start3A = arith.constant 0 : i32
      %dma_start3A_134 = tpu.memref_slice %arg4[%mul3A_4, %dma_start3A] : memref<1280x128xi32, #tpu.memory_space<hbm>> -> memref<80x128xi32, #tpu.memory_space<hbm>>
      %dma_start3A_135 = arith.constant 0 : i32
      %dma_start3A_136 = tpu.memref_slice %arg4[%mul3A_4, %dma_start3A_135] : memref<1280x128xi32, #tpu.memory_space<hbm>> -> memref<80x128xi32, #tpu.memory_space<hbm>>
      tpu.enqueue_dma source(%dma_start3A_136 : memref<80x128xi32, #tpu.memory_space<hbm>>) target(%arg8 : memref<80x128xi32, #tpu.memory_space<vmem>>) target_semaphore(%run_scoped3A : memref<!tpu.dma_semaphore, #tpu.memory_space<semaphore_mem>>)
      %dma_wait3A_137 = arith.constant 0 : i32
      %dma_wait3A_138 = tpu.memref_slice %arg4[%mul3A_4, %dma_wait3A_137] : memref<1280x128xi32, #tpu.memory_space<hbm>> -> memref<80x128xi32, #tpu.memory_space<hbm>>
      %dma_wait3A_139 = arith.constant 0 : i32
      %dma_wait3A_140 = tpu.memref_slice %arg4[%mul3A_4, %dma_wait3A_139] : memref<1280x128xi32, #tpu.memory_space<hbm>> -> memref<80x128xi32, #tpu.memory_space<hbm>>
      tpu.wait_dma2 semaphore(%run_scoped3A : memref<!tpu.dma_semaphore, #tpu.memory_space<semaphore_mem>>) src(%dma_wait3A_140 : memref<80x128xi32, #tpu.memory_space<hbm>>) dst(%arg8 : memref<80x128xi32, #tpu.memory_space<vmem>>)
      tpu.yield
    }) : () -> ()
    %barrier3A = arith.constant 0 : index
    tpu.barrier barrier_id(%barrier3A)
    %scan3A = arith.constant 0 : i32
    %scan3A_5 = arith.constant 0 : i32
    %scan3A_6 = arith.constant 10 : i32
    %scan3A_7 = arith.addi %scan3A_5, %scan3A_6 : i32
    %scan3A_8 = arith.constant 1 : i32
    scf.for %scan3A_134 = %scan3A_5 to %scan3A_7 step %scan3A_8  : i32 {
      %gt3A = arith.constant 0 : i32
      %gt3A_135 = arith.cmpi sgt, %scan3A_134, %gt3A : i32
      %convert_element_type3A = arith.extui %gt3A_135 : i1 to i32
      %cond3A = arith.constant 0 : i32
      %cond3A_136 = arith.cmpi ne, %convert_element_type3A, %cond3A : i32
      scf.if %cond3A_136 {
        %dma_wait3A_433 = arith.constant 0 : i32
        %dma_wait3A_434 = arith.constant 0 : i32
        %dma_wait3A_435 = arith.constant 0 : i32
        %dma_wait3A_436 = tpu.memref_slice %arg9[%dma_wait3A_433, %dma_wait3A_434, %dma_wait3A_435] : memref<8x128x32xf32, #tpu.memory_space<vmem>> -> memref<1x128x32xf32, #tpu.memory_space<vmem>>
        %dma_wait3A_437 = tpu.memref_squeeze %dma_wait3A_436 : memref<1x128x32xf32, #tpu.memory_space<vmem>> -> memref<128x32xf32, #tpu.memory_space<vmem>>
        %dma_wait3A_438 = arith.constant 0 : i32
        %dma_wait3A_439 = arith.constant 0 : i32
        %dma_wait3A_440 = tpu.memref_slice %arg2[%dma_wait3A_438, %dma_wait3A_439] : memref<10000x32xf32, #tpu.memory_space<hbm>> -> memref<128x32xf32, #tpu.memory_space<hbm>>
        %dma_wait3A_441 = arith.constant 0 : i32
        %dma_wait3A_442 = arith.constant 0 : i32
        %dma_wait3A_443 = tpu.memref_slice %arg9[%dma_wait3A_433, %dma_wait3A_441, %dma_wait3A_442] : memref<8x128x32xf32, #tpu.memory_space<vmem>> -> memref<1x128x32xf32, #tpu.memory_space<vmem>>
        %dma_wait3A_444 = tpu.memref_squeeze %dma_wait3A_443 : memref<1x128x32xf32, #tpu.memory_space<vmem>> -> memref<128x32xf32, #tpu.memory_space<vmem>>
        %dma_wait3A_445 = arith.constant 0 : i32
        %dma_wait3A_446 = arith.constant 0 : i32
        %dma_wait3A_447 = tpu.memref_slice %arg2[%dma_wait3A_445, %dma_wait3A_446] : memref<10000x32xf32, #tpu.memory_space<hbm>> -> memref<128x32xf32, #tpu.memory_space<hbm>>
        tpu.wait_dma2 semaphore(%arg12 : memref<!tpu.dma_semaphore, #tpu.memory_space<semaphore_mem>>) src(%dma_wait3A_447 : memref<128x32xf32, #tpu.memory_space<hbm>>) dst(%dma_wait3A_444 : memref<128x32xf32, #tpu.memory_space<vmem>>)
        %dma_wait3A_448 = arith.constant 1 : i32
        %dma_wait3A_449 = arith.constant 0 : i32
        %dma_wait3A_450 = arith.constant 0 : i32
        %dma_wait3A_451 = tpu.memref_slice %arg9[%dma_wait3A_448, %dma_wait3A_449, %dma_wait3A_450] : memref<8x128x32xf32, #tpu.memory_space<vmem>> -> memref<1x128x32xf32, #tpu.memory_space<vmem>>
        %dma_wait3A_452 = tpu.memref_squeeze %dma_wait3A_451 : memref<1x128x32xf32, #tpu.memory_space<vmem>> -> memref<128x32xf32, #tpu.memory_space<vmem>>
        %dma_wait3A_453 = arith.constant 0 : i32
        %dma_wait3A_454 = arith.constant 0 : i32
        %dma_wait3A_455 = tpu.memref_slice %arg2[%dma_wait3A_453, %dma_wait3A_454] : memref<10000x32xf32, #tpu.memory_space<hbm>> -> memref<128x32xf32, #tpu.memory_space<hbm>>
        %dma_wait3A_456 = arith.constant 0 : i32
        %dma_wait3A_457 = arith.constant 0 : i32
        %dma_wait3A_458 = tpu.memref_slice %arg9[%dma_wait3A_448, %dma_wait3A_456, %dma_wait3A_457] : memref<8x128x32xf32, #tpu.memory_space<vmem>> -> memref<1x128x32xf32, #tpu.memory_space<vmem>>
        %dma_wait3A_459 = tpu.memref_squeeze %dma_wait3A_458 : memref<1x128x32xf32, #tpu.memory_space<vmem>> -> memref<128x32xf32, #tpu.memory_space<vmem>>
        %dma_wait3A_460 = arith.constant 0 : i32
        %dma_wait3A_461 = arith.constant 0 : i32
        %dma_wait3A_462 = tpu.memref_slice %arg2[%dma_wait3A_460, %dma_wait3A_461] : memref<10000x32xf32, #tpu.memory_space<hbm>> -> memref<128x32xf32, #tpu.memory_space<hbm>>
        tpu.wait_dma2 semaphore(%arg12 : memref<!tpu.dma_semaphore, #tpu.memory_space<semaphore_mem>>) src(%dma_wait3A_462 : memref<128x32xf32, #tpu.memory_space<hbm>>) dst(%dma_wait3A_459 : memref<128x32xf32, #tpu.memory_space<vmem>>)
        %dma_wait3A_463 = arith.constant 2 : i32
        %dma_wait3A_464 = arith.constant 0 : i32
        %dma_wait3A_465 = arith.constant 0 : i32
        %dma_wait3A_466 = tpu.memref_slice %arg9[%dma_wait3A_463, %dma_wait3A_464, %dma_wait3A_465] : memref<8x128x32xf32, #tpu.memory_space<vmem>> -> memref<1x128x32xf32, #tpu.memory_space<vmem>>
        %dma_wait3A_467 = tpu.memref_squeeze %dma_wait3A_466 : memref<1x128x32xf32, #tpu.memory_space<vmem>> -> memref<128x32xf32, #tpu.memory_space<vmem>>
        %dma_wait3A_468 = arith.constant 0 : i32
        %dma_wait3A_469 = arith.constant 0 : i32
        %dma_wait3A_470 = tpu.memref_slice %arg2[%dma_wait3A_468, %dma_wait3A_469] : memref<10000x32xf32, #tpu.memory_space<hbm>> -> memref<128x32xf32, #tpu.memory_space<hbm>>
        %dma_wait3A_471 = arith.constant 0 : i32
        %dma_wait3A_472 = arith.constant 0 : i32
        %dma_wait3A_473 = tpu.memref_slice %arg9[%dma_wait3A_463, %dma_wait3A_471, %dma_wait3A_472] : memref<8x128x32xf32, #tpu.memory_space<vmem>> -> memref<1x128x32xf32, #tpu.memory_space<vmem>>
        %dma_wait3A_474 = tpu.memref_squeeze %dma_wait3A_473 : memref<1x128x32xf32, #tpu.memory_space<vmem>> -> memref<128x32xf32, #tpu.memory_space<vmem>>
        %dma_wait3A_475 = arith.constant 0 : i32
        %dma_wait3A_476 = arith.constant 0 : i32
        %dma_wait3A_477 = tpu.memref_slice %arg2[%dma_wait3A_475, %dma_wait3A_476] : memref<10000x32xf32, #tpu.memory_space<hbm>> -> memref<128x32xf32, #tpu.memory_space<hbm>>
        tpu.wait_dma2 semaphore(%arg12 : memref<!tpu.dma_semaphore, #tpu.memory_space<semaphore_mem>>) src(%dma_wait3A_477 : memref<128x32xf32, #tpu.memory_space<hbm>>) dst(%dma_wait3A_474 : memref<128x32xf32, #tpu.memory_space<vmem>>)
        %dma_wait3A_478 = arith.constant 3 : i32
        %dma_wait3A_479 = arith.constant 0 : i32
        %dma_wait3A_480 = arith.constant 0 : i32
        %dma_wait3A_481 = tpu.memref_slice %arg9[%dma_wait3A_478, %dma_wait3A_479, %dma_wait3A_480] : memref<8x128x32xf32, #tpu.memory_space<vmem>> -> memref<1x128x32xf32, #tpu.memory_space<vmem>>
        %dma_wait3A_482 = tpu.memref_squeeze %dma_wait3A_481 : memref<1x128x32xf32, #tpu.memory_space<vmem>> -> memref<128x32xf32, #tpu.memory_space<vmem>>
        %dma_wait3A_483 = arith.constant 0 : i32
        %dma_wait3A_484 = arith.constant 0 : i32
        %dma_wait3A_485 = tpu.memref_slice %arg2[%dma_wait3A_483, %dma_wait3A_484] : memref<10000x32xf32, #tpu.memory_space<hbm>> -> memref<128x32xf32, #tpu.memory_space<hbm>>
        %dma_wait3A_486 = arith.constant 0 : i32
        %dma_wait3A_487 = arith.constant 0 : i32
        %dma_wait3A_488 = tpu.memref_slice %arg9[%dma_wait3A_478, %dma_wait3A_486, %dma_wait3A_487] : memref<8x128x32xf32, #tpu.memory_space<vmem>> -> memref<1x128x32xf32, #tpu.memory_space<vmem>>
        %dma_wait3A_489 = tpu.memref_squeeze %dma_wait3A_488 : memref<1x128x32xf32, #tpu.memory_space<vmem>> -> memref<128x32xf32, #tpu.memory_space<vmem>>
        %dma_wait3A_490 = arith.constant 0 : i32
        %dma_wait3A_491 = arith.constant 0 : i32
        %dma_wait3A_492 = tpu.memref_slice %arg2[%dma_wait3A_490, %dma_wait3A_491] : memref<10000x32xf32, #tpu.memory_space<hbm>> -> memref<128x32xf32, #tpu.memory_space<hbm>>
        tpu.wait_dma2 semaphore(%arg12 : memref<!tpu.dma_semaphore, #tpu.memory_space<semaphore_mem>>) src(%dma_wait3A_492 : memref<128x32xf32, #tpu.memory_space<hbm>>) dst(%dma_wait3A_489 : memref<128x32xf32, #tpu.memory_space<vmem>>)
        %dma_wait3A_493 = arith.constant 4 : i32
        %dma_wait3A_494 = arith.constant 0 : i32
        %dma_wait3A_495 = arith.constant 0 : i32
        %dma_wait3A_496 = tpu.memref_slice %arg9[%dma_wait3A_493, %dma_wait3A_494, %dma_wait3A_495] : memref<8x128x32xf32, #tpu.memory_space<vmem>> -> memref<1x128x32xf32, #tpu.memory_space<vmem>>
        %dma_wait3A_497 = tpu.memref_squeeze %dma_wait3A_496 : memref<1x128x32xf32, #tpu.memory_space<vmem>> -> memref<128x32xf32, #tpu.memory_space<vmem>>
        %dma_wait3A_498 = arith.constant 0 : i32
        %dma_wait3A_499 = arith.constant 0 : i32
        %dma_wait3A_500 = tpu.memref_slice %arg2[%dma_wait3A_498, %dma_wait3A_499] : memref<10000x32xf32, #tpu.memory_space<hbm>> -> memref<128x32xf32, #tpu.memory_space<hbm>>
        %dma_wait3A_501 = arith.constant 0 : i32
        %dma_wait3A_502 = arith.constant 0 : i32
        %dma_wait3A_503 = tpu.memref_slice %arg9[%dma_wait3A_493, %dma_wait3A_501, %dma_wait3A_502] : memref<8x128x32xf32, #tpu.memory_space<vmem>> -> memref<1x128x32xf32, #tpu.memory_space<vmem>>
        %dma_wait3A_504 = tpu.memref_squeeze %dma_wait3A_503 : memref<1x128x32xf32, #tpu.memory_space<vmem>> -> memref<128x32xf32, #tpu.memory_space<vmem>>
        %dma_wait3A_505 = arith.constant 0 : i32
        %dma_wait3A_506 = arith.constant 0 : i32
        %dma_wait3A_507 = tpu.memref_slice %arg2[%dma_wait3A_505, %dma_wait3A_506] : memref<10000x32xf32, #tpu.memory_space<hbm>> -> memref<128x32xf32, #tpu.memory_space<hbm>>
        tpu.wait_dma2 semaphore(%arg12 : memref<!tpu.dma_semaphore, #tpu.memory_space<semaphore_mem>>) src(%dma_wait3A_507 : memref<128x32xf32, #tpu.memory_space<hbm>>) dst(%dma_wait3A_504 : memref<128x32xf32, #tpu.memory_space<vmem>>)
        %dma_wait3A_508 = arith.constant 5 : i32
        %dma_wait3A_509 = arith.constant 0 : i32
        %dma_wait3A_510 = arith.constant 0 : i32
        %dma_wait3A_511 = tpu.memref_slice %arg9[%dma_wait3A_508, %dma_wait3A_509, %dma_wait3A_510] : memref<8x128x32xf32, #tpu.memory_space<vmem>> -> memref<1x128x32xf32, #tpu.memory_space<vmem>>
        %dma_wait3A_512 = tpu.memref_squeeze %dma_wait3A_511 : memref<1x128x32xf32, #tpu.memory_space<vmem>> -> memref<128x32xf32, #tpu.memory_space<vmem>>
        %dma_wait3A_513 = arith.constant 0 : i32
        %dma_wait3A_514 = arith.constant 0 : i32
        %dma_wait3A_515 = tpu.memref_slice %arg2[%dma_wait3A_513, %dma_wait3A_514] : memref<10000x32xf32, #tpu.memory_space<hbm>> -> memref<128x32xf32, #tpu.memory_space<hbm>>
        %dma_wait3A_516 = arith.constant 0 : i32
        %dma_wait3A_517 = arith.constant 0 : i32
        %dma_wait3A_518 = tpu.memref_slice %arg9[%dma_wait3A_508, %dma_wait3A_516, %dma_wait3A_517] : memref<8x128x32xf32, #tpu.memory_space<vmem>> -> memref<1x128x32xf32, #tpu.memory_space<vmem>>
        %dma_wait3A_519 = tpu.memref_squeeze %dma_wait3A_518 : memref<1x128x32xf32, #tpu.memory_space<vmem>> -> memref<128x32xf32, #tpu.memory_space<vmem>>
        %dma_wait3A_520 = arith.constant 0 : i32
        %dma_wait3A_521 = arith.constant 0 : i32
        %dma_wait3A_522 = tpu.memref_slice %arg2[%dma_wait3A_520, %dma_wait3A_521] : memref<10000x32xf32, #tpu.memory_space<hbm>> -> memref<128x32xf32, #tpu.memory_space<hbm>>
        tpu.wait_dma2 semaphore(%arg12 : memref<!tpu.dma_semaphore, #tpu.memory_space<semaphore_mem>>) src(%dma_wait3A_522 : memref<128x32xf32, #tpu.memory_space<hbm>>) dst(%dma_wait3A_519 : memref<128x32xf32, #tpu.memory_space<vmem>>)
        %dma_wait3A_523 = arith.constant 6 : i32
        %dma_wait3A_524 = arith.constant 0 : i32
        %dma_wait3A_525 = arith.constant 0 : i32
        %dma_wait3A_526 = tpu.memref_slice %arg9[%dma_wait3A_523, %dma_wait3A_524, %dma_wait3A_525] : memref<8x128x32xf32, #tpu.memory_space<vmem>> -> memref<1x128x32xf32, #tpu.memory_space<vmem>>
        %dma_wait3A_527 = tpu.memref_squeeze %dma_wait3A_526 : memref<1x128x32xf32, #tpu.memory_space<vmem>> -> memref<128x32xf32, #tpu.memory_space<vmem>>
        %dma_wait3A_528 = arith.constant 0 : i32
        %dma_wait3A_529 = arith.constant 0 : i32
        %dma_wait3A_530 = tpu.memref_slice %arg2[%dma_wait3A_528, %dma_wait3A_529] : memref<10000x32xf32, #tpu.memory_space<hbm>> -> memref<128x32xf32, #tpu.memory_space<hbm>>
        %dma_wait3A_531 = arith.constant 0 : i32
        %dma_wait3A_532 = arith.constant 0 : i32
        %dma_wait3A_533 = tpu.memref_slice %arg9[%dma_wait3A_523, %dma_wait3A_531, %dma_wait3A_532] : memref<8x128x32xf32, #tpu.memory_space<vmem>> -> memref<1x128x32xf32, #tpu.memory_space<vmem>>
        %dma_wait3A_534 = tpu.memref_squeeze %dma_wait3A_533 : memref<1x128x32xf32, #tpu.memory_space<vmem>> -> memref<128x32xf32, #tpu.memory_space<vmem>>
        %dma_wait3A_535 = arith.constant 0 : i32
        %dma_wait3A_536 = arith.constant 0 : i32
        %dma_wait3A_537 = tpu.memref_slice %arg2[%dma_wait3A_535, %dma_wait3A_536] : memref<10000x32xf32, #tpu.memory_space<hbm>> -> memref<128x32xf32, #tpu.memory_space<hbm>>
        tpu.wait_dma2 semaphore(%arg12 : memref<!tpu.dma_semaphore, #tpu.memory_space<semaphore_mem>>) src(%dma_wait3A_537 : memref<128x32xf32, #tpu.memory_space<hbm>>) dst(%dma_wait3A_534 : memref<128x32xf32, #tpu.memory_space<vmem>>)
        %dma_wait3A_538 = arith.constant 7 : i32
        %dma_wait3A_539 = arith.constant 0 : i32
        %dma_wait3A_540 = arith.constant 0 : i32
        %dma_wait3A_541 = tpu.memref_slice %arg9[%dma_wait3A_538, %dma_wait3A_539, %dma_wait3A_540] : memref<8x128x32xf32, #tpu.memory_space<vmem>> -> memref<1x128x32xf32, #tpu.memory_space<vmem>>
        %dma_wait3A_542 = tpu.memref_squeeze %dma_wait3A_541 : memref<1x128x32xf32, #tpu.memory_space<vmem>> -> memref<128x32xf32, #tpu.memory_space<vmem>>
        %dma_wait3A_543 = arith.constant 0 : i32
        %dma_wait3A_544 = arith.constant 0 : i32
        %dma_wait3A_545 = tpu.memref_slice %arg2[%dma_wait3A_543, %dma_wait3A_544] : memref<10000x32xf32, #tpu.memory_space<hbm>> -> memref<128x32xf32, #tpu.memory_space<hbm>>
        %dma_wait3A_546 = arith.constant 0 : i32
        %dma_wait3A_547 = arith.constant 0 : i32
        %dma_wait3A_548 = tpu.memref_slice %arg9[%dma_wait3A_538, %dma_wait3A_546, %dma_wait3A_547] : memref<8x128x32xf32, #tpu.memory_space<vmem>> -> memref<1x128x32xf32, #tpu.memory_space<vmem>>
        %dma_wait3A_549 = tpu.memref_squeeze %dma_wait3A_548 : memref<1x128x32xf32, #tpu.memory_space<vmem>> -> memref<128x32xf32, #tpu.memory_space<vmem>>
        %dma_wait3A_550 = arith.constant 0 : i32
        %dma_wait3A_551 = arith.constant 0 : i32
        %dma_wait3A_552 = tpu.memref_slice %arg2[%dma_wait3A_550, %dma_wait3A_551] : memref<10000x32xf32, #tpu.memory_space<hbm>> -> memref<128x32xf32, #tpu.memory_space<hbm>>
        tpu.wait_dma2 semaphore(%arg12 : memref<!tpu.dma_semaphore, #tpu.memory_space<semaphore_mem>>) src(%dma_wait3A_552 : memref<128x32xf32, #tpu.memory_space<hbm>>) dst(%dma_wait3A_549 : memref<128x32xf32, #tpu.memory_space<vmem>>)
      } else {
      }
      %mul3A_137 = arith.constant 8 : i32
      %mul3A_138 = arith.muli %scan3A_134, %mul3A_137 : i32
      %add3A = arith.constant 0 : i32
      %add3A_139 = arith.addi %mul3A_138, %add3A : i32
      %dma_start3A = arith.constant 0 : i32
      %dma_start3A_140 = arith.constant 0 : i32
      %dma_start3A_141 = arith.constant 0 : i32
      %dma_start3A_142 = tpu.memref_slice %arg9[%dma_start3A, %dma_start3A_140, %dma_start3A_141] : memref<8x128x32xf32, #tpu.memory_space<vmem>> -> memref<1x128x32xf32, #tpu.memory_space<vmem>>
      %dma_start3A_143 = tpu.memref_squeeze %dma_start3A_142 : memref<1x128x32xf32, #tpu.memory_space<vmem>> -> memref<128x32xf32, #tpu.memory_space<vmem>>
      %dma_start3A_144 = arith.constant 0 : i32
      %dma_start3A_145 = tpu.memref_slice %arg7[%add3A_139, %dma_start3A_144] : memref<80x128xi32, #tpu.memory_space<vmem>> -> memref<1x128xi32, #tpu.memory_space<vmem>>
      %dma_start3A_146 = tpu.memref_squeeze %dma_start3A_145 : memref<1x128xi32, #tpu.memory_space<vmem>> -> memref<128xi32, #tpu.memory_space<vmem>>
      %dma_start3A_147 = arith.constant 0 : i32
      %dma_start3A_148 = arith.constant 0 : i32
      %dma_start3A_149 = tpu.memref_slice %arg2[%dma_start3A_147, %dma_start3A_148] : memref<10000x32xf32, #tpu.memory_space<hbm>> -> memref<10000x32xf32, #tpu.memory_space<hbm>>
      tpu.enqueue_indirect_dma source(%dma_start3A_149 : memref<10000x32xf32, #tpu.memory_space<hbm>>) target(%dma_start3A_143 : memref<128x32xf32, #tpu.memory_space<vmem>>) offsets(%dma_start3A_146 : memref<128xi32, #tpu.memory_space<vmem>>) semaphore(%arg11 : memref<!tpu.dma_semaphore, #tpu.memory_space<semaphore_mem>>)
      %add3A_150 = arith.constant 1 : i32
      %add3A_151 = arith.addi %mul3A_138, %add3A_150 : i32
      %dma_start3A_152 = arith.constant 1 : i32
      %dma_start3A_153 = arith.constant 0 : i32
      %dma_start3A_154 = arith.constant 0 : i32
      %dma_start3A_155 = tpu.memref_slice %arg9[%dma_start3A_152, %dma_start3A_153, %dma_start3A_154] : memref<8x128x32xf32, #tpu.memory_space<vmem>> -> memref<1x128x32xf32, #tpu.memory_space<vmem>>
      %dma_start3A_156 = tpu.memref_squeeze %dma_start3A_155 : memref<1x128x32xf32, #tpu.memory_space<vmem>> -> memref<128x32xf32, #tpu.memory_space<vmem>>
      %dma_start3A_157 = arith.constant 0 : i32
      %dma_start3A_158 = tpu.memref_slice %arg7[%add3A_151, %dma_start3A_157] : memref<80x128xi32, #tpu.memory_space<vmem>> -> memref<1x128xi32, #tpu.memory_space<vmem>>
      %dma_start3A_159 = tpu.memref_squeeze %dma_start3A_158 : memref<1x128xi32, #tpu.memory_space<vmem>> -> memref<128xi32, #tpu.memory_space<vmem>>
      %dma_start3A_160 = arith.constant 0 : i32
      %dma_start3A_161 = arith.constant 0 : i32
      %dma_start3A_162 = tpu.memref_slice %arg2[%dma_start3A_160, %dma_start3A_161] : memref<10000x32xf32, #tpu.memory_space<hbm>> -> memref<10000x32xf32, #tpu.memory_space<hbm>>
      tpu.enqueue_indirect_dma source(%dma_start3A_162 : memref<10000x32xf32, #tpu.memory_space<hbm>>) target(%dma_start3A_156 : memref<128x32xf32, #tpu.memory_space<vmem>>) offsets(%dma_start3A_159 : memref<128xi32, #tpu.memory_space<vmem>>) semaphore(%arg11 : memref<!tpu.dma_semaphore, #tpu.memory_space<semaphore_mem>>)
      %add3A_163 = arith.constant 2 : i32
      %add3A_164 = arith.addi %mul3A_138, %add3A_163 : i32
      %dma_start3A_165 = arith.constant 2 : i32
      %dma_start3A_166 = arith.constant 0 : i32
      %dma_start3A_167 = arith.constant 0 : i32
      %dma_start3A_168 = tpu.memref_slice %arg9[%dma_start3A_165, %dma_start3A_166, %dma_start3A_167] : memref<8x128x32xf32, #tpu.memory_space<vmem>> -> memref<1x128x32xf32, #tpu.memory_space<vmem>>
      %dma_start3A_169 = tpu.memref_squeeze %dma_start3A_168 : memref<1x128x32xf32, #tpu.memory_space<vmem>> -> memref<128x32xf32, #tpu.memory_space<vmem>>
      %dma_start3A_170 = arith.constant 0 : i32
      %dma_start3A_171 = tpu.memref_slice %arg7[%add3A_164, %dma_start3A_170] : memref<80x128xi32, #tpu.memory_space<vmem>> -> memref<1x128xi32, #tpu.memory_space<vmem>>
      %dma_start3A_172 = tpu.memref_squeeze %dma_start3A_171 : memref<1x128xi32, #tpu.memory_space<vmem>> -> memref<128xi32, #tpu.memory_space<vmem>>
      %dma_start3A_173 = arith.constant 0 : i32
      %dma_start3A_174 = arith.constant 0 : i32
      %dma_start3A_175 = tpu.memref_slice %arg2[%dma_start3A_173, %dma_start3A_174] : memref<10000x32xf32, #tpu.memory_space<hbm>> -> memref<10000x32xf32, #tpu.memory_space<hbm>>
      tpu.enqueue_indirect_dma source(%dma_start3A_175 : memref<10000x32xf32, #tpu.memory_space<hbm>>) target(%dma_start3A_169 : memref<128x32xf32, #tpu.memory_space<vmem>>) offsets(%dma_start3A_172 : memref<128xi32, #tpu.memory_space<vmem>>) semaphore(%arg11 : memref<!tpu.dma_semaphore, #tpu.memory_space<semaphore_mem>>)
      %add3A_176 = arith.constant 3 : i32
      %add3A_177 = arith.addi %mul3A_138, %add3A_176 : i32
      %dma_start3A_178 = arith.constant 3 : i32
      %dma_start3A_179 = arith.constant 0 : i32
      %dma_start3A_180 = arith.constant 0 : i32
      %dma_start3A_181 = tpu.memref_slice %arg9[%dma_start3A_178, %dma_start3A_179, %dma_start3A_180] : memref<8x128x32xf32, #tpu.memory_space<vmem>> -> memref<1x128x32xf32, #tpu.memory_space<vmem>>
      %dma_start3A_182 = tpu.memref_squeeze %dma_start3A_181 : memref<1x128x32xf32, #tpu.memory_space<vmem>> -> memref<128x32xf32, #tpu.memory_space<vmem>>
      %dma_start3A_183 = arith.constant 0 : i32
      %dma_start3A_184 = tpu.memref_slice %arg7[%add3A_177, %dma_start3A_183] : memref<80x128xi32, #tpu.memory_space<vmem>> -> memref<1x128xi32, #tpu.memory_space<vmem>>
      %dma_start3A_185 = tpu.memref_squeeze %dma_start3A_184 : memref<1x128xi32, #tpu.memory_space<vmem>> -> memref<128xi32, #tpu.memory_space<vmem>>
      %dma_start3A_186 = arith.constant 0 : i32
      %dma_start3A_187 = arith.constant 0 : i32
      %dma_start3A_188 = tpu.memref_slice %arg2[%dma_start3A_186, %dma_start3A_187] : memref<10000x32xf32, #tpu.memory_space<hbm>> -> memref<10000x32xf32, #tpu.memory_space<hbm>>
      tpu.enqueue_indirect_dma source(%dma_start3A_188 : memref<10000x32xf32, #tpu.memory_space<hbm>>) target(%dma_start3A_182 : memref<128x32xf32, #tpu.memory_space<vmem>>) offsets(%dma_start3A_185 : memref<128xi32, #tpu.memory_space<vmem>>) semaphore(%arg11 : memref<!tpu.dma_semaphore, #tpu.memory_space<semaphore_mem>>)
      %add3A_189 = arith.constant 4 : i32
      %add3A_190 = arith.addi %mul3A_138, %add3A_189 : i32
      %dma_start3A_191 = arith.constant 4 : i32
      %dma_start3A_192 = arith.constant 0 : i32
      %dma_start3A_193 = arith.constant 0 : i32
      %dma_start3A_194 = tpu.memref_slice %arg9[%dma_start3A_191, %dma_start3A_192, %dma_start3A_193] : memref<8x128x32xf32, #tpu.memory_space<vmem>> -> memref<1x128x32xf32, #tpu.memory_space<vmem>>
      %dma_start3A_195 = tpu.memref_squeeze %dma_start3A_194 : memref<1x128x32xf32, #tpu.memory_space<vmem>> -> memref<128x32xf32, #tpu.memory_space<vmem>>
      %dma_start3A_196 = arith.constant 0 : i32
      %dma_start3A_197 = tpu.memref_slice %arg7[%add3A_190, %dma_start3A_196] : memref<80x128xi32, #tpu.memory_space<vmem>> -> memref<1x128xi32, #tpu.memory_space<vmem>>
      %dma_start3A_198 = tpu.memref_squeeze %dma_start3A_197 : memref<1x128xi32, #tpu.memory_space<vmem>> -> memref<128xi32, #tpu.memory_space<vmem>>
      %dma_start3A_199 = arith.constant 0 : i32
      %dma_start3A_200 = arith.constant 0 : i32
      %dma_start3A_201 = tpu.memref_slice %arg2[%dma_start3A_199, %dma_start3A_200] : memref<10000x32xf32, #tpu.memory_space<hbm>> -> memref<10000x32xf32, #tpu.memory_space<hbm>>
      tpu.enqueue_indirect_dma source(%dma_start3A_201 : memref<10000x32xf32, #tpu.memory_space<hbm>>) target(%dma_start3A_195 : memref<128x32xf32, #tpu.memory_space<vmem>>) offsets(%dma_start3A_198 : memref<128xi32, #tpu.memory_space<vmem>>) semaphore(%arg11 : memref<!tpu.dma_semaphore, #tpu.memory_space<semaphore_mem>>)
      %add3A_202 = arith.constant 5 : i32
      %add3A_203 = arith.addi %mul3A_138, %add3A_202 : i32
      %dma_start3A_204 = arith.constant 5 : i32
      %dma_start3A_205 = arith.constant 0 : i32
      %dma_start3A_206 = arith.constant 0 : i32
      %dma_start3A_207 = tpu.memref_slice %arg9[%dma_start3A_204, %dma_start3A_205, %dma_start3A_206] : memref<8x128x32xf32, #tpu.memory_space<vmem>> -> memref<1x128x32xf32, #tpu.memory_space<vmem>>
      %dma_start3A_208 = tpu.memref_squeeze %dma_start3A_207 : memref<1x128x32xf32, #tpu.memory_space<vmem>> -> memref<128x32xf32, #tpu.memory_space<vmem>>
      %dma_start3A_209 = arith.constant 0 : i32
      %dma_start3A_210 = tpu.memref_slice %arg7[%add3A_203, %dma_start3A_209] : memref<80x128xi32, #tpu.memory_space<vmem>> -> memref<1x128xi32, #tpu.memory_space<vmem>>
      %dma_start3A_211 = tpu.memref_squeeze %dma_start3A_210 : memref<1x128xi32, #tpu.memory_space<vmem>> -> memref<128xi32, #tpu.memory_space<vmem>>
      %dma_start3A_212 = arith.constant 0 : i32
      %dma_start3A_213 = arith.constant 0 : i32
      %dma_start3A_214 = tpu.memref_slice %arg2[%dma_start3A_212, %dma_start3A_213] : memref<10000x32xf32, #tpu.memory_space<hbm>> -> memref<10000x32xf32, #tpu.memory_space<hbm>>
      tpu.enqueue_indirect_dma source(%dma_start3A_214 : memref<10000x32xf32, #tpu.memory_space<hbm>>) target(%dma_start3A_208 : memref<128x32xf32, #tpu.memory_space<vmem>>) offsets(%dma_start3A_211 : memref<128xi32, #tpu.memory_space<vmem>>) semaphore(%arg11 : memref<!tpu.dma_semaphore, #tpu.memory_space<semaphore_mem>>)
      %add3A_215 = arith.constant 6 : i32
      %add3A_216 = arith.addi %mul3A_138, %add3A_215 : i32
      %dma_start3A_217 = arith.constant 6 : i32
      %dma_start3A_218 = arith.constant 0 : i32
      %dma_start3A_219 = arith.constant 0 : i32
      %dma_start3A_220 = tpu.memref_slice %arg9[%dma_start3A_217, %dma_start3A_218, %dma_start3A_219] : memref<8x128x32xf32, #tpu.memory_space<vmem>> -> memref<1x128x32xf32, #tpu.memory_space<vmem>>
      %dma_start3A_221 = tpu.memref_squeeze %dma_start3A_220 : memref<1x128x32xf32, #tpu.memory_space<vmem>> -> memref<128x32xf32, #tpu.memory_space<vmem>>
      %dma_start3A_222 = arith.constant 0 : i32
      %dma_start3A_223 = tpu.memref_slice %arg7[%add3A_216, %dma_start3A_222] : memref<80x128xi32, #tpu.memory_space<vmem>> -> memref<1x128xi32, #tpu.memory_space<vmem>>
      %dma_start3A_224 = tpu.memref_squeeze %dma_start3A_223 : memref<1x128xi32, #tpu.memory_space<vmem>> -> memref<128xi32, #tpu.memory_space<vmem>>
      %dma_start3A_225 = arith.constant 0 : i32
      %dma_start3A_226 = arith.constant 0 : i32
      %dma_start3A_227 = tpu.memref_slice %arg2[%dma_start3A_225, %dma_start3A_226] : memref<10000x32xf32, #tpu.memory_space<hbm>> -> memref<10000x32xf32, #tpu.memory_space<hbm>>
      tpu.enqueue_indirect_dma source(%dma_start3A_227 : memref<10000x32xf32, #tpu.memory_space<hbm>>) target(%dma_start3A_221 : memref<128x32xf32, #tpu.memory_space<vmem>>) offsets(%dma_start3A_224 : memref<128xi32, #tpu.memory_space<vmem>>) semaphore(%arg11 : memref<!tpu.dma_semaphore, #tpu.memory_space<semaphore_mem>>)
      %add3A_228 = arith.constant 7 : i32
      %add3A_229 = arith.addi %mul3A_138, %add3A_228 : i32
      %dma_start3A_230 = arith.constant 7 : i32
      %dma_start3A_231 = arith.constant 0 : i32
      %dma_start3A_232 = arith.constant 0 : i32
      %dma_start3A_233 = tpu.memref_slice %arg9[%dma_start3A_230, %dma_start3A_231, %dma_start3A_232] : memref<8x128x32xf32, #tpu.memory_space<vmem>> -> memref<1x128x32xf32, #tpu.memory_space<vmem>>
      %dma_start3A_234 = tpu.memref_squeeze %dma_start3A_233 : memref<1x128x32xf32, #tpu.memory_space<vmem>> -> memref<128x32xf32, #tpu.memory_space<vmem>>
      %dma_start3A_235 = arith.constant 0 : i32
      %dma_start3A_236 = tpu.memref_slice %arg7[%add3A_229, %dma_start3A_235] : memref<80x128xi32, #tpu.memory_space<vmem>> -> memref<1x128xi32, #tpu.memory_space<vmem>>
      %dma_start3A_237 = tpu.memref_squeeze %dma_start3A_236 : memref<1x128xi32, #tpu.memory_space<vmem>> -> memref<128xi32, #tpu.memory_space<vmem>>
      %dma_start3A_238 = arith.constant 0 : i32
      %dma_start3A_239 = arith.constant 0 : i32
      %dma_start3A_240 = tpu.memref_slice %arg2[%dma_start3A_238, %dma_start3A_239] : memref<10000x32xf32, #tpu.memory_space<hbm>> -> memref<10000x32xf32, #tpu.memory_space<hbm>>
      tpu.enqueue_indirect_dma source(%dma_start3A_240 : memref<10000x32xf32, #tpu.memory_space<hbm>>) target(%dma_start3A_234 : memref<128x32xf32, #tpu.memory_space<vmem>>) offsets(%dma_start3A_237 : memref<128xi32, #tpu.memory_space<vmem>>) semaphore(%arg11 : memref<!tpu.dma_semaphore, #tpu.memory_space<semaphore_mem>>)
      %dma_wait3A_241 = arith.constant 0 : i32
      %dma_wait3A_242 = arith.constant 0 : i32
      %dma_wait3A_243 = arith.constant 0 : i32
      %dma_wait3A_244 = tpu.memref_slice %arg9[%dma_wait3A_241, %dma_wait3A_242, %dma_wait3A_243] : memref<8x128x32xf32, #tpu.memory_space<vmem>> -> memref<1x128x32xf32, #tpu.memory_space<vmem>>
      %dma_wait3A_245 = tpu.memref_squeeze %dma_wait3A_244 : memref<1x128x32xf32, #tpu.memory_space<vmem>> -> memref<128x32xf32, #tpu.memory_space<vmem>>
      %dma_wait3A_246 = arith.constant 0 : i32
      %dma_wait3A_247 = tpu.memref_slice %arg7[%add3A_139, %dma_wait3A_246] : memref<80x128xi32, #tpu.memory_space<vmem>> -> memref<1x128xi32, #tpu.memory_space<vmem>>
      %dma_wait3A_248 = tpu.memref_squeeze %dma_wait3A_247 : memref<1x128xi32, #tpu.memory_space<vmem>> -> memref<128xi32, #tpu.memory_space<vmem>>
      %dma_wait3A_249 = arith.constant 0 : i32
      %dma_wait3A_250 = arith.constant 0 : i32
      %dma_wait3A_251 = tpu.memref_slice %arg2[%dma_wait3A_249, %dma_wait3A_250] : memref<10000x32xf32, #tpu.memory_space<hbm>> -> memref<10000x32xf32, #tpu.memory_space<hbm>>
      tpu.wait_indirect_dma semaphore(%arg11 : memref<!tpu.dma_semaphore, #tpu.memory_space<semaphore_mem>>) src(%dma_wait3A_251 : memref<10000x32xf32, #tpu.memory_space<hbm>>) dst(%dma_wait3A_245 : memref<128x32xf32, #tpu.memory_space<vmem>>)
      %dma_wait3A_252 = arith.constant 1 : i32
      %dma_wait3A_253 = arith.constant 0 : i32
      %dma_wait3A_254 = arith.constant 0 : i32
      %dma_wait3A_255 = tpu.memref_slice %arg9[%dma_wait3A_252, %dma_wait3A_253, %dma_wait3A_254] : memref<8x128x32xf32, #tpu.memory_space<vmem>> -> memref<1x128x32xf32, #tpu.memory_space<vmem>>
      %dma_wait3A_256 = tpu.memref_squeeze %dma_wait3A_255 : memref<1x128x32xf32, #tpu.memory_space<vmem>> -> memref<128x32xf32, #tpu.memory_space<vmem>>
      %dma_wait3A_257 = arith.constant 0 : i32
      %dma_wait3A_258 = tpu.memref_slice %arg7[%add3A_151, %dma_wait3A_257] : memref<80x128xi32, #tpu.memory_space<vmem>> -> memref<1x128xi32, #tpu.memory_space<vmem>>
      %dma_wait3A_259 = tpu.memref_squeeze %dma_wait3A_258 : memref<1x128xi32, #tpu.memory_space<vmem>> -> memref<128xi32, #tpu.memory_space<vmem>>
      %dma_wait3A_260 = arith.constant 0 : i32
      %dma_wait3A_261 = arith.constant 0 : i32
      %dma_wait3A_262 = tpu.memref_slice %arg2[%dma_wait3A_260, %dma_wait3A_261] : memref<10000x32xf32, #tpu.memory_space<hbm>> -> memref<10000x32xf32, #tpu.memory_space<hbm>>
      tpu.wait_indirect_dma semaphore(%arg11 : memref<!tpu.dma_semaphore, #tpu.memory_space<semaphore_mem>>) src(%dma_wait3A_262 : memref<10000x32xf32, #tpu.memory_space<hbm>>) dst(%dma_wait3A_256 : memref<128x32xf32, #tpu.memory_space<vmem>>)
      %dma_wait3A_263 = arith.constant 2 : i32
      %dma_wait3A_264 = arith.constant 0 : i32
      %dma_wait3A_265 = arith.constant 0 : i32
      %dma_wait3A_266 = tpu.memref_slice %arg9[%dma_wait3A_263, %dma_wait3A_264, %dma_wait3A_265] : memref<8x128x32xf32, #tpu.memory_space<vmem>> -> memref<1x128x32xf32, #tpu.memory_space<vmem>>
      %dma_wait3A_267 = tpu.memref_squeeze %dma_wait3A_266 : memref<1x128x32xf32, #tpu.memory_space<vmem>> -> memref<128x32xf32, #tpu.memory_space<vmem>>
      %dma_wait3A_268 = arith.constant 0 : i32
      %dma_wait3A_269 = tpu.memref_slice %arg7[%add3A_164, %dma_wait3A_268] : memref<80x128xi32, #tpu.memory_space<vmem>> -> memref<1x128xi32, #tpu.memory_space<vmem>>
      %dma_wait3A_270 = tpu.memref_squeeze %dma_wait3A_269 : memref<1x128xi32, #tpu.memory_space<vmem>> -> memref<128xi32, #tpu.memory_space<vmem>>
      %dma_wait3A_271 = arith.constant 0 : i32
      %dma_wait3A_272 = arith.constant 0 : i32
      %dma_wait3A_273 = tpu.memref_slice %arg2[%dma_wait3A_271, %dma_wait3A_272] : memref<10000x32xf32, #tpu.memory_space<hbm>> -> memref<10000x32xf32, #tpu.memory_space<hbm>>
      tpu.wait_indirect_dma semaphore(%arg11 : memref<!tpu.dma_semaphore, #tpu.memory_space<semaphore_mem>>) src(%dma_wait3A_273 : memref<10000x32xf32, #tpu.memory_space<hbm>>) dst(%dma_wait3A_267 : memref<128x32xf32, #tpu.memory_space<vmem>>)
      %dma_wait3A_274 = arith.constant 3 : i32
      %dma_wait3A_275 = arith.constant 0 : i32
      %dma_wait3A_276 = arith.constant 0 : i32
      %dma_wait3A_277 = tpu.memref_slice %arg9[%dma_wait3A_274, %dma_wait3A_275, %dma_wait3A_276] : memref<8x128x32xf32, #tpu.memory_space<vmem>> -> memref<1x128x32xf32, #tpu.memory_space<vmem>>
      %dma_wait3A_278 = tpu.memref_squeeze %dma_wait3A_277 : memref<1x128x32xf32, #tpu.memory_space<vmem>> -> memref<128x32xf32, #tpu.memory_space<vmem>>
      %dma_wait3A_279 = arith.constant 0 : i32
      %dma_wait3A_280 = tpu.memref_slice %arg7[%add3A_177, %dma_wait3A_279] : memref<80x128xi32, #tpu.memory_space<vmem>> -> memref<1x128xi32, #tpu.memory_space<vmem>>
      %dma_wait3A_281 = tpu.memref_squeeze %dma_wait3A_280 : memref<1x128xi32, #tpu.memory_space<vmem>> -> memref<128xi32, #tpu.memory_space<vmem>>
      %dma_wait3A_282 = arith.constant 0 : i32
      %dma_wait3A_283 = arith.constant 0 : i32
      %dma_wait3A_284 = tpu.memref_slice %arg2[%dma_wait3A_282, %dma_wait3A_283] : memref<10000x32xf32, #tpu.memory_space<hbm>> -> memref<10000x32xf32, #tpu.memory_space<hbm>>
      tpu.wait_indirect_dma semaphore(%arg11 : memref<!tpu.dma_semaphore, #tpu.memory_space<semaphore_mem>>) src(%dma_wait3A_284 : memref<10000x32xf32, #tpu.memory_space<hbm>>) dst(%dma_wait3A_278 : memref<128x32xf32, #tpu.memory_space<vmem>>)
      %dma_wait3A_285 = arith.constant 4 : i32
      %dma_wait3A_286 = arith.constant 0 : i32
      %dma_wait3A_287 = arith.constant 0 : i32
      %dma_wait3A_288 = tpu.memref_slice %arg9[%dma_wait3A_285, %dma_wait3A_286, %dma_wait3A_287] : memref<8x128x32xf32, #tpu.memory_space<vmem>> -> memref<1x128x32xf32, #tpu.memory_space<vmem>>
      %dma_wait3A_289 = tpu.memref_squeeze %dma_wait3A_288 : memref<1x128x32xf32, #tpu.memory_space<vmem>> -> memref<128x32xf32, #tpu.memory_space<vmem>>
      %dma_wait3A_290 = arith.constant 0 : i32
      %dma_wait3A_291 = tpu.memref_slice %arg7[%add3A_190, %dma_wait3A_290] : memref<80x128xi32, #tpu.memory_space<vmem>> -> memref<1x128xi32, #tpu.memory_space<vmem>>
      %dma_wait3A_292 = tpu.memref_squeeze %dma_wait3A_291 : memref<1x128xi32, #tpu.memory_space<vmem>> -> memref<128xi32, #tpu.memory_space<vmem>>
      %dma_wait3A_293 = arith.constant 0 : i32
      %dma_wait3A_294 = arith.constant 0 : i32
      %dma_wait3A_295 = tpu.memref_slice %arg2[%dma_wait3A_293, %dma_wait3A_294] : memref<10000x32xf32, #tpu.memory_space<hbm>> -> memref<10000x32xf32, #tpu.memory_space<hbm>>
      tpu.wait_indirect_dma semaphore(%arg11 : memref<!tpu.dma_semaphore, #tpu.memory_space<semaphore_mem>>) src(%dma_wait3A_295 : memref<10000x32xf32, #tpu.memory_space<hbm>>) dst(%dma_wait3A_289 : memref<128x32xf32, #tpu.memory_space<vmem>>)
      %dma_wait3A_296 = arith.constant 5 : i32
      %dma_wait3A_297 = arith.constant 0 : i32
      %dma_wait3A_298 = arith.constant 0 : i32
      %dma_wait3A_299 = tpu.memref_slice %arg9[%dma_wait3A_296, %dma_wait3A_297, %dma_wait3A_298] : memref<8x128x32xf32, #tpu.memory_space<vmem>> -> memref<1x128x32xf32, #tpu.memory_space<vmem>>
      %dma_wait3A_300 = tpu.memref_squeeze %dma_wait3A_299 : memref<1x128x32xf32, #tpu.memory_space<vmem>> -> memref<128x32xf32, #tpu.memory_space<vmem>>
      %dma_wait3A_301 = arith.constant 0 : i32
      %dma_wait3A_302 = tpu.memref_slice %arg7[%add3A_203, %dma_wait3A_301] : memref<80x128xi32, #tpu.memory_space<vmem>> -> memref<1x128xi32, #tpu.memory_space<vmem>>
      %dma_wait3A_303 = tpu.memref_squeeze %dma_wait3A_302 : memref<1x128xi32, #tpu.memory_space<vmem>> -> memref<128xi32, #tpu.memory_space<vmem>>
      %dma_wait3A_304 = arith.constant 0 : i32
      %dma_wait3A_305 = arith.constant 0 : i32
      %dma_wait3A_306 = tpu.memref_slice %arg2[%dma_wait3A_304, %dma_wait3A_305] : memref<10000x32xf32, #tpu.memory_space<hbm>> -> memref<10000x32xf32, #tpu.memory_space<hbm>>
      tpu.wait_indirect_dma semaphore(%arg11 : memref<!tpu.dma_semaphore, #tpu.memory_space<semaphore_mem>>) src(%dma_wait3A_306 : memref<10000x32xf32, #tpu.memory_space<hbm>>) dst(%dma_wait3A_300 : memref<128x32xf32, #tpu.memory_space<vmem>>)
      %dma_wait3A_307 = arith.constant 6 : i32
      %dma_wait3A_308 = arith.constant 0 : i32
      %dma_wait3A_309 = arith.constant 0 : i32
      %dma_wait3A_310 = tpu.memref_slice %arg9[%dma_wait3A_307, %dma_wait3A_308, %dma_wait3A_309] : memref<8x128x32xf32, #tpu.memory_space<vmem>> -> memref<1x128x32xf32, #tpu.memory_space<vmem>>
      %dma_wait3A_311 = tpu.memref_squeeze %dma_wait3A_310 : memref<1x128x32xf32, #tpu.memory_space<vmem>> -> memref<128x32xf32, #tpu.memory_space<vmem>>
      %dma_wait3A_312 = arith.constant 0 : i32
      %dma_wait3A_313 = tpu.memref_slice %arg7[%add3A_216, %dma_wait3A_312] : memref<80x128xi32, #tpu.memory_space<vmem>> -> memref<1x128xi32, #tpu.memory_space<vmem>>
      %dma_wait3A_314 = tpu.memref_squeeze %dma_wait3A_313 : memref<1x128xi32, #tpu.memory_space<vmem>> -> memref<128xi32, #tpu.memory_space<vmem>>
      %dma_wait3A_315 = arith.constant 0 : i32
      %dma_wait3A_316 = arith.constant 0 : i32
      %dma_wait3A_317 = tpu.memref_slice %arg2[%dma_wait3A_315, %dma_wait3A_316] : memref<10000x32xf32, #tpu.memory_space<hbm>> -> memref<10000x32xf32, #tpu.memory_space<hbm>>
      tpu.wait_indirect_dma semaphore(%arg11 : memref<!tpu.dma_semaphore, #tpu.memory_space<semaphore_mem>>) src(%dma_wait3A_317 : memref<10000x32xf32, #tpu.memory_space<hbm>>) dst(%dma_wait3A_311 : memref<128x32xf32, #tpu.memory_space<vmem>>)
      %dma_wait3A_318 = arith.constant 7 : i32
      %dma_wait3A_319 = arith.constant 0 : i32
      %dma_wait3A_320 = arith.constant 0 : i32
      %dma_wait3A_321 = tpu.memref_slice %arg9[%dma_wait3A_318, %dma_wait3A_319, %dma_wait3A_320] : memref<8x128x32xf32, #tpu.memory_space<vmem>> -> memref<1x128x32xf32, #tpu.memory_space<vmem>>
      %dma_wait3A_322 = tpu.memref_squeeze %dma_wait3A_321 : memref<1x128x32xf32, #tpu.memory_space<vmem>> -> memref<128x32xf32, #tpu.memory_space<vmem>>
      %dma_wait3A_323 = arith.constant 0 : i32
      %dma_wait3A_324 = tpu.memref_slice %arg7[%add3A_229, %dma_wait3A_323] : memref<80x128xi32, #tpu.memory_space<vmem>> -> memref<1x128xi32, #tpu.memory_space<vmem>>
      %dma_wait3A_325 = tpu.memref_squeeze %dma_wait3A_324 : memref<1x128xi32, #tpu.memory_space<vmem>> -> memref<128xi32, #tpu.memory_space<vmem>>
      %dma_wait3A_326 = arith.constant 0 : i32
      %dma_wait3A_327 = arith.constant 0 : i32
      %dma_wait3A_328 = tpu.memref_slice %arg2[%dma_wait3A_326, %dma_wait3A_327] : memref<10000x32xf32, #tpu.memory_space<hbm>> -> memref<10000x32xf32, #tpu.memory_space<hbm>>
      tpu.wait_indirect_dma semaphore(%arg11 : memref<!tpu.dma_semaphore, #tpu.memory_space<semaphore_mem>>) src(%dma_wait3A_328 : memref<10000x32xf32, #tpu.memory_space<hbm>>) dst(%dma_wait3A_322 : memref<128x32xf32, #tpu.memory_space<vmem>>)
      %add3A_329 = arith.constant 0 : i32
      %add3A_330 = arith.addi %mul3A_138, %add3A_329 : i32
      %dma_start3A_331 = arith.constant 0 : i32
      %dma_start3A_332 = arith.constant 0 : i32
      %dma_start3A_333 = arith.constant 0 : i32
      %dma_start3A_334 = tpu.memref_slice %arg9[%dma_start3A_331, %dma_start3A_332, %dma_start3A_333] : memref<8x128x32xf32, #tpu.memory_space<vmem>> -> memref<1x128x32xf32, #tpu.memory_space<vmem>>
      %dma_start3A_335 = tpu.memref_squeeze %dma_start3A_334 : memref<1x128x32xf32, #tpu.memory_space<vmem>> -> memref<128x32xf32, #tpu.memory_space<vmem>>
      %dma_start3A_336 = arith.constant 0 : i32
      %dma_start3A_337 = tpu.memref_slice %arg8[%add3A_330, %dma_start3A_336] : memref<80x128xi32, #tpu.memory_space<vmem>> -> memref<1x128xi32, #tpu.memory_space<vmem>>
      %dma_start3A_338 = tpu.memref_squeeze %dma_start3A_337 : memref<1x128xi32, #tpu.memory_space<vmem>> -> memref<128xi32, #tpu.memory_space<vmem>>
      %dma_start3A_339 = arith.constant 0 : i32
      %dma_start3A_340 = arith.constant 0 : i32
      %dma_start3A_341 = tpu.memref_slice %arg10[%dma_start3A_339, %dma_start3A_340] : memref<10240x32xf32, #tpu.memory_space<vmem_shared>> -> memref<10240x32xf32, #tpu.memory_space<vmem_shared>>
      tpu.enqueue_indirect_dma source(%dma_start3A_335 : memref<128x32xf32, #tpu.memory_space<vmem>>) target(%dma_start3A_341 : memref<10240x32xf32, #tpu.memory_space<vmem_shared>>) offsets(%dma_start3A_338 : memref<128xi32, #tpu.memory_space<vmem>>) semaphore(%arg12 : memref<!tpu.dma_semaphore, #tpu.memory_space<semaphore_mem>>) {add = true}
      %add3A_342 = arith.constant 1 : i32
      %add3A_343 = arith.addi %mul3A_138, %add3A_342 : i32
      %dma_start3A_344 = arith.constant 1 : i32
      %dma_start3A_345 = arith.constant 0 : i32
      %dma_start3A_346 = arith.constant 0 : i32
      %dma_start3A_347 = tpu.memref_slice %arg9[%dma_start3A_344, %dma_start3A_345, %dma_start3A_346] : memref<8x128x32xf32, #tpu.memory_space<vmem>> -> memref<1x128x32xf32, #tpu.memory_space<vmem>>
      %dma_start3A_348 = tpu.memref_squeeze %dma_start3A_347 : memref<1x128x32xf32, #tpu.memory_space<vmem>> -> memref<128x32xf32, #tpu.memory_space<vmem>>
      %dma_start3A_349 = arith.constant 0 : i32
      %dma_start3A_350 = tpu.memref_slice %arg8[%add3A_343, %dma_start3A_349] : memref<80x128xi32, #tpu.memory_space<vmem>> -> memref<1x128xi32, #tpu.memory_space<vmem>>
      %dma_start3A_351 = tpu.memref_squeeze %dma_start3A_350 : memref<1x128xi32, #tpu.memory_space<vmem>> -> memref<128xi32, #tpu.memory_space<vmem>>
      %dma_start3A_352 = arith.constant 0 : i32
      %dma_start3A_353 = arith.constant 0 : i32
      %dma_start3A_354 = tpu.memref_slice %arg10[%dma_start3A_352, %dma_start3A_353] : memref<10240x32xf32, #tpu.memory_space<vmem_shared>> -> memref<10240x32xf32, #tpu.memory_space<vmem_shared>>
      tpu.enqueue_indirect_dma source(%dma_start3A_348 : memref<128x32xf32, #tpu.memory_space<vmem>>) target(%dma_start3A_354 : memref<10240x32xf32, #tpu.memory_space<vmem_shared>>) offsets(%dma_start3A_351 : memref<128xi32, #tpu.memory_space<vmem>>) semaphore(%arg12 : memref<!tpu.dma_semaphore, #tpu.memory_space<semaphore_mem>>) {add = true}
      %add3A_355 = arith.constant 2 : i32
      %add3A_356 = arith.addi %mul3A_138, %add3A_355 : i32
      %dma_start3A_357 = arith.constant 2 : i32
      %dma_start3A_358 = arith.constant 0 : i32
      %dma_start3A_359 = arith.constant 0 : i32
      %dma_start3A_360 = tpu.memref_slice %arg9[%dma_start3A_357, %dma_start3A_358, %dma_start3A_359] : memref<8x128x32xf32, #tpu.memory_space<vmem>> -> memref<1x128x32xf32, #tpu.memory_space<vmem>>
      %dma_start3A_361 = tpu.memref_squeeze %dma_start3A_360 : memref<1x128x32xf32, #tpu.memory_space<vmem>> -> memref<128x32xf32, #tpu.memory_space<vmem>>
      %dma_start3A_362 = arith.constant 0 : i32
      %dma_start3A_363 = tpu.memref_slice %arg8[%add3A_356, %dma_start3A_362] : memref<80x128xi32, #tpu.memory_space<vmem>> -> memref<1x128xi32, #tpu.memory_space<vmem>>
      %dma_start3A_364 = tpu.memref_squeeze %dma_start3A_363 : memref<1x128xi32, #tpu.memory_space<vmem>> -> memref<128xi32, #tpu.memory_space<vmem>>
      %dma_start3A_365 = arith.constant 0 : i32
      %dma_start3A_366 = arith.constant 0 : i32
      %dma_start3A_367 = tpu.memref_slice %arg10[%dma_start3A_365, %dma_start3A_366] : memref<10240x32xf32, #tpu.memory_space<vmem_shared>> -> memref<10240x32xf32, #tpu.memory_space<vmem_shared>>
      tpu.enqueue_indirect_dma source(%dma_start3A_361 : memref<128x32xf32, #tpu.memory_space<vmem>>) target(%dma_start3A_367 : memref<10240x32xf32, #tpu.memory_space<vmem_shared>>) offsets(%dma_start3A_364 : memref<128xi32, #tpu.memory_space<vmem>>) semaphore(%arg12 : memref<!tpu.dma_semaphore, #tpu.memory_space<semaphore_mem>>) {add = true}
      %add3A_368 = arith.constant 3 : i32
      %add3A_369 = arith.addi %mul3A_138, %add3A_368 : i32
      %dma_start3A_370 = arith.constant 3 : i32
      %dma_start3A_371 = arith.constant 0 : i32
      %dma_start3A_372 = arith.constant 0 : i32
      %dma_start3A_373 = tpu.memref_slice %arg9[%dma_start3A_370, %dma_start3A_371, %dma_start3A_372] : memref<8x128x32xf32, #tpu.memory_space<vmem>> -> memref<1x128x32xf32, #tpu.memory_space<vmem>>
      %dma_start3A_374 = tpu.memref_squeeze %dma_start3A_373 : memref<1x128x32xf32, #tpu.memory_space<vmem>> -> memref<128x32xf32, #tpu.memory_space<vmem>>
      %dma_start3A_375 = arith.constant 0 : i32
      %dma_start3A_376 = tpu.memref_slice %arg8[%add3A_369, %dma_start3A_375] : memref<80x128xi32, #tpu.memory_space<vmem>> -> memref<1x128xi32, #tpu.memory_space<vmem>>
      %dma_start3A_377 = tpu.memref_squeeze %dma_start3A_376 : memref<1x128xi32, #tpu.memory_space<vmem>> -> memref<128xi32, #tpu.memory_space<vmem>>
      %dma_start3A_378 = arith.constant 0 : i32
      %dma_start3A_379 = arith.constant 0 : i32
      %dma_start3A_380 = tpu.memref_slice %arg10[%dma_start3A_378, %dma_start3A_379] : memref<10240x32xf32, #tpu.memory_space<vmem_shared>> -> memref<10240x32xf32, #tpu.memory_space<vmem_shared>>
      tpu.enqueue_indirect_dma source(%dma_start3A_374 : memref<128x32xf32, #tpu.memory_space<vmem>>) target(%dma_start3A_380 : memref<10240x32xf32, #tpu.memory_space<vmem_shared>>) offsets(%dma_start3A_377 : memref<128xi32, #tpu.memory_space<vmem>>) semaphore(%arg12 : memref<!tpu.dma_semaphore, #tpu.memory_space<semaphore_mem>>) {add = true}
      %add3A_381 = arith.constant 4 : i32
      %add3A_382 = arith.addi %mul3A_138, %add3A_381 : i32
      %dma_start3A_383 = arith.constant 4 : i32
      %dma_start3A_384 = arith.constant 0 : i32
      %dma_start3A_385 = arith.constant 0 : i32
      %dma_start3A_386 = tpu.memref_slice %arg9[%dma_start3A_383, %dma_start3A_384, %dma_start3A_385] : memref<8x128x32xf32, #tpu.memory_space<vmem>> -> memref<1x128x32xf32, #tpu.memory_space<vmem>>
      %dma_start3A_387 = tpu.memref_squeeze %dma_start3A_386 : memref<1x128x32xf32, #tpu.memory_space<vmem>> -> memref<128x32xf32, #tpu.memory_space<vmem>>
      %dma_start3A_388 = arith.constant 0 : i32
      %dma_start3A_389 = tpu.memref_slice %arg8[%add3A_382, %dma_start3A_388] : memref<80x128xi32, #tpu.memory_space<vmem>> -> memref<1x128xi32, #tpu.memory_space<vmem>>
      %dma_start3A_390 = tpu.memref_squeeze %dma_start3A_389 : memref<1x128xi32, #tpu.memory_space<vmem>> -> memref<128xi32, #tpu.memory_space<vmem>>
      %dma_start3A_391 = arith.constant 0 : i32
      %dma_start3A_392 = arith.constant 0 : i32
      %dma_start3A_393 = tpu.memref_slice %arg10[%dma_start3A_391, %dma_start3A_392] : memref<10240x32xf32, #tpu.memory_space<vmem_shared>> -> memref<10240x32xf32, #tpu.memory_space<vmem_shared>>
      tpu.enqueue_indirect_dma source(%dma_start3A_387 : memref<128x32xf32, #tpu.memory_space<vmem>>) target(%dma_start3A_393 : memref<10240x32xf32, #tpu.memory_space<vmem_shared>>) offsets(%dma_start3A_390 : memref<128xi32, #tpu.memory_space<vmem>>) semaphore(%arg12 : memref<!tpu.dma_semaphore, #tpu.memory_space<semaphore_mem>>) {add = true}
      %add3A_394 = arith.constant 5 : i32
      %add3A_395 = arith.addi %mul3A_138, %add3A_394 : i32
      %dma_start3A_396 = arith.constant 5 : i32
      %dma_start3A_397 = arith.constant 0 : i32
      %dma_start3A_398 = arith.constant 0 : i32
      %dma_start3A_399 = tpu.memref_slice %arg9[%dma_start3A_396, %dma_start3A_397, %dma_start3A_398] : memref<8x128x32xf32, #tpu.memory_space<vmem>> -> memref<1x128x32xf32, #tpu.memory_space<vmem>>
      %dma_start3A_400 = tpu.memref_squeeze %dma_start3A_399 : memref<1x128x32xf32, #tpu.memory_space<vmem>> -> memref<128x32xf32, #tpu.memory_space<vmem>>
      %dma_start3A_401 = arith.constant 0 : i32
      %dma_start3A_402 = tpu.memref_slice %arg8[%add3A_395, %dma_start3A_401] : memref<80x128xi32, #tpu.memory_space<vmem>> -> memref<1x128xi32, #tpu.memory_space<vmem>>
      %dma_start3A_403 = tpu.memref_squeeze %dma_start3A_402 : memref<1x128xi32, #tpu.memory_space<vmem>> -> memref<128xi32, #tpu.memory_space<vmem>>
      %dma_start3A_404 = arith.constant 0 : i32
      %dma_start3A_405 = arith.constant 0 : i32
      %dma_start3A_406 = tpu.memref_slice %arg10[%dma_start3A_404, %dma_start3A_405] : memref<10240x32xf32, #tpu.memory_space<vmem_shared>> -> memref<10240x32xf32, #tpu.memory_space<vmem_shared>>
      tpu.enqueue_indirect_dma source(%dma_start3A_400 : memref<128x32xf32, #tpu.memory_space<vmem>>) target(%dma_start3A_406 : memref<10240x32xf32, #tpu.memory_space<vmem_shared>>) offsets(%dma_start3A_403 : memref<128xi32, #tpu.memory_space<vmem>>) semaphore(%arg12 : memref<!tpu.dma_semaphore, #tpu.memory_space<semaphore_mem>>) {add = true}
      %add3A_407 = arith.constant 6 : i32
      %add3A_408 = arith.addi %mul3A_138, %add3A_407 : i32
      %dma_start3A_409 = arith.constant 6 : i32
      %dma_start3A_410 = arith.constant 0 : i32
      %dma_start3A_411 = arith.constant 0 : i32
      %dma_start3A_412 = tpu.memref_slice %arg9[%dma_start3A_409, %dma_start3A_410, %dma_start3A_411] : memref<8x128x32xf32, #tpu.memory_space<vmem>> -> memref<1x128x32xf32, #tpu.memory_space<vmem>>
      %dma_start3A_413 = tpu.memref_squeeze %dma_start3A_412 : memref<1x128x32xf32, #tpu.memory_space<vmem>> -> memref<128x32xf32, #tpu.memory_space<vmem>>
      %dma_start3A_414 = arith.constant 0 : i32
      %dma_start3A_415 = tpu.memref_slice %arg8[%add3A_408, %dma_start3A_414] : memref<80x128xi32, #tpu.memory_space<vmem>> -> memref<1x128xi32, #tpu.memory_space<vmem>>
      %dma_start3A_416 = tpu.memref_squeeze %dma_start3A_415 : memref<1x128xi32, #tpu.memory_space<vmem>> -> memref<128xi32, #tpu.memory_space<vmem>>
      %dma_start3A_417 = arith.constant 0 : i32
      %dma_start3A_418 = arith.constant 0 : i32
      %dma_start3A_419 = tpu.memref_slice %arg10[%dma_start3A_417, %dma_start3A_418] : memref<10240x32xf32, #tpu.memory_space<vmem_shared>> -> memref<10240x32xf32, #tpu.memory_space<vmem_shared>>
      tpu.enqueue_indirect_dma source(%dma_start3A_413 : memref<128x32xf32, #tpu.memory_space<vmem>>) target(%dma_start3A_419 : memref<10240x32xf32, #tpu.memory_space<vmem_shared>>) offsets(%dma_start3A_416 : memref<128xi32, #tpu.memory_space<vmem>>) semaphore(%arg12 : memref<!tpu.dma_semaphore, #tpu.memory_space<semaphore_mem>>) {add = true}
      %add3A_420 = arith.constant 7 : i32
      %add3A_421 = arith.addi %mul3A_138, %add3A_420 : i32
      %dma_start3A_422 = arith.constant 7 : i32
      %dma_start3A_423 = arith.constant 0 : i32
      %dma_start3A_424 = arith.constant 0 : i32
      %dma_start3A_425 = tpu.memref_slice %arg9[%dma_start3A_422, %dma_start3A_423, %dma_start3A_424] : memref<8x128x32xf32, #tpu.memory_space<vmem>> -> memref<1x128x32xf32, #tpu.memory_space<vmem>>
      %dma_start3A_426 = tpu.memref_squeeze %dma_start3A_425 : memref<1x128x32xf32, #tpu.memory_space<vmem>> -> memref<128x32xf32, #tpu.memory_space<vmem>>
      %dma_start3A_427 = arith.constant 0 : i32
      %dma_start3A_428 = tpu.memref_slice %arg8[%add3A_421, %dma_start3A_427] : memref<80x128xi32, #tpu.memory_space<vmem>> -> memref<1x128xi32, #tpu.memory_space<vmem>>
      %dma_start3A_429 = tpu.memref_squeeze %dma_start3A_428 : memref<1x128xi32, #tpu.memory_space<vmem>> -> memref<128xi32, #tpu.memory_space<vmem>>
      %dma_start3A_430 = arith.constant 0 : i32
      %dma_start3A_431 = arith.constant 0 : i32
      %dma_start3A_432 = tpu.memref_slice %arg10[%dma_start3A_430, %dma_start3A_431] : memref<10240x32xf32, #tpu.memory_space<vmem_shared>> -> memref<10240x32xf32, #tpu.memory_space<vmem_shared>>
      tpu.enqueue_indirect_dma source(%dma_start3A_426 : memref<128x32xf32, #tpu.memory_space<vmem>>) target(%dma_start3A_432 : memref<10240x32xf32, #tpu.memory_space<vmem_shared>>) offsets(%dma_start3A_429 : memref<128xi32, #tpu.memory_space<vmem>>) semaphore(%arg12 : memref<!tpu.dma_semaphore, #tpu.memory_space<semaphore_mem>>) {add = true}
    }
    %scan3A_9 = arith.constant 10 : i32
    %dma_wait3A = arith.constant 0 : i32
    %dma_wait3A_10 = arith.constant 0 : i32
    %dma_wait3A_11 = arith.constant 0 : i32
    %dma_wait3A_12 = tpu.memref_slice %arg9[%dma_wait3A, %dma_wait3A_10, %dma_wait3A_11] : memref<8x128x32xf32, #tpu.memory_space<vmem>> -> memref<1x128x32xf32, #tpu.memory_space<vmem>>
    %dma_wait3A_13 = tpu.memref_squeeze %dma_wait3A_12 : memref<1x128x32xf32, #tpu.memory_space<vmem>> -> memref<128x32xf32, #tpu.memory_space<vmem>>
    %dma_wait3A_14 = arith.constant 0 : i32
    %dma_wait3A_15 = arith.constant 0 : i32
    %dma_wait3A_16 = tpu.memref_slice %arg2[%dma_wait3A_14, %dma_wait3A_15] : memref<10000x32xf32, #tpu.memory_space<hbm>> -> memref<128x32xf32, #tpu.memory_space<hbm>>
    %dma_wait3A_17 = arith.constant 0 : i32
    %dma_wait3A_18 = arith.constant 0 : i32
    %dma_wait3A_19 = tpu.memref_slice %arg9[%dma_wait3A, %dma_wait3A_17, %dma_wait3A_18] : memref<8x128x32xf32, #tpu.memory_space<vmem>> -> memref<1x128x32xf32, #tpu.memory_space<vmem>>
    %dma_wait3A_20 = tpu.memref_squeeze %dma_wait3A_19 : memref<1x128x32xf32, #tpu.memory_space<vmem>> -> memref<128x32xf32, #tpu.memory_space<vmem>>
    %dma_wait3A_21 = arith.constant 0 : i32
    %dma_wait3A_22 = arith.constant 0 : i32
    %dma_wait3A_23 = tpu.memref_slice %arg2[%dma_wait3A_21, %dma_wait3A_22] : memref<10000x32xf32, #tpu.memory_space<hbm>> -> memref<128x32xf32, #tpu.memory_space<hbm>>
    tpu.wait_dma2 semaphore(%arg12 : memref<!tpu.dma_semaphore, #tpu.memory_space<semaphore_mem>>) src(%dma_wait3A_23 : memref<128x32xf32, #tpu.memory_space<hbm>>) dst(%dma_wait3A_20 : memref<128x32xf32, #tpu.memory_space<vmem>>)
    %dma_wait3A_24 = arith.constant 1 : i32
    %dma_wait3A_25 = arith.constant 0 : i32
    %dma_wait3A_26 = arith.constant 0 : i32
    %dma_wait3A_27 = tpu.memref_slice %arg9[%dma_wait3A_24, %dma_wait3A_25, %dma_wait3A_26] : memref<8x128x32xf32, #tpu.memory_space<vmem>> -> memref<1x128x32xf32, #tpu.memory_space<vmem>>
    %dma_wait3A_28 = tpu.memref_squeeze %dma_wait3A_27 : memref<1x128x32xf32, #tpu.memory_space<vmem>> -> memref<128x32xf32, #tpu.memory_space<vmem>>
    %dma_wait3A_29 = arith.constant 0 : i32
    %dma_wait3A_30 = arith.constant 0 : i32
    %dma_wait3A_31 = tpu.memref_slice %arg2[%dma_wait3A_29, %dma_wait3A_30] : memref<10000x32xf32, #tpu.memory_space<hbm>> -> memref<128x32xf32, #tpu.memory_space<hbm>>
    %dma_wait3A_32 = arith.constant 0 : i32
    %dma_wait3A_33 = arith.constant 0 : i32
    %dma_wait3A_34 = tpu.memref_slice %arg9[%dma_wait3A_24, %dma_wait3A_32, %dma_wait3A_33] : memref<8x128x32xf32, #tpu.memory_space<vmem>> -> memref<1x128x32xf32, #tpu.memory_space<vmem>>
    %dma_wait3A_35 = tpu.memref_squeeze %dma_wait3A_34 : memref<1x128x32xf32, #tpu.memory_space<vmem>> -> memref<128x32xf32, #tpu.memory_space<vmem>>
    %dma_wait3A_36 = arith.constant 0 : i32
    %dma_wait3A_37 = arith.constant 0 : i32
    %dma_wait3A_38 = tpu.memref_slice %arg2[%dma_wait3A_36, %dma_wait3A_37] : memref<10000x32xf32, #tpu.memory_space<hbm>> -> memref<128x32xf32, #tpu.memory_space<hbm>>
    tpu.wait_dma2 semaphore(%arg12 : memref<!tpu.dma_semaphore, #tpu.memory_space<semaphore_mem>>) src(%dma_wait3A_38 : memref<128x32xf32, #tpu.memory_space<hbm>>) dst(%dma_wait3A_35 : memref<128x32xf32, #tpu.memory_space<vmem>>)
    %dma_wait3A_39 = arith.constant 2 : i32
    %dma_wait3A_40 = arith.constant 0 : i32
    %dma_wait3A_41 = arith.constant 0 : i32
    %dma_wait3A_42 = tpu.memref_slice %arg9[%dma_wait3A_39, %dma_wait3A_40, %dma_wait3A_41] : memref<8x128x32xf32, #tpu.memory_space<vmem>> -> memref<1x128x32xf32, #tpu.memory_space<vmem>>
    %dma_wait3A_43 = tpu.memref_squeeze %dma_wait3A_42 : memref<1x128x32xf32, #tpu.memory_space<vmem>> -> memref<128x32xf32, #tpu.memory_space<vmem>>
    %dma_wait3A_44 = arith.constant 0 : i32
    %dma_wait3A_45 = arith.constant 0 : i32
    %dma_wait3A_46 = tpu.memref_slice %arg2[%dma_wait3A_44, %dma_wait3A_45] : memref<10000x32xf32, #tpu.memory_space<hbm>> -> memref<128x32xf32, #tpu.memory_space<hbm>>
    %dma_wait3A_47 = arith.constant 0 : i32
    %dma_wait3A_48 = arith.constant 0 : i32
    %dma_wait3A_49 = tpu.memref_slice %arg9[%dma_wait3A_39, %dma_wait3A_47, %dma_wait3A_48] : memref<8x128x32xf32, #tpu.memory_space<vmem>> -> memref<1x128x32xf32, #tpu.memory_space<vmem>>
    %dma_wait3A_50 = tpu.memref_squeeze %dma_wait3A_49 : memref<1x128x32xf32, #tpu.memory_space<vmem>> -> memref<128x32xf32, #tpu.memory_space<vmem>>
    %dma_wait3A_51 = arith.constant 0 : i32
    %dma_wait3A_52 = arith.constant 0 : i32
    %dma_wait3A_53 = tpu.memref_slice %arg2[%dma_wait3A_51, %dma_wait3A_52] : memref<10000x32xf32, #tpu.memory_space<hbm>> -> memref<128x32xf32, #tpu.memory_space<hbm>>
    tpu.wait_dma2 semaphore(%arg12 : memref<!tpu.dma_semaphore, #tpu.memory_space<semaphore_mem>>) src(%dma_wait3A_53 : memref<128x32xf32, #tpu.memory_space<hbm>>) dst(%dma_wait3A_50 : memref<128x32xf32, #tpu.memory_space<vmem>>)
    %dma_wait3A_54 = arith.constant 3 : i32
    %dma_wait3A_55 = arith.constant 0 : i32
    %dma_wait3A_56 = arith.constant 0 : i32
    %dma_wait3A_57 = tpu.memref_slice %arg9[%dma_wait3A_54, %dma_wait3A_55, %dma_wait3A_56] : memref<8x128x32xf32, #tpu.memory_space<vmem>> -> memref<1x128x32xf32, #tpu.memory_space<vmem>>
    %dma_wait3A_58 = tpu.memref_squeeze %dma_wait3A_57 : memref<1x128x32xf32, #tpu.memory_space<vmem>> -> memref<128x32xf32, #tpu.memory_space<vmem>>
    %dma_wait3A_59 = arith.constant 0 : i32
    %dma_wait3A_60 = arith.constant 0 : i32
    %dma_wait3A_61 = tpu.memref_slice %arg2[%dma_wait3A_59, %dma_wait3A_60] : memref<10000x32xf32, #tpu.memory_space<hbm>> -> memref<128x32xf32, #tpu.memory_space<hbm>>
    %dma_wait3A_62 = arith.constant 0 : i32
    %dma_wait3A_63 = arith.constant 0 : i32
    %dma_wait3A_64 = tpu.memref_slice %arg9[%dma_wait3A_54, %dma_wait3A_62, %dma_wait3A_63] : memref<8x128x32xf32, #tpu.memory_space<vmem>> -> memref<1x128x32xf32, #tpu.memory_space<vmem>>
    %dma_wait3A_65 = tpu.memref_squeeze %dma_wait3A_64 : memref<1x128x32xf32, #tpu.memory_space<vmem>> -> memref<128x32xf32, #tpu.memory_space<vmem>>
    %dma_wait3A_66 = arith.constant 0 : i32
    %dma_wait3A_67 = arith.constant 0 : i32
    %dma_wait3A_68 = tpu.memref_slice %arg2[%dma_wait3A_66, %dma_wait3A_67] : memref<10000x32xf32, #tpu.memory_space<hbm>> -> memref<128x32xf32, #tpu.memory_space<hbm>>
    tpu.wait_dma2 semaphore(%arg12 : memref<!tpu.dma_semaphore, #tpu.memory_space<semaphore_mem>>) src(%dma_wait3A_68 : memref<128x32xf32, #tpu.memory_space<hbm>>) dst(%dma_wait3A_65 : memref<128x32xf32, #tpu.memory_space<vmem>>)
    %dma_wait3A_69 = arith.constant 4 : i32
    %dma_wait3A_70 = arith.constant 0 : i32
    %dma_wait3A_71 = arith.constant 0 : i32
    %dma_wait3A_72 = tpu.memref_slice %arg9[%dma_wait3A_69, %dma_wait3A_70, %dma_wait3A_71] : memref<8x128x32xf32, #tpu.memory_space<vmem>> -> memref<1x128x32xf32, #tpu.memory_space<vmem>>
    %dma_wait3A_73 = tpu.memref_squeeze %dma_wait3A_72 : memref<1x128x32xf32, #tpu.memory_space<vmem>> -> memref<128x32xf32, #tpu.memory_space<vmem>>
    %dma_wait3A_74 = arith.constant 0 : i32
    %dma_wait3A_75 = arith.constant 0 : i32
    %dma_wait3A_76 = tpu.memref_slice %arg2[%dma_wait3A_74, %dma_wait3A_75] : memref<10000x32xf32, #tpu.memory_space<hbm>> -> memref<128x32xf32, #tpu.memory_space<hbm>>
    %dma_wait3A_77 = arith.constant 0 : i32
    %dma_wait3A_78 = arith.constant 0 : i32
    %dma_wait3A_79 = tpu.memref_slice %arg9[%dma_wait3A_69, %dma_wait3A_77, %dma_wait3A_78] : memref<8x128x32xf32, #tpu.memory_space<vmem>> -> memref<1x128x32xf32, #tpu.memory_space<vmem>>
    %dma_wait3A_80 = tpu.memref_squeeze %dma_wait3A_79 : memref<1x128x32xf32, #tpu.memory_space<vmem>> -> memref<128x32xf32, #tpu.memory_space<vmem>>
    %dma_wait3A_81 = arith.constant 0 : i32
    %dma_wait3A_82 = arith.constant 0 : i32
    %dma_wait3A_83 = tpu.memref_slice %arg2[%dma_wait3A_81, %dma_wait3A_82] : memref<10000x32xf32, #tpu.memory_space<hbm>> -> memref<128x32xf32, #tpu.memory_space<hbm>>
    tpu.wait_dma2 semaphore(%arg12 : memref<!tpu.dma_semaphore, #tpu.memory_space<semaphore_mem>>) src(%dma_wait3A_83 : memref<128x32xf32, #tpu.memory_space<hbm>>) dst(%dma_wait3A_80 : memref<128x32xf32, #tpu.memory_space<vmem>>)
    %dma_wait3A_84 = arith.constant 5 : i32
    %dma_wait3A_85 = arith.constant 0 : i32
    %dma_wait3A_86 = arith.constant 0 : i32
    %dma_wait3A_87 = tpu.memref_slice %arg9[%dma_wait3A_84, %dma_wait3A_85, %dma_wait3A_86] : memref<8x128x32xf32, #tpu.memory_space<vmem>> -> memref<1x128x32xf32, #tpu.memory_space<vmem>>
    %dma_wait3A_88 = tpu.memref_squeeze %dma_wait3A_87 : memref<1x128x32xf32, #tpu.memory_space<vmem>> -> memref<128x32xf32, #tpu.memory_space<vmem>>
    %dma_wait3A_89 = arith.constant 0 : i32
    %dma_wait3A_90 = arith.constant 0 : i32
    %dma_wait3A_91 = tpu.memref_slice %arg2[%dma_wait3A_89, %dma_wait3A_90] : memref<10000x32xf32, #tpu.memory_space<hbm>> -> memref<128x32xf32, #tpu.memory_space<hbm>>
    %dma_wait3A_92 = arith.constant 0 : i32
    %dma_wait3A_93 = arith.constant 0 : i32
    %dma_wait3A_94 = tpu.memref_slice %arg9[%dma_wait3A_84, %dma_wait3A_92, %dma_wait3A_93] : memref<8x128x32xf32, #tpu.memory_space<vmem>> -> memref<1x128x32xf32, #tpu.memory_space<vmem>>
    %dma_wait3A_95 = tpu.memref_squeeze %dma_wait3A_94 : memref<1x128x32xf32, #tpu.memory_space<vmem>> -> memref<128x32xf32, #tpu.memory_space<vmem>>
    %dma_wait3A_96 = arith.constant 0 : i32
    %dma_wait3A_97 = arith.constant 0 : i32
    %dma_wait3A_98 = tpu.memref_slice %arg2[%dma_wait3A_96, %dma_wait3A_97] : memref<10000x32xf32, #tpu.memory_space<hbm>> -> memref<128x32xf32, #tpu.memory_space<hbm>>
    tpu.wait_dma2 semaphore(%arg12 : memref<!tpu.dma_semaphore, #tpu.memory_space<semaphore_mem>>) src(%dma_wait3A_98 : memref<128x32xf32, #tpu.memory_space<hbm>>) dst(%dma_wait3A_95 : memref<128x32xf32, #tpu.memory_space<vmem>>)
    %dma_wait3A_99 = arith.constant 6 : i32
    %dma_wait3A_100 = arith.constant 0 : i32
    %dma_wait3A_101 = arith.constant 0 : i32
    %dma_wait3A_102 = tpu.memref_slice %arg9[%dma_wait3A_99, %dma_wait3A_100, %dma_wait3A_101] : memref<8x128x32xf32, #tpu.memory_space<vmem>> -> memref<1x128x32xf32, #tpu.memory_space<vmem>>
    %dma_wait3A_103 = tpu.memref_squeeze %dma_wait3A_102 : memref<1x128x32xf32, #tpu.memory_space<vmem>> -> memref<128x32xf32, #tpu.memory_space<vmem>>
    %dma_wait3A_104 = arith.constant 0 : i32
    %dma_wait3A_105 = arith.constant 0 : i32
    %dma_wait3A_106 = tpu.memref_slice %arg2[%dma_wait3A_104, %dma_wait3A_105] : memref<10000x32xf32, #tpu.memory_space<hbm>> -> memref<128x32xf32, #tpu.memory_space<hbm>>
    %dma_wait3A_107 = arith.constant 0 : i32
    %dma_wait3A_108 = arith.constant 0 : i32
    %dma_wait3A_109 = tpu.memref_slice %arg9[%dma_wait3A_99, %dma_wait3A_107, %dma_wait3A_108] : memref<8x128x32xf32, #tpu.memory_space<vmem>> -> memref<1x128x32xf32, #tpu.memory_space<vmem>>
    %dma_wait3A_110 = tpu.memref_squeeze %dma_wait3A_109 : memref<1x128x32xf32, #tpu.memory_space<vmem>> -> memref<128x32xf32, #tpu.memory_space<vmem>>
    %dma_wait3A_111 = arith.constant 0 : i32
    %dma_wait3A_112 = arith.constant 0 : i32
    %dma_wait3A_113 = tpu.memref_slice %arg2[%dma_wait3A_111, %dma_wait3A_112] : memref<10000x32xf32, #tpu.memory_space<hbm>> -> memref<128x32xf32, #tpu.memory_space<hbm>>
    tpu.wait_dma2 semaphore(%arg12 : memref<!tpu.dma_semaphore, #tpu.memory_space<semaphore_mem>>) src(%dma_wait3A_113 : memref<128x32xf32, #tpu.memory_space<hbm>>) dst(%dma_wait3A_110 : memref<128x32xf32, #tpu.memory_space<vmem>>)
    %dma_wait3A_114 = arith.constant 7 : i32
    %dma_wait3A_115 = arith.constant 0 : i32
    %dma_wait3A_116 = arith.constant 0 : i32
    %dma_wait3A_117 = tpu.memref_slice %arg9[%dma_wait3A_114, %dma_wait3A_115, %dma_wait3A_116] : memref<8x128x32xf32, #tpu.memory_space<vmem>> -> memref<1x128x32xf32, #tpu.memory_space<vmem>>
    %dma_wait3A_118 = tpu.memref_squeeze %dma_wait3A_117 : memref<1x128x32xf32, #tpu.memory_space<vmem>> -> memref<128x32xf32, #tpu.memory_space<vmem>>
    %dma_wait3A_119 = arith.constant 0 : i32
    %dma_wait3A_120 = arith.constant 0 : i32
    %dma_wait3A_121 = tpu.memref_slice %arg2[%dma_wait3A_119, %dma_wait3A_120] : memref<10000x32xf32, #tpu.memory_space<hbm>> -> memref<128x32xf32, #tpu.memory_space<hbm>>
    %dma_wait3A_122 = arith.constant 0 : i32
    %dma_wait3A_123 = arith.constant 0 : i32
    %dma_wait3A_124 = tpu.memref_slice %arg9[%dma_wait3A_114, %dma_wait3A_122, %dma_wait3A_123] : memref<8x128x32xf32, #tpu.memory_space<vmem>> -> memref<1x128x32xf32, #tpu.memory_space<vmem>>
    %dma_wait3A_125 = tpu.memref_squeeze %dma_wait3A_124 : memref<1x128x32xf32, #tpu.memory_space<vmem>> -> memref<128x32xf32, #tpu.memory_space<vmem>>
    %dma_wait3A_126 = arith.constant 0 : i32
    %dma_wait3A_127 = arith.constant 0 : i32
    %dma_wait3A_128 = tpu.memref_slice %arg2[%dma_wait3A_126, %dma_wait3A_127] : memref<10000x32xf32, #tpu.memory_space<hbm>> -> memref<128x32xf32, #tpu.memory_space<hbm>>
    tpu.wait_dma2 semaphore(%arg12 : memref<!tpu.dma_semaphore, #tpu.memory_space<semaphore_mem>>) src(%dma_wait3A_128 : memref<128x32xf32, #tpu.memory_space<hbm>>) dst(%dma_wait3A_125 : memref<128x32xf32, #tpu.memory_space<vmem>>)
    %barrier3A_129 = arith.constant 0 : index
    tpu.barrier barrier_id(%barrier3A_129)
    %mul3A_130 = arith.constant 640 : i32
    %mul3A_131 = arith.muli %arg1, %mul3A_130 : i32
    %mul3A_132 = arith.constant 640 : i32
    %mul3A_133 = arith.muli %arg1, %mul3A_132 : i32
    "tpu.region"() ({
      %run_scoped3A = tpu.sem_alloc : memref<!tpu.dma_semaphore, #tpu.memory_space<semaphore_mem>>
      %dma_start3A = arith.constant 0 : i32
      %dma_start3A_134 = tpu.memref_slice %arg6[%mul3A_133, %dma_start3A] : memref<10240x32xf32, #tpu.memory_space<hbm>> -> memref<640x32xf32, #tpu.memory_space<hbm>>
      %dma_start3A_135 = arith.constant 0 : i32
      %dma_start3A_136 = tpu.memref_slice %arg10[%mul3A_131, %dma_start3A_135] : memref<10240x32xf32, #tpu.memory_space<vmem_shared>> -> memref<640x32xf32, #tpu.memory_space<vmem_shared>>
      tpu.enqueue_dma source(%dma_start3A_136 : memref<640x32xf32, #tpu.memory_space<vmem_shared>>) target(%dma_start3A_134 : memref<640x32xf32, #tpu.memory_space<hbm>>) target_semaphore(%run_scoped3A : memref<!tpu.dma_semaphore, #tpu.memory_space<semaphore_mem>>)
      %dma_wait3A_137 = arith.constant 0 : i32
      %dma_wait3A_138 = tpu.memref_slice %arg6[%mul3A_133, %dma_wait3A_137] : memref<10240x32xf32, #tpu.memory_space<hbm>> -> memref<640x32xf32, #tpu.memory_space<hbm>>
      %dma_wait3A_139 = arith.constant 0 : i32
      %dma_wait3A_140 = tpu.memref_slice %arg10[%mul3A_131, %dma_wait3A_139] : memref<10240x32xf32, #tpu.memory_space<vmem_shared>> -> memref<640x32xf32, #tpu.memory_space<vmem_shared>>
      tpu.wait_dma2 semaphore(%run_scoped3A : memref<!tpu.dma_semaphore, #tpu.memory_space<semaphore_mem>>) src(%dma_wait3A_140 : memref<640x32xf32, #tpu.memory_space<vmem_shared>>) dst(%dma_wait3A_138 : memref<640x32xf32, #tpu.memory_space<hbm>>)
      tpu.yield
    }) : () -> ()
    return
  }
}

module attributes {stable_mosaic.version = 14 : i64} {
  func.func @_k1_body(%arg0: i32, %arg1: memref<1000x128xf32, #tpu.memory_space<vmem>>, %arg2: memref<128x32xf32, #tpu.memory_space<vmem>>, %arg3: memref<128x32xf32, #tpu.memory_space<vmem>>, %arg4: memref<1000x32xf32, #tpu.memory_space<vmem>>, %arg5: memref<1000x32xf32, #tpu.memory_space<vmem>>) attributes {dimension_semantics = [#tpu.dimension_semantics<arbitrary>], iteration_bounds = array<i64: 10>, scalar_prefetch = 0 : i64, scratch_operands = 0 : i64, tpu.core_type = #tpu.core_type<tc>, window_params = [{transform_indices = @transform_0, window_bounds = array<i64: 1000, 128>}, {pipeline_mode = #tpu.pipeline_mode<synchronous>, transform_indices = @transform_1, window_bounds = array<i64: 128, 32>}, {pipeline_mode = #tpu.pipeline_mode<synchronous>, transform_indices = @transform_2, window_bounds = array<i64: 128, 32>}, {transform_indices = @transform_3, window_bounds = array<i64: 1000, 32>}, {transform_indices = @transform_4, window_bounds = array<i64: 1000, 32>}]} {
    %get3A = arith.constant 0 : index
    %get3A_0 = arith.constant 0 : index
    %get3A_1 = vector.load %arg1[%get3A, %get3A_0] : memref<1000x128xf32, #tpu.memory_space<vmem>>, vector<1000x128xf32>
    %get3A_2 = arith.constant 0 : index
    %get3A_3 = arith.constant 0 : index
    %get3A_4 = vector.load %arg2[%get3A_2, %get3A_3] : memref<128x32xf32, #tpu.memory_space<vmem>>, vector<128x32xf32>
    %dot_general3A = arith.constant dense<0.000000e+00> : vector<1000x32xf32>
    %dot_general3A_5 = tpu.matmul %get3A_1, %get3A_4, %dot_general3A {dimension_numbers = #tpu.dot_dimension_numbers<[1], [0], [0], [1], [0, 0, 1, 1], [], []>, transpose_lhs_hint = false} : vector<1000x128xf32>, vector<128x32xf32>, vector<1000x32xf32> -> vector<1000x32xf32>
    %swap3A = arith.constant 0 : index
    %swap3A_6 = arith.constant 0 : index
    %swap3A_7 = vector.load %arg4[%swap3A, %swap3A_6] : memref<1000x32xf32, #tpu.memory_space<vmem>>, vector<1000x32xf32>
    tpu.vector_store %arg4[%swap3A, %swap3A_6], %dot_general3A_5 {strides = array<i32>} : memref<1000x32xf32, #tpu.memory_space<vmem>>, vector<1000x32xf32>,
    %get3A_8 = arith.constant 0 : index
    %get3A_9 = arith.constant 0 : index
    %get3A_10 = vector.load %arg3[%get3A_8, %get3A_9] : memref<128x32xf32, #tpu.memory_space<vmem>>, vector<128x32xf32>
    %dot_general3A_11 = arith.constant dense<0.000000e+00> : vector<1000x32xf32>
    %dot_general3A_12 = tpu.matmul %get3A_1, %get3A_10, %dot_general3A_11 {dimension_numbers = #tpu.dot_dimension_numbers<[1], [0], [0], [1], [0, 0, 1, 1], [], []>, transpose_lhs_hint = false} : vector<1000x128xf32>, vector<128x32xf32>, vector<1000x32xf32> -> vector<1000x32xf32>
    %iota3A = tpu.iota {dimensions = array<i32: 1>} : vector<1000x32xi32>
    %eq3A = arith.constant 31 : i32
    %eq3A_13 = vector.broadcast %eq3A : i32 to vector<1000x32xi32>
    %eq3A_14 = arith.cmpi eq, %iota3A, %eq3A_13 : vector<1000x32xi32>
    %jit3A = arith.constant 1.000000e+00 : f32
    %broadcast_in_dim3A = vector.broadcast %jit3A : f32 to vector<1000x32xf32>
    %select_n3A = arith.select %eq3A_14, %broadcast_in_dim3A, %dot_general3A_12 : vector<1000x32xi1>, vector<1000x32xf32>
    %swap3A_15 = arith.constant 0 : index
    %swap3A_16 = arith.constant 0 : index
    %swap3A_17 = vector.load %arg5[%swap3A_15, %swap3A_16] : memref<1000x32xf32, #tpu.memory_space<vmem>>, vector<1000x32xf32>
    tpu.vector_store %arg5[%swap3A_15, %swap3A_16], %select_n3A {strides = array<i32>} : memref<1000x32xf32, #tpu.memory_space<vmem>>, vector<1000x32xf32>,
    return
  }
  func.func @transform_0(%arg0: i32) -> (i32, i32) {
    %c0_i32 = arith.constant 0 : i32
    %c0_i32_0 = arith.constant 0 : i32
    return %arg0, %c0_i32 : i32, i32
  }
  func.func @transform_1(%arg0: i32) -> (i32, i32) {
    %c0_i32 = arith.constant 0 : i32
    %c0_i32_0 = arith.constant 0 : i32
    %c0_i32_1 = arith.constant 0 : i32
    return %c0_i32, %c0_i32_0 : i32, i32
  }
  func.func @transform_2(%arg0: i32) -> (i32, i32) {
    %c0_i32 = arith.constant 0 : i32
    %c0_i32_0 = arith.constant 0 : i32
    %c0_i32_1 = arith.constant 0 : i32
    return %c0_i32, %c0_i32_0 : i32, i32
  }
  func.func @transform_3(%arg0: i32) -> (i32, i32) {
    %c0_i32 = arith.constant 0 : i32
    %c0_i32_0 = arith.constant 0 : i32
    return %arg0, %c0_i32 : i32, i32
  }
  func.func @transform_4(%arg0: i32) -> (i32, i32) {
    %c0_i32 = arith.constant 0 : i32
    %c0_i32_0 = arith.constant 0 : i32
    return %arg0, %c0_i32 : i32, i32
  }
}

module attributes {stable_mosaic.version = 14 : i64} {
  func.func @_k3_body(%arg0: i32, %arg1: memref<1000x32xf32, #tpu.memory_space<vmem>>, %arg2: memref<1000x32xf32, #tpu.memory_space<vmem>>, %arg3: memref<1x32xf32, #tpu.memory_space<vmem>>, %arg4: memref<1000x32xf32, #tpu.memory_space<vmem>>, %arg5: memref<1000x1xf32, #tpu.memory_space<vmem>>) attributes {dimension_semantics = [#tpu.dimension_semantics<arbitrary>], iteration_bounds = array<i64: 10>, scalar_prefetch = 0 : i64, scratch_operands = 0 : i64, tpu.core_type = #tpu.core_type<tc>, window_params = [{transform_indices = @transform_0, window_bounds = array<i64: 1000, 32>}, {transform_indices = @transform_1, window_bounds = array<i64: 1000, 32>}, {pipeline_mode = #tpu.pipeline_mode<synchronous>, transform_indices = @transform_2, window_bounds = array<i64: 1, 32>}, {transform_indices = @transform_3, window_bounds = array<i64: 1000, 32>}, {transform_indices = @transform_4, window_bounds = array<i64: 1000, 1>}]} {
    %get3A = arith.constant 0 : index
    %get3A_0 = arith.constant 0 : index
    %get3A_1 = vector.load %arg2[%get3A, %get3A_0] : memref<1000x32xf32, #tpu.memory_space<vmem>>, vector<1000x32xf32>
    %slice3A = vector.extract_strided_slice %get3A_1 {offsets = [0, 31], sizes = [1000, 1], strides = [1, 1]} : vector<1000x32xf32> to vector<1000x1xf32>
    %max3A = arith.constant 1.000000e+00 : f32
    %max3A_2 = vector.broadcast %max3A : f32 to vector<1000x1xf32>
    %max3A_3 = arith.maximumf %slice3A, %max3A_2 : vector<1000x1xf32>
    %div3A = arith.constant 1.000000e+00 : f32
    %div3A_4 = vector.broadcast %div3A : f32 to vector<1000x1xf32>
    %div3A_5 = arith.divf %div3A_4, %max3A_3 : vector<1000x1xf32>
    %get3A_6 = arith.constant 0 : index
    %get3A_7 = arith.constant 0 : index
    %get3A_8 = vector.load %arg1[%get3A_6, %get3A_7] : memref<1000x32xf32, #tpu.memory_space<vmem>>, vector<1000x32xf32>
    %mul3A = vector.broadcast %div3A_5 : vector<1000x1xf32> to vector<1000x32xf32>
    %mul3A_9 = arith.mulf %get3A_1, %mul3A : vector<1000x32xf32>
    %add3A = arith.addf %get3A_8, %mul3A_9 : vector<1000x32xf32>
    %get3A_10 = arith.constant 0 : index
    %get3A_11 = arith.constant 0 : index
    %get3A_12 = vector.load %arg3[%get3A_10, %get3A_11] : memref<1x32xf32, #tpu.memory_space<vmem>>, vector<1x32xf32>
    %add3A_13 = vector.broadcast %get3A_12 : vector<1x32xf32> to vector<1000x32xf32>
    %add3A_14 = arith.addf %add3A, %add3A_13 : vector<1000x32xf32>
    %iota3A = tpu.iota {dimensions = array<i32: 1>} : vector<1000x32xi32>
    %eq3A = arith.constant 31 : i32
    %eq3A_15 = vector.broadcast %eq3A : i32 to vector<1000x32xi32>
    %eq3A_16 = arith.cmpi eq, %iota3A, %eq3A_15 : vector<1000x32xi32>
    %jit3A = arith.constant 0.000000e+00 : f32
    %broadcast_in_dim3A = vector.broadcast %jit3A : f32 to vector<1000x32xf32>
    %select_n3A = arith.select %eq3A_16, %broadcast_in_dim3A, %add3A_14 : vector<1000x32xi1>, vector<1000x32xf32>
    %swap3A = arith.constant 0 : index
    %swap3A_17 = arith.constant 0 : index
    %swap3A_18 = vector.load %arg4[%swap3A, %swap3A_17] : memref<1000x32xf32, #tpu.memory_space<vmem>>, vector<1000x32xf32>
    tpu.vector_store %arg4[%swap3A, %swap3A_17], %select_n3A {strides = array<i32>} : memref<1000x32xf32, #tpu.memory_space<vmem>>, vector<1000x32xf32>,
    %swap3A_19 = arith.constant 0 : index
    %swap3A_20 = arith.constant 0 : index
    %swap3A_21 = vector.load %arg5[%swap3A_19, %swap3A_20] : memref<1000x1xf32, #tpu.memory_space<vmem>>, vector<1000x1xf32>
    tpu.vector_store %arg5[%swap3A_19, %swap3A_20], %div3A_5 {strides = array<i32>} : memref<1000x1xf32, #tpu.memory_space<vmem>>, vector<1000x1xf32>,
    return
  }
  func.func @transform_0(%arg0: i32) -> (i32, i32) {
    %c0_i32 = arith.constant 0 : i32
    %c0_i32_0 = arith.constant 0 : i32
    return %arg0, %c0_i32 : i32, i32
  }
  func.func @transform_1(%arg0: i32) -> (i32, i32) {
    %c0_i32 = arith.constant 0 : i32
    %c0_i32_0 = arith.constant 0 : i32
    return %arg0, %c0_i32 : i32, i32
  }
  func.func @transform_2(%arg0: i32) -> (i32, i32) {
    %c0_i32 = arith.constant 0 : i32
    %c0_i32_0 = arith.constant 0 : i32
    %c0_i32_1 = arith.constant 0 : i32
    return %c0_i32, %c0_i32_0 : i32, i32
  }
  func.func @transform_3(%arg0: i32) -> (i32, i32) {
    %c0_i32 = arith.constant 0 : i32
    %c0_i32_0 = arith.constant 0 : i32
    return %arg0, %c0_i32 : i32, i32
  }
  func.func @transform_4(%arg0: i32) -> (i32, i32) {
    %c0_i32 = arith.constant 0 : i32
    %c0_i32_0 = arith.constant 0 : i32
    return %arg0, %c0_i32 : i32, i32
  }
}

module attributes {stable_mosaic.version = 14 : i64} {
  func.func @_k5_body(%arg0: i32, %arg1: memref<10000x32xf32, #tpu.memory_space<vmem>>, %arg2: memref<400x32xf32, #tpu.memory_space<vmem>>, %arg3: memref<400x1xf32, #tpu.memory_space<vmem>>, %arg4: memref<32x32xf32, #tpu.memory_space<vmem>>, %arg5: memref<32x32xf32, #tpu.memory_space<vmem>>, %arg6: memref<1x32xf32, #tpu.memory_space<vmem>>, %arg7: memref<400x10000xf32, #tpu.memory_space<vmem>>, %arg8: memref<32x32xf32, #tpu.memory_space<vmem>>, %arg9: memref<32x32xf32, #tpu.memory_space<vmem>>, %arg10: memref<1x32xf32, #tpu.memory_space<vmem>>, %arg11: memref<4x32x32xf32, #tpu.memory_space<vmem>>, %arg12: memref<1x32xf32, #tpu.memory_space<vmem>>, %arg13: memref<32x2xf32, #tpu.memory_space<vmem>>, %arg14: memref<1x2xf32, #tpu.memory_space<vmem>>, %arg15: memref<1x2xf32, #tpu.memory_space<vmem>>, %arg16: memref<1x1xf32, #tpu.memory_space<smem>>, %arg17: memref<10000x32xf32, #tpu.memory_space<vmem>>, %arg18: memref<32x10000xf32, #tpu.memory_space<vmem>>, %arg19: memref<1x10000xf32, #tpu.memory_space<vmem>>) attributes {dimension_semantics = [#tpu.dimension_semantics<arbitrary>], iteration_bounds = array<i64: 25>, scalar_prefetch = 0 : i64, scratch_operands = 3 : i64, tpu.core_type = #tpu.core_type<tc>, window_params = [{pipeline_mode = #tpu.pipeline_mode<synchronous>, transform_indices = @transform_0, window_bounds = array<i64: 10000, 32>}, {transform_indices = @transform_1, window_bounds = array<i64: 400, 32>}, {transform_indices = @transform_2, window_bounds = array<i64: 400, 1>}, {pipeline_mode = #tpu.pipeline_mode<synchronous>, transform_indices = @transform_3, window_bounds = array<i64: 32, 32>}, {pipeline_mode = #tpu.pipeline_mode<synchronous>, transform_indices = @transform_4, window_bounds = array<i64: 32, 32>}, {pipeline_mode = #tpu.pipeline_mode<synchronous>, transform_indices = @transform_5, window_bounds = array<i64: 1, 32>}, {transform_indices = @transform_6, window_bounds = array<i64: 400, 10000>}, {pipeline_mode = #tpu.pipeline_mode<synchronous>, transform_indices = @transform_7, window_bounds = array<i64: 32, 32>}, {pipeline_mode = #tpu.pipeline_mode<synchronous>, transform_indices = @transform_8, window_bounds = array<i64: 32, 32>}, {pipeline_mode = #tpu.pipeline_mode<synchronous>, transform_indices = @transform_9, window_bounds = array<i64: 1, 32>}, {pipeline_mode = #tpu.pipeline_mode<synchronous>, transform_indices = @transform_10, window_bounds = array<i64: 4, 32, 32>}, {pipeline_mode = #tpu.pipeline_mode<synchronous>, transform_indices = @transform_11, window_bounds = array<i64: 1, 32>}, {pipeline_mode = #tpu.pipeline_mode<synchronous>, transform_indices = @transform_12, window_bounds = array<i64: 32, 2>}, {pipeline_mode = #tpu.pipeline_mode<synchronous>, transform_indices = @transform_13, window_bounds = array<i64: 1, 2>}, {pipeline_mode = #tpu.pipeline_mode<synchronous>, transform_indices = @transform_14, window_bounds = array<i64: 1, 2>}, {transform_indices = @transform_15, window_bounds = array<i64: 1, 1>}]} {
    %mul3A = arith.constant 400 : i32
    %mul3A_0 = arith.muli %arg0, %mul3A : i32
    %get3A = arith.index_cast %mul3A_0 : i32 to index
    %get3A_1 = arith.constant 0 : index
    %get3A_2 = vector.load %arg1[%get3A, %get3A_1] : memref<10000x32xf32, #tpu.memory_space<vmem>>, vector<400x32xf32>
    %get3A_3 = arith.constant 0 : index
    %get3A_4 = arith.constant 0 : index
    %get3A_5 = vector.load %arg2[%get3A_3, %get3A_4] : memref<400x32xf32, #tpu.memory_space<vmem>>, vector<400x32xf32>
    %get3A_6 = arith.constant 0 : index
    %get3A_7 = arith.constant 0 : index
    %get3A_8 = vector.load %arg3[%get3A_6, %get3A_7] : memref<400x1xf32, #tpu.memory_space<vmem>>, vector<400x1xf32>
    %mul3A_9 = vector.broadcast %get3A_8 : vector<400x1xf32> to vector<400x32xf32>
    %mul3A_10 = arith.mulf %get3A_5, %mul3A_9 : vector<400x32xf32>
    %get3A_11 = arith.constant 0 : index
    %get3A_12 = arith.constant 0 : index
    %get3A_13 = vector.load %arg4[%get3A_11, %get3A_12] : memref<32x32xf32, #tpu.memory_space<vmem>>, vector<32x32xf32>
    %dot_general3A = arith.constant dense<0.000000e+00> : vector<400x32xf32>
    %dot_general3A_14 = tpu.matmul %get3A_2, %get3A_13, %dot_general3A {dimension_numbers = #tpu.dot_dimension_numbers<[1], [0], [0], [1], [0, 0, 1, 1], [], []>, transpose_lhs_hint = false} : vector<400x32xf32>, vector<32x32xf32>, vector<400x32xf32> -> vector<400x32xf32>
    %get3A_15 = arith.constant 0 : index
    %get3A_16 = arith.constant 0 : index
    %get3A_17 = vector.load %arg5[%get3A_15, %get3A_16] : memref<32x32xf32, #tpu.memory_space<vmem>>, vector<32x32xf32>
    %dot_general3A_18 = arith.constant dense<0.000000e+00> : vector<400x32xf32>
    %dot_general3A_19 = tpu.matmul %mul3A_10, %get3A_17, %dot_general3A_18 {dimension_numbers = #tpu.dot_dimension_numbers<[1], [0], [0], [1], [0, 0, 1, 1], [], []>, transpose_lhs_hint = false} : vector<400x32xf32>, vector<32x32xf32>, vector<400x32xf32> -> vector<400x32xf32>
    %add3A = arith.addf %dot_general3A_14, %dot_general3A_19 : vector<400x32xf32>
    %get3A_20 = arith.constant 0 : index
    %get3A_21 = arith.constant 0 : index
    %get3A_22 = vector.load %arg6[%get3A_20, %get3A_21] : memref<1x32xf32, #tpu.memory_space<vmem>>, vector<1x32xf32>
    %add3A_23 = vector.broadcast %get3A_22 : vector<1x32xf32> to vector<400x32xf32>
    %add3A_24 = arith.addf %add3A, %add3A_23 : vector<400x32xf32>
    %reduce_max3A = arith.constant dense<0xFF800000> : vector<400xf32>
    %reduce_max3A_25 = vector.multi_reduction <maximumf>, %add3A_24, %reduce_max3A [1] : vector<400x32xf32> to vector<400xf32>
    %broadcast_in_dim3A = vector.shape_cast %reduce_max3A_25 : vector<400xf32> to vector<400x1xf32>
    %sub3A = vector.broadcast %broadcast_in_dim3A : vector<400x1xf32> to vector<400x32xf32>
    %sub3A_26 = arith.subf %add3A_24, %sub3A : vector<400x32xf32>
    %exp3A = math.exp %sub3A_26 : vector<400x32xf32>
    %reduce_sum3A = arith.constant dense<0.000000e+00> : vector<400xf32>
    %reduce_sum3A_27 = vector.multi_reduction <add>, %exp3A, %reduce_sum3A [1] : vector<400x32xf32> to vector<400xf32>
    %broadcast_in_dim3A_28 = vector.shape_cast %reduce_sum3A_27 : vector<400xf32> to vector<400x1xf32>
    %div3A = vector.broadcast %broadcast_in_dim3A_28 : vector<400x1xf32> to vector<400x32xf32>
    %div3A_29 = arith.divf %exp3A, %div3A : vector<400x32xf32>
    %mul3A_30 = arith.constant 400 : i32
    %mul3A_31 = arith.muli %arg0, %mul3A_30 : i32
    %swap3A = arith.index_cast %mul3A_31 : i32 to index
    %swap3A_32 = arith.constant 0 : index
    %swap3A_33 = vector.load %arg17[%swap3A, %swap3A_32] : memref<10000x32xf32, #tpu.memory_space<vmem>>, vector<400x32xf32>
    tpu.vector_store %arg17[%swap3A, %swap3A_32], %div3A_29 {strides = array<i32>} : memref<10000x32xf32, #tpu.memory_space<vmem>>, vector<400x32xf32>,
    %get3A_34 = arith.constant 0 : index
    %get3A_35 = arith.constant 0 : index
    %get3A_36 = vector.load %arg7[%get3A_34, %get3A_35] : memref<400x10000xf32, #tpu.memory_space<vmem>>, vector<400x10000xf32>
    %convert_element_type3A = arith.truncf %get3A_36 : vector<400x10000xf32> to vector<400x10000xbf16>
    %eq3A = arith.constant 0 : i32
    %eq3A_37 = arith.cmpi eq, %arg0, %eq3A : i32
    %convert_element_type3A_38 = arith.extui %eq3A_37 : i1 to i32
    %cond3A = arith.constant 0 : i32
    %cond3A_39 = arith.cmpi ne, %convert_element_type3A_38, %cond3A : i32
    scf.if %cond3A_39 {
      %broadcast_in_dim3A_67 = arith.constant 0.000000e+00 : f32
      %broadcast_in_dim3A_68 = vector.broadcast %broadcast_in_dim3A_67 : f32 to vector<32x10000xf32>
      %swap3A_69 = arith.constant 0 : index
      %swap3A_70 = arith.constant 0 : index
      %swap3A_71 = vector.load %arg18[%swap3A_69, %swap3A_70] : memref<32x10000xf32, #tpu.memory_space<vmem>>, vector<32x10000xf32>
      tpu.vector_store %arg18[%swap3A_69, %swap3A_70], %broadcast_in_dim3A_68 {strides = array<i32>} : memref<32x10000xf32, #tpu.memory_space<vmem>>, vector<32x10000xf32>,
      %broadcast_in_dim3A_72 = arith.constant 0.000000e+00 : f32
      %broadcast_in_dim3A_73 = vector.broadcast %broadcast_in_dim3A_72 : f32 to vector<1x10000xf32>
      %swap3A_74 = arith.constant 0 : index
      %swap3A_75 = arith.constant 0 : index
      %swap3A_76 = vector.load %arg19[%swap3A_74, %swap3A_75] : memref<1x10000xf32, #tpu.memory_space<vmem>>, vector<1x10000xf32>
      tpu.vector_store %arg19[%swap3A_74, %swap3A_75], %broadcast_in_dim3A_73 {strides = array<i32>} : memref<1x10000xf32, #tpu.memory_space<vmem>>, vector<1x10000xf32>,
    } else {
    }
    %get3A_40 = arith.constant 0 : index
    %get3A_41 = arith.constant 0 : index
    %get3A_42 = vector.load %arg18[%get3A_40, %get3A_41] : memref<32x10000xf32, #tpu.memory_space<vmem>>, vector<32x10000xf32>
    %convert_element_type3A_43 = arith.truncf %div3A_29 : vector<400x32xf32> to vector<400x32xbf16>
    %dot_general3A_44 = arith.constant dense<0.000000e+00> : vector<32x10000xf32>
    %dot_general3A_45 = tpu.matmul %convert_element_type3A_43, %convert_element_type3A, %dot_general3A_44 {dimension_numbers = #tpu.dot_dimension_numbers<[0], [0], [1], [1], [0, 1, 1, 1], [], []>, transpose_lhs_hint = false} : vector<400x32xbf16>, vector<400x10000xbf16>, vector<32x10000xf32> -> vector<32x10000xf32>
    %add3A_46 = arith.addf %get3A_42, %dot_general3A_45 : vector<32x10000xf32>
    %swap3A_47 = arith.constant 0 : index
    %swap3A_48 = arith.constant 0 : index
    %swap3A_49 = vector.load %arg18[%swap3A_47, %swap3A_48] : memref<32x10000xf32, #tpu.memory_space<vmem>>, vector<32x10000xf32>
    tpu.vector_store %arg18[%swap3A_47, %swap3A_48], %add3A_46 {strides = array<i32>} : memref<32x10000xf32, #tpu.memory_space<vmem>>, vector<32x10000xf32>,
    %broadcast_in_dim3A_50 = arith.constant 1.000000e+00 : bf16
    %broadcast_in_dim3A_51 = vector.broadcast %broadcast_in_dim3A_50 : bf16 to vector<1x400xbf16>
    %get3A_52 = arith.constant 0 : index
    %get3A_53 = arith.constant 0 : index
    %get3A_54 = vector.load %arg19[%get3A_52, %get3A_53] : memref<1x10000xf32, #tpu.memory_space<vmem>>, vector<1x10000xf32>
    %mul3A_55 = arith.mulf %convert_element_type3A, %convert_element_type3A : vector<400x10000xbf16>
    %dot_general3A_56 = arith.constant dense<0.000000e+00> : vector<1x10000xf32>
    %dot_general3A_57 = tpu.matmul %broadcast_in_dim3A_51, %mul3A_55, %dot_general3A_56 {dimension_numbers = #tpu.dot_dimension_numbers<[1], [0], [0], [1], [0, 0, 1, 1], [], []>, transpose_lhs_hint = false} : vector<1x400xbf16>, vector<400x10000xbf16>, vector<1x10000xf32> -> vector<1x10000xf32>
    %add3A_58 = arith.addf %get3A_54, %dot_general3A_57 : vector<1x10000xf32>
    %swap3A_59 = arith.constant 0 : index
    %swap3A_60 = arith.constant 0 : index
    %swap3A_61 = vector.load %arg19[%swap3A_59, %swap3A_60] : memref<1x10000xf32, #tpu.memory_space<vmem>>, vector<1x10000xf32>
    tpu.vector_store %arg19[%swap3A_59, %swap3A_60], %add3A_58 {strides = array<i32>} : memref<1x10000xf32, #tpu.memory_space<vmem>>, vector<1x10000xf32>,
    %eq3A_62 = arith.constant 24 : i32
    %eq3A_63 = arith.cmpi eq, %arg0, %eq3A_62 : i32
    %convert_element_type3A_64 = arith.extui %eq3A_63 : i1 to i32
    %cond3A_65 = arith.constant 0 : i32
    %cond3A_66 = arith.cmpi ne, %convert_element_type3A_64, %cond3A_65 : i32
    scf.if %cond3A_66 {
      %get3A_67 = arith.constant 0 : index
      %get3A_68 = arith.constant 0 : index
      %get3A_69 = vector.load %arg18[%get3A_67, %get3A_68] : memref<32x10000xf32, #tpu.memory_space<vmem>>, vector<32x10000xf32>
      %get3A_70 = arith.constant 0 : index
      %get3A_71 = arith.constant 0 : index
      %get3A_72 = vector.load %arg17[%get3A_70, %get3A_71] : memref<10000x32xf32, #tpu.memory_space<vmem>>, vector<10000x32xf32>
      %get3A_73 = arith.constant 0 : index
      %get3A_74 = arith.constant 0 : index
      %get3A_75 = vector.load %arg1[%get3A_73, %get3A_74] : memref<10000x32xf32, #tpu.memory_space<vmem>>, vector<10000x32xf32>
      %dot_general3A_76 = arith.constant dense<0.000000e+00> : vector<32x32xf32>
      %dot_general3A_77 = tpu.matmul %get3A_69, %get3A_72, %dot_general3A_76 {dimension_numbers = #tpu.dot_dimension_numbers<[1], [0], [0], [1], [0, 0, 1, 1], [], []>, transpose_lhs_hint = false} : vector<32x10000xf32>, vector<10000x32xf32>, vector<32x32xf32> -> vector<32x32xf32>
      %dot_general3A_78 = arith.constant dense<0.000000e+00> : vector<32x32xf32>
      %dot_general3A_79 = tpu.matmul %get3A_72, %get3A_72, %dot_general3A_78 {dimension_numbers = #tpu.dot_dimension_numbers<[0], [0], [1], [1], [0, 1, 1, 1], [], []>, transpose_lhs_hint = false} : vector<10000x32xf32>, vector<10000x32xf32>, vector<32x32xf32> -> vector<32x32xf32>
      %dot_general3A_80 = arith.constant dense<0.000000e+00> : vector<32x32xf32>
      %dot_general3A_81 = tpu.matmul %get3A_72, %get3A_75, %dot_general3A_80 {dimension_numbers = #tpu.dot_dimension_numbers<[0], [0], [1], [1], [0, 1, 1, 1], [], []>, transpose_lhs_hint = false} : vector<10000x32xf32>, vector<10000x32xf32>, vector<32x32xf32> -> vector<32x32xf32>
      %iota3A = tpu.iota {dimensions = array<i32: 0>} : vector<32x32xi32>
      %iota3A_82 = tpu.iota {dimensions = array<i32: 1>} : vector<32x32xi32>
      %eq3A_83 = arith.cmpi eq, %iota3A, %iota3A_82 : vector<32x32xi32>
      %jit3A = arith.constant 0.000000e+00 : f32
      %broadcast_in_dim3A_84 = vector.broadcast %jit3A : f32 to vector<32x32xf32>
      %select_n3A = arith.select %eq3A_83, %dot_general3A_77, %broadcast_in_dim3A_84 : vector<32x32xi1>, vector<32x32xf32>
      %reduce_sum3A_85 = vector.shape_cast %select_n3A : vector<32x32xf32> to vector<1x32x32xf32>
      %reduce_sum3A_86 = arith.constant dense<0.000000e+00> : vector<1xf32>
      %reduce_sum3A_87 = vector.multi_reduction <add>, %reduce_sum3A_85, %reduce_sum3A_86 [1, 2] : vector<1x32x32xf32> to vector<1xf32>
      %reduce_sum3A_88 = vector.shape_cast %reduce_sum3A_87 : vector<1xf32> to vector<1x1x1xf32>
      %reduce_sum3A_89 = vector.extract %reduce_sum3A_88[0, 0, 0] : f32 from vector<1x1x1xf32>
      %get3A_90 = arith.constant 0 : index
      %get3A_91 = arith.constant 0 : index
      %get3A_92 = vector.load %arg19[%get3A_90, %get3A_91] : memref<1x10000xf32, #tpu.memory_space<vmem>>, vector<1x10000xf32>
      %reduce_sum3A_93 = vector.shape_cast %get3A_92 : vector<1x10000xf32> to vector<1x1x10000xf32>
      %reduce_sum3A_94 = arith.constant dense<0.000000e+00> : vector<1xf32>
      %reduce_sum3A_95 = vector.multi_reduction <add>, %reduce_sum3A_93, %reduce_sum3A_94 [1, 2] : vector<1x1x10000xf32> to vector<1xf32>
      %reduce_sum3A_96 = vector.shape_cast %reduce_sum3A_95 : vector<1xf32> to vector<1x1x1xf32>
      %reduce_sum3A_97 = vector.extract %reduce_sum3A_96[0, 0, 0] : f32 from vector<1x1x1xf32>
      %mul3A_98 = arith.constant 2.000000e+00 : f32
      %mul3A_99 = arith.mulf %mul3A_98, %reduce_sum3A_89 : f32
      %sub3A_100 = arith.subf %reduce_sum3A_97, %mul3A_99 : f32
      %mul3A_101 = arith.mulf %dot_general3A_79, %dot_general3A_79 : vector<32x32xf32>
      %reduce_sum3A_102 = vector.shape_cast %mul3A_101 : vector<32x32xf32> to vector<1x32x32xf32>
      %reduce_sum3A_103 = arith.constant dense<0.000000e+00> : vector<1xf32>
      %reduce_sum3A_104 = vector.multi_reduction <add>, %reduce_sum3A_102, %reduce_sum3A_103 [1, 2] : vector<1x32x32xf32> to vector<1xf32>
      %reduce_sum3A_105 = vector.shape_cast %reduce_sum3A_104 : vector<1xf32> to vector<1x1x1xf32>
      %reduce_sum3A_106 = vector.extract %reduce_sum3A_105[0, 0, 0] : f32 from vector<1x1x1xf32>
      %add3A_107 = arith.addf %sub3A_100, %reduce_sum3A_106 : f32
      %max3A = arith.constant 0.000000e+00 : f32
      %max3A_108 = arith.maximumf %add3A_107, %max3A : f32
      %sqrt3A = math.sqrt %max3A_108 : f32
      %div3A_109 = arith.constant 1.000000e+08 : f32
      %div3A_110 = arith.divf %sqrt3A, %div3A_109 : f32
      %neg3A = arith.constant 0.000000e+00 : f32
      %neg3A_111 = vector.broadcast %neg3A : f32 to vector<10000x32xf32>
      %neg3A_112 = arith.subf %neg3A_111, %get3A_72 : vector<10000x32xf32>
      %add3A_113 = arith.constant 1.000000e-15 : f32
      %add3A_114 = vector.broadcast %add3A_113 : f32 to vector<10000x32xf32>
      %add3A_115 = arith.addf %get3A_72, %add3A_114 : vector<10000x32xf32>
      %log3A = math.log %add3A_115 : vector<10000x32xf32>
      %mul3A_116 = arith.mulf %neg3A_112, %log3A : vector<10000x32xf32>
      %reduce_sum3A_117 = vector.shape_cast %mul3A_116 : vector<10000x32xf32> to vector<1x10000x32xf32>
      %reduce_sum3A_118 = arith.constant dense<0.000000e+00> : vector<1xf32>
      %reduce_sum3A_119 = vector.multi_reduction <add>, %reduce_sum3A_117, %reduce_sum3A_118 [1, 2] : vector<1x10000x32xf32> to vector<1xf32>
      %reduce_sum3A_120 = vector.shape_cast %reduce_sum3A_119 : vector<1xf32> to vector<1x1x1xf32>
      %reduce_sum3A_121 = vector.extract %reduce_sum3A_120[0, 0, 0] : f32 from vector<1x1x1xf32>
      %div3A_122 = arith.constant 1.000000e+04 : f32
      %div3A_123 = arith.divf %reduce_sum3A_121, %div3A_122 : f32
      %add3A_124 = arith.addf %div3A_110, %div3A_123 : f32
      %reduce_sum3A_125 = arith.constant dense<0.000000e+00> : vector<32xf32>
      %reduce_sum3A_126 = vector.multi_reduction <add>, %dot_general3A_81, %reduce_sum3A_125 [0] : vector<32x32xf32> to vector<32xf32>
      %broadcast_in_dim3A_127 = vector.shape_cast %reduce_sum3A_126 : vector<32xf32> to vector<1x32xf32>
      %div3A_128 = arith.constant 3.200000e+01 : f32
      %div3A_129 = vector.broadcast %div3A_128 : f32 to vector<1x32xf32>
      %div3A_130 = arith.divf %broadcast_in_dim3A_127, %div3A_129 : vector<1x32xf32>
      %get3A_131 = arith.constant 0 : index
      %get3A_132 = arith.constant 0 : index
      %get3A_133 = vector.load %arg8[%get3A_131, %get3A_132] : memref<32x32xf32, #tpu.memory_space<vmem>>, vector<32x32xf32>
      %dot_general3A_134 = arith.constant dense<0.000000e+00> : vector<32x32xf32>
      %dot_general3A_135 = tpu.matmul %dot_general3A_81, %get3A_133, %dot_general3A_134 {dimension_numbers = #tpu.dot_dimension_numbers<[1], [0], [0], [1], [0, 0, 1, 1], [], []>, transpose_lhs_hint = false} : vector<32x32xf32>, vector<32x32xf32>, vector<32x32xf32> -> vector<32x32xf32>
      %get3A_136 = arith.constant 0 : index
      %get3A_137 = arith.constant 0 : index
      %get3A_138 = vector.load %arg9[%get3A_136, %get3A_137] : memref<32x32xf32, #tpu.memory_space<vmem>>, vector<32x32xf32>
      %dot_general3A_139 = arith.constant dense<0.000000e+00> : vector<1x32xf32>
      %dot_general3A_140 = tpu.matmul %div3A_130, %get3A_138, %dot_general3A_139 {dimension_numbers = #tpu.dot_dimension_numbers<[1], [0], [0], [1], [0, 0, 1, 1], [], []>, transpose_lhs_hint = false} : vector<1x32xf32>, vector<32x32xf32>, vector<1x32xf32> -> vector<1x32xf32>
      %add3A_141 = vector.broadcast %dot_general3A_140 : vector<1x32xf32> to vector<32x32xf32>
      %add3A_142 = arith.addf %dot_general3A_135, %add3A_141 : vector<32x32xf32>
      %get3A_143 = arith.constant 0 : index
      %get3A_144 = arith.constant 0 : index
      %get3A_145 = vector.load %arg10[%get3A_143, %get3A_144] : memref<1x32xf32, #tpu.memory_space<vmem>>, vector<1x32xf32>
      %add3A_146 = vector.broadcast %get3A_145 : vector<1x32xf32> to vector<32x32xf32>
      %add3A_147 = arith.addf %add3A_142, %add3A_146 : vector<32x32xf32>
      %lt3A = arith.constant 4 : i32
      %lt3A_148 = vector.broadcast %lt3A : i32 to vector<32x32xi32>
      %lt3A_149 = arith.cmpi slt, %iota3A_82, %lt3A_148 : vector<32x32xi32>
      %jit3A_150 = arith.constant -1.000000e+30 : f32
      %broadcast_in_dim3A_151 = vector.broadcast %jit3A_150 : f32 to vector<32x32xf32>
      %select_n3A_152 = arith.select %lt3A_149, %add3A_147, %broadcast_in_dim3A_151 : vector<32x32xi1>, vector<32x32xf32>
      %reduce_max3A_153 = arith.constant dense<0xFF800000> : vector<32xf32>
      %reduce_max3A_154 = vector.multi_reduction <maximumf>, %select_n3A_152, %reduce_max3A_153 [1] : vector<32x32xf32> to vector<32xf32>
      %broadcast_in_dim3A_155 = vector.shape_cast %reduce_max3A_154 : vector<32xf32> to vector<32x1xf32>
      %sub3A_156 = vector.broadcast %broadcast_in_dim3A_155 : vector<32x1xf32> to vector<32x32xf32>
      %sub3A_157 = arith.subf %select_n3A_152, %sub3A_156 : vector<32x32xf32>
      %exp3A_158 = math.exp %sub3A_157 : vector<32x32xf32>
      %reduce_sum3A_159 = arith.constant dense<0.000000e+00> : vector<32xf32>
      %reduce_sum3A_160 = vector.multi_reduction <add>, %exp3A_158, %reduce_sum3A_159 [1] : vector<32x32xf32> to vector<32xf32>
      %broadcast_in_dim3A_161 = vector.shape_cast %reduce_sum3A_160 : vector<32xf32> to vector<32x1xf32>
      %div3A_162 = vector.broadcast %broadcast_in_dim3A_161 : vector<32x1xf32> to vector<32x32xf32>
      %div3A_163 = arith.divf %exp3A_158, %div3A_162 : vector<32x32xf32>
      %dot_general3A_164 = arith.constant dense<0.000000e+00> : vector<32x32xf32>
      %dot_general3A_165 = tpu.matmul %div3A_163, %dot_general3A_81, %dot_general3A_164 {dimension_numbers = #tpu.dot_dimension_numbers<[0], [0], [1], [1], [0, 1, 1, 1], [], []>, transpose_lhs_hint = false} : vector<32x32xf32>, vector<32x32xf32>, vector<32x32xf32> -> vector<32x32xf32>
      %dot_general3A_166 = arith.constant dense<0.000000e+00> : vector<32x32xf32>
      %dot_general3A_167 = tpu.matmul %div3A_163, %div3A_163, %dot_general3A_166 {dimension_numbers = #tpu.dot_dimension_numbers<[1], [1], [0], [0], [0, 0, 1, 0], [], []>, transpose_lhs_hint = false} : vector<32x32xf32>, vector<32x32xf32>, vector<32x32xf32> -> vector<32x32xf32>
      %sub3A_168 = arith.subf %dot_general3A_77, %dot_general3A_167 : vector<32x32xf32>
      %mul3A_169 = arith.mulf %sub3A_168, %sub3A_168 : vector<32x32xf32>
      %reduce_sum3A_170 = vector.shape_cast %mul3A_169 : vector<32x32xf32> to vector<1x32x32xf32>
      %reduce_sum3A_171 = arith.constant dense<0.000000e+00> : vector<1xf32>
      %reduce_sum3A_172 = vector.multi_reduction <add>, %reduce_sum3A_170, %reduce_sum3A_171 [1, 2] : vector<1x32x32xf32> to vector<1xf32>
      %reduce_sum3A_173 = vector.shape_cast %reduce_sum3A_172 : vector<1xf32> to vector<1x1x1xf32>
      %reduce_sum3A_174 = vector.extract %reduce_sum3A_173[0, 0, 0] : f32 from vector<1x1x1xf32>
      %sqrt3A_175 = math.sqrt %reduce_sum3A_174 : f32
      %div3A_176 = arith.constant 1.024000e+03 : f32
      %div3A_177 = arith.divf %sqrt3A_175, %div3A_176 : f32
      %neg3A_178 = arith.constant 0.000000e+00 : f32
      %neg3A_179 = vector.broadcast %neg3A_178 : f32 to vector<32x32xf32>
      %neg3A_180 = arith.subf %neg3A_179, %div3A_163 : vector<32x32xf32>
      %add3A_181 = arith.constant 1.000000e-15 : f32
      %add3A_182 = vector.broadcast %add3A_181 : f32 to vector<32x32xf32>
      %add3A_183 = arith.addf %div3A_163, %add3A_182 : vector<32x32xf32>
      %log3A_184 = math.log %add3A_183 : vector<32x32xf32>
      %mul3A_185 = arith.mulf %neg3A_180, %log3A_184 : vector<32x32xf32>
      %reduce_sum3A_186 = vector.shape_cast %mul3A_185 : vector<32x32xf32> to vector<1x32x32xf32>
      %reduce_sum3A_187 = arith.constant dense<0.000000e+00> : vector<1xf32>
      %reduce_sum3A_188 = vector.multi_reduction <add>, %reduce_sum3A_186, %reduce_sum3A_187 [1, 2] : vector<1x32x32xf32> to vector<1xf32>
      %reduce_sum3A_189 = vector.shape_cast %reduce_sum3A_188 : vector<1xf32> to vector<1x1x1xf32>
      %reduce_sum3A_190 = vector.extract %reduce_sum3A_189[0, 0, 0] : f32 from vector<1x1x1xf32>
      %div3A_191 = arith.constant 3.200000e+01 : f32
      %div3A_192 = arith.divf %reduce_sum3A_190, %div3A_191 : f32
      %add3A_193 = arith.addf %div3A_177, %div3A_192 : f32
      %broadcast_in_dim3A_194 = arith.constant 0.000000e+00 : f32
      %broadcast_in_dim3A_195 = vector.broadcast %broadcast_in_dim3A_194 : f32 to vector<1x32xf32>
      %eq3A_196 = arith.constant 0 : i32
      %eq3A_197 = vector.broadcast %eq3A_196 : i32 to vector<32x32xi32>
      %eq3A_198 = arith.cmpi eq, %iota3A, %eq3A_197 : vector<32x32xi32>
      %jit3A_199 = arith.constant 0.000000e+00 : f32
      %broadcast_in_dim3A_200 = vector.broadcast %jit3A_199 : f32 to vector<32x32xf32>
      %select_n3A_201 = arith.select %eq3A_198, %dot_general3A_165, %broadcast_in_dim3A_200 : vector<32x32xi1>, vector<32x32xf32>
      %reduce_sum3A_202 = arith.constant dense<0.000000e+00> : vector<32xf32>
      %reduce_sum3A_203 = vector.multi_reduction <add>, %select_n3A_201, %reduce_sum3A_202 [0] : vector<32x32xf32> to vector<32xf32>
      %broadcast_in_dim3A_204 = vector.shape_cast %reduce_sum3A_203 : vector<32xf32> to vector<1x32xf32>
      %get3A_205 = arith.constant 0 : index
      %get3A_206 = arith.constant 0 : index
      %get3A_207 = arith.constant 0 : index
      %get3A_208 = vector.load %arg11[%get3A_205, %get3A_206, %get3A_207] : memref<4x32x32xf32, #tpu.memory_space<vmem>>, vector<1x32x32xf32>
      %get3A_209 = vector.shape_cast %get3A_208 : vector<1x32x32xf32> to vector<32x32xf32>
      %dot_general3A_210 = arith.constant dense<0.000000e+00> : vector<1x32xf32>
      %dot_general3A_211 = tpu.matmul %broadcast_in_dim3A_204, %get3A_209, %dot_general3A_210 {dimension_numbers = #tpu.dot_dimension_numbers<[1], [0], [0], [1], [0, 0, 1, 1], [], []>, transpose_lhs_hint = false} : vector<1x32xf32>, vector<32x32xf32>, vector<1x32xf32> -> vector<1x32xf32>
      %add3A_212 = arith.addf %broadcast_in_dim3A_195, %dot_general3A_211 : vector<1x32xf32>
      %eq3A_213 = arith.constant 1 : i32
      %eq3A_214 = vector.broadcast %eq3A_213 : i32 to vector<32x32xi32>
      %eq3A_215 = arith.cmpi eq, %iota3A, %eq3A_214 : vector<32x32xi32>
      %jit3A_216 = arith.constant 0.000000e+00 : f32
      %broadcast_in_dim3A_217 = vector.broadcast %jit3A_216 : f32 to vector<32x32xf32>
      %select_n3A_218 = arith.select %eq3A_215, %dot_general3A_165, %broadcast_in_dim3A_217 : vector<32x32xi1>, vector<32x32xf32>
      %reduce_sum3A_219 = arith.constant dense<0.000000e+00> : vector<32xf32>
      %reduce_sum3A_220 = vector.multi_reduction <add>, %select_n3A_218, %reduce_sum3A_219 [0] : vector<32x32xf32> to vector<32xf32>
      %broadcast_in_dim3A_221 = vector.shape_cast %reduce_sum3A_220 : vector<32xf32> to vector<1x32xf32>
      %get3A_222 = arith.constant 1 : index
      %get3A_223 = arith.constant 0 : index
      %get3A_224 = arith.constant 0 : index
      %get3A_225 = vector.load %arg11[%get3A_222, %get3A_223, %get3A_224] : memref<4x32x32xf32, #tpu.memory_space<vmem>>, vector<1x32x32xf32>
      %get3A_226 = vector.shape_cast %get3A_225 : vector<1x32x32xf32> to vector<32x32xf32>
      %dot_general3A_227 = arith.constant dense<0.000000e+00> : vector<1x32xf32>
      %dot_general3A_228 = tpu.matmul %broadcast_in_dim3A_221, %get3A_226, %dot_general3A_227 {dimension_numbers = #tpu.dot_dimension_numbers<[1], [0], [0], [1], [0, 0, 1, 1], [], []>, transpose_lhs_hint = false} : vector<1x32xf32>, vector<32x32xf32>, vector<1x32xf32> -> vector<1x32xf32>
      %add3A_229 = arith.addf %add3A_212, %dot_general3A_228 : vector<1x32xf32>
      %eq3A_230 = arith.constant 2 : i32
      %eq3A_231 = vector.broadcast %eq3A_230 : i32 to vector<32x32xi32>
      %eq3A_232 = arith.cmpi eq, %iota3A, %eq3A_231 : vector<32x32xi32>
      %jit3A_233 = arith.constant 0.000000e+00 : f32
      %broadcast_in_dim3A_234 = vector.broadcast %jit3A_233 : f32 to vector<32x32xf32>
      %select_n3A_235 = arith.select %eq3A_232, %dot_general3A_165, %broadcast_in_dim3A_234 : vector<32x32xi1>, vector<32x32xf32>
      %reduce_sum3A_236 = arith.constant dense<0.000000e+00> : vector<32xf32>
      %reduce_sum3A_237 = vector.multi_reduction <add>, %select_n3A_235, %reduce_sum3A_236 [0] : vector<32x32xf32> to vector<32xf32>
      %broadcast_in_dim3A_238 = vector.shape_cast %reduce_sum3A_237 : vector<32xf32> to vector<1x32xf32>
      %get3A_239 = arith.constant 2 : index
      %get3A_240 = arith.constant 0 : index
      %get3A_241 = arith.constant 0 : index
      %get3A_242 = vector.load %arg11[%get3A_239, %get3A_240, %get3A_241] : memref<4x32x32xf32, #tpu.memory_space<vmem>>, vector<1x32x32xf32>
      %get3A_243 = vector.shape_cast %get3A_242 : vector<1x32x32xf32> to vector<32x32xf32>
      %dot_general3A_244 = arith.constant dense<0.000000e+00> : vector<1x32xf32>
      %dot_general3A_245 = tpu.matmul %broadcast_in_dim3A_238, %get3A_243, %dot_general3A_244 {dimension_numbers = #tpu.dot_dimension_numbers<[1], [0], [0], [1], [0, 0, 1, 1], [], []>, transpose_lhs_hint = false} : vector<1x32xf32>, vector<32x32xf32>, vector<1x32xf32> -> vector<1x32xf32>
      %add3A_246 = arith.addf %add3A_229, %dot_general3A_245 : vector<1x32xf32>
      %eq3A_247 = arith.constant 3 : i32
      %eq3A_248 = vector.broadcast %eq3A_247 : i32 to vector<32x32xi32>
      %eq3A_249 = arith.cmpi eq, %iota3A, %eq3A_248 : vector<32x32xi32>
      %jit3A_250 = arith.constant 0.000000e+00 : f32
      %broadcast_in_dim3A_251 = vector.broadcast %jit3A_250 : f32 to vector<32x32xf32>
      %select_n3A_252 = arith.select %eq3A_249, %dot_general3A_165, %broadcast_in_dim3A_251 : vector<32x32xi1>, vector<32x32xf32>
      %reduce_sum3A_253 = arith.constant dense<0.000000e+00> : vector<32xf32>
      %reduce_sum3A_254 = vector.multi_reduction <add>, %select_n3A_252, %reduce_sum3A_253 [0] : vector<32x32xf32> to vector<32xf32>
      %broadcast_in_dim3A_255 = vector.shape_cast %reduce_sum3A_254 : vector<32xf32> to vector<1x32xf32>
      %get3A_256 = arith.constant 3 : index
      %get3A_257 = arith.constant 0 : index
      %get3A_258 = arith.constant 0 : index
      %get3A_259 = vector.load %arg11[%get3A_256, %get3A_257, %get3A_258] : memref<4x32x32xf32, #tpu.memory_space<vmem>>, vector<1x32x32xf32>
      %get3A_260 = vector.shape_cast %get3A_259 : vector<1x32x32xf32> to vector<32x32xf32>
      %dot_general3A_261 = arith.constant dense<0.000000e+00> : vector<1x32xf32>
      %dot_general3A_262 = tpu.matmul %broadcast_in_dim3A_255, %get3A_260, %dot_general3A_261 {dimension_numbers = #tpu.dot_dimension_numbers<[1], [0], [0], [1], [0, 0, 1, 1], [], []>, transpose_lhs_hint = false} : vector<1x32xf32>, vector<32x32xf32>, vector<1x32xf32> -> vector<1x32xf32>
      %add3A_263 = arith.addf %add3A_246, %dot_general3A_262 : vector<1x32xf32>
      %get3A_264 = arith.constant 0 : index
      %get3A_265 = arith.constant 0 : index
      %get3A_266 = vector.load %arg12[%get3A_264, %get3A_265] : memref<1x32xf32, #tpu.memory_space<vmem>>, vector<1x32xf32>
      %add3A_267 = arith.addf %add3A_263, %get3A_266 : vector<1x32xf32>
      %max3A_268 = arith.constant 0.000000e+00 : f32
      %max3A_269 = vector.broadcast %max3A_268 : f32 to vector<1x32xf32>
      %max3A_270 = arith.maximumf %add3A_267, %max3A_269 : vector<1x32xf32>
      %get3A_271 = arith.constant 0 : index
      %get3A_272 = arith.constant 0 : index
      %get3A_273 = vector.load %arg13[%get3A_271, %get3A_272] : memref<32x2xf32, #tpu.memory_space<vmem>>, vector<32x2xf32>
      %dot_general3A_274 = arith.constant dense<0.000000e+00> : vector<1x2xf32>
      %dot_general3A_275 = tpu.matmul %max3A_270, %get3A_273, %dot_general3A_274 {dimension_numbers = #tpu.dot_dimension_numbers<[1], [0], [0], [1], [0, 0, 1, 1], [], []>, transpose_lhs_hint = false} : vector<1x32xf32>, vector<32x2xf32>, vector<1x2xf32> -> vector<1x2xf32>
      %get3A_276 = arith.constant 0 : index
      %get3A_277 = arith.constant 0 : index
      %get3A_278 = vector.load %arg14[%get3A_276, %get3A_277] : memref<1x2xf32, #tpu.memory_space<vmem>>, vector<1x2xf32>
      %add3A_279 = arith.addf %dot_general3A_275, %get3A_278 : vector<1x2xf32>
      %swap3A_280 = arith.constant 0 : index
      %swap3A_281 = arith.constant 0 : index
      %swap3A_282 = vector.load %arg15[%swap3A_280, %swap3A_281] : memref<1x2xf32, #tpu.memory_space<vmem>>, vector<1x2xf32>
      tpu.vector_store %arg15[%swap3A_280, %swap3A_281], %add3A_279 {strides = array<i32>} : memref<1x2xf32, #tpu.memory_space<vmem>>, vector<1x2xf32>,
      %mul3A_283 = arith.constant 1.000000e+01 : f32
      %mul3A_284 = arith.mulf %add3A_124, %mul3A_283 : f32
      %mul3A_285 = arith.constant 1.000000e-01 : f32
      %mul3A_286 = arith.mulf %add3A_193, %mul3A_285 : f32
      %add3A_287 = arith.addf %mul3A_284, %mul3A_286 : f32
      %swap3A_288 = arith.constant 0 : index
      %swap3A_289 = arith.constant 0 : index
      %swap3A_290 = memref.load %arg16[%swap3A_288, %swap3A_289] : memref<1x1xf32, #tpu.memory_space<smem>>
      memref.store %add3A_287, %arg16[%swap3A_288, %swap3A_289] : memref<1x1xf32, #tpu.memory_space<smem>>
    } else {
    }
    return
  }
  func.func @transform_0(%arg0: i32) -> (i32, i32) {
    %c0_i32 = arith.constant 0 : i32
    %c0_i32_0 = arith.constant 0 : i32
    %c0_i32_1 = arith.constant 0 : i32
    return %c0_i32, %c0_i32_0 : i32, i32
  }
  func.func @transform_1(%arg0: i32) -> (i32, i32) {
    %c0_i32 = arith.constant 0 : i32
    %c0_i32_0 = arith.constant 0 : i32
    return %arg0, %c0_i32 : i32, i32
  }
  func.func @transform_2(%arg0: i32) -> (i32, i32) {
    %c0_i32 = arith.constant 0 : i32
    %c0_i32_0 = arith.constant 0 : i32
    return %arg0, %c0_i32 : i32, i32
  }
  func.func @transform_3(%arg0: i32) -> (i32, i32) {
    %c0_i32 = arith.constant 0 : i32
    %c0_i32_0 = arith.constant 0 : i32
    %c0_i32_1 = arith.constant 0 : i32
    return %c0_i32, %c0_i32_0 : i32, i32
  }
  func.func @transform_4(%arg0: i32) -> (i32, i32) {
    %c0_i32 = arith.constant 0 : i32
    %c0_i32_0 = arith.constant 0 : i32
    %c0_i32_1 = arith.constant 0 : i32
    return %c0_i32, %c0_i32_0 : i32, i32
  }
  func.func @transform_5(%arg0: i32) -> (i32, i32) {
    %c0_i32 = arith.constant 0 : i32
    %c0_i32_0 = arith.constant 0 : i32
    %c0_i32_1 = arith.constant 0 : i32
    return %c0_i32, %c0_i32_0 : i32, i32
  }
  func.func @transform_6(%arg0: i32) -> (i32, i32) {
    %c0_i32 = arith.constant 0 : i32
    %c0_i32_0 = arith.constant 0 : i32
    return %arg0, %c0_i32 : i32, i32
  }
  func.func @transform_7(%arg0: i32) -> (i32, i32) {
    %c0_i32 = arith.constant 0 : i32
    %c0_i32_0 = arith.constant 0 : i32
    %c0_i32_1 = arith.constant 0 : i32
    return %c0_i32, %c0_i32_0 : i32, i32
  }
  func.func @transform_8(%arg0: i32) -> (i32, i32) {
    %c0_i32 = arith.constant 0 : i32
    %c0_i32_0 = arith.constant 0 : i32
    %c0_i32_1 = arith.constant 0 : i32
    return %c0_i32, %c0_i32_0 : i32, i32
  }
  func.func @transform_9(%arg0: i32) -> (i32, i32) {
    %c0_i32 = arith.constant 0 : i32
    %c0_i32_0 = arith.constant 0 : i32
    %c0_i32_1 = arith.constant 0 : i32
    return %c0_i32, %c0_i32_0 : i32, i32
  }
  func.func @transform_10(%arg0: i32) -> (i32, i32, i32) {
    %c0_i32 = arith.constant 0 : i32
    %c0_i32_0 = arith.constant 0 : i32
    %c0_i32_1 = arith.constant 0 : i32
    %c0_i32_2 = arith.constant 0 : i32
    return %c0_i32, %c0_i32_0, %c0_i32_1 : i32, i32, i32
  }
  func.func @transform_11(%arg0: i32) -> (i32, i32) {
    %c0_i32 = arith.constant 0 : i32
    %c0_i32_0 = arith.constant 0 : i32
    %c0_i32_1 = arith.constant 0 : i32
    return %c0_i32, %c0_i32_0 : i32, i32
  }
  func.func @transform_12(%arg0: i32) -> (i32, i32) {
    %c0_i32 = arith.constant 0 : i32
    %c0_i32_0 = arith.constant 0 : i32
    %c0_i32_1 = arith.constant 0 : i32
    return %c0_i32, %c0_i32_0 : i32, i32
  }
  func.func @transform_13(%arg0: i32) -> (i32, i32) {
    %c0_i32 = arith.constant 0 : i32
    %c0_i32_0 = arith.constant 0 : i32
    %c0_i32_1 = arith.constant 0 : i32
    return %c0_i32, %c0_i32_0 : i32, i32
  }
  func.func @transform_14(%arg0: i32) -> (i32, i32) {
    %c0_i32 = arith.constant 0 : i32
    %c0_i32_0 = arith.constant 0 : i32
    %c0_i32_1 = arith.constant 0 : i32
    return %c0_i32, %c0_i32_0 : i32, i32
  }
  func.func @transform_15(%arg0: i32) -> (i32, i32) {
    %c0_i32 = arith.constant 0 : i32
    %c0_i32_0 = arith.constant 0 : i32
    %c0_i32_1 = arith.constant 0 : i32
    return %c0_i32, %c0_i32_0 : i32, i32
  }
}

</mosaic_0001>

<sc_bundles>
// kernel: kernel.10.cloned.1.call-start
scs
__scs_entry_jumppad:
0x0: {  	(pc) =	sbr.rel $0x88, $3  }
0x1: {  	(tag) =	ssettag $0x0;
	lr =	simm.s32 $0x1  }
0x2: {  	[smem:$0x3F91] =	sst lr;
	_ =	strace $0xD0000000  }
0x3: {  	_ = 	snop  }
0x4: {  	_ = 	snop  }
0x5: {  	_ = 	snop  }
0x6: {  	_ = 	snop  }
0x7: {  	_ = 	snop  }
__scs_overlays_trampoline_lowered:
0x8: {  	[smem:$0x3FA0] =	sst s0  }
0x9: {  	[smem:$0x3FA1] =	sst s1  }
0xa: {  	[smem:$0x3FA2] =	sst s2  }
0xb: {  	[smem:$0x3FA3] =	sst s3  }
0xc: {  	[smem:$0x3FA4] =	sst s4  }
0xd: {  	[smem:$0x3FA5] =	sst s5  }
0xe: {  	[smem:$0x3FA6] =	sst s6  }
0xf: {  	[smem:$0x3FA7] =	sst s7  }
0x10: {  	[smem:$0x3FA8] =	sst s8  }
0x11: {  	[smem:$0x3FA9] =	sst s9;
	s0 =	simm.s32 @!p0 $0x0  }
0x12: {  	s1 =	sld [smem:$0x3F8F];
	s0 =	simm.s32 @p0 $0x1  }
0x13: {  	[smem:$0x3FAA] =	sst s0;
	s0 =	simm.s32 @!p1 $0x0  }
0x14: {  	s2 =	sld [smem:$0x3F8E];
	s0 =	simm.s32 @p1 $0x1  }
0x15: {  	[smem:$0x3FAB] =	sst s0;
	s0 =	simm.s32 @!p2 $0x0  }
0x16: {  	s3 =	sld [smem:$0x3FDB];
	s0 =	simm.s32 @p2 $0x1  }
0x17: {  	s4 =	simm.s32 $0x1BF5;
	[smem:$0x3FAD] =	sst s0  }
0x18: {  	s0 =	sld [smem:$0x3F90];
	_ =	swait.ge [sflag:s4], $0x0  }
0x19: {  	s7 =	sld [smem:$0x3F91]  }
0x1a: {  	s8 =	sadd.s32 $0xFFFFE003, lr  }
0x1b: {  	s9 =	sadd.s32 $0xFFFFFEF7, lr;
	s5 =	simm.s32 $0xFFFFFFFF;
	p2 =	slt.u32 s8, $0xFFFFF086  }
0x1c: {  	p1 =	slt.u32 s9, $0xF7A;
	s5 =	simm.s32 @!p2 $0x0  }
0x1d: {  	s5 =	simm.s32 @p1 $0x1;
	p0 =	seq.s32 s7, s2  }
0x1e: {  	s7 =	smul.u32 @!p0 $0xF7A, s2;
	p2 =	seq.s32 @!p0 s5, $0x0  }
0x1f: {  	s9 =	smul.u32 $0xF7A, s1;
	s8 =	simm.s32 @!p0 $0x1BF5;
	p2 =	por !p2, p0  }
0x20: {  	[sflag:s8] =	ssyncset.s32 @!p0 $0xFFFFF086;
	s6 =	sadd.s32 @!p0 s3, s7;
	s7 =	simm.s32 @!p0 $0x108  }
0x21: {  	s3 =	sadd.s32 s3, s9;
	s6 =	sadd.s32 @!p0 $0x88, s6;
	s7 =	simm.s32 @p2 $0x1082  }
0x22: {  	[simem:s7], [sflag:s8] =	dma.local @!p0 [hbm:s6], $0xF7A  }
0x23: {  	s9 =	sor.u32 $0xD0000000, s2;
	s6 =	simm.s32 $0x108;
	_ =	swait.ge @!p0 [sflag:s8], $0x0  }
0x24: {  	s3 =	sadd.s32 $0x88, s3;
	s6 =	simm.s32 @!p1 $0x1082;
	[sflag:s4] =	ssyncset.s32 $0xFFFFF086  }
0x25: {  	[simem:s6], [sflag:s4] =	dma.local [hbm:s3], $0xF7A  }
0x26: {  	[smem:$0x3F91] =	sst s1;
	(tag) =	ssettag s2;
	_ =	strace s9  }
0x27: {  	s1 =	sld [smem:$0x3FA1]  }
0x28: {  	s2 =	sld [smem:$0x3FA2]  }
0x29: {  	s4 =	sld [smem:$0x3FA4]  }
0x2a: {  	p0 =	seq.s32 s5, $0x0;
	s5 =	sld [smem:$0x3FA5]  }
0x2b: {  	s6 =	sld [smem:$0x3FA6]  }
0x2c: {  	s7 =	sld [smem:$0x3FA7]  }
0x2d: {  	s3 =	simm.s32 $0x108;
	s8 =	sld [smem:$0x3FA8]  }
0x2e: {  	s3 =	simm.s32 @!p0 $0x1082;
	s9 =	sld [smem:$0x3FA9]  }
0x2f: {  	lr =	sadd.s32 s0, s3;
	s0 =	sld [smem:$0x3FA0]  }
0x30: {  	s3 =	sld [smem:$0x3FA3]  }
0x31: {  	[smem:$0x3FAC] =	sst s10  }
0x32: {  	s10 =	sld [smem:$0x3FAA];
	_ =	sdelay $0x3  }
0x33: {  	p0 =	seq.s32 s10, $0x1;
	s10 =	sld [smem:$0x3FAC];
	_ =	sdelay $0x3  }
0x34: {  	[smem:$0x3FAC] =	sst s10  }
0x35: {  	s10 =	sld [smem:$0x3FAB];
	_ =	sdelay $0x3  }
0x36: {  	p1 =	seq.s32 s10, $0x1;
	s10 =	sld [smem:$0x3FAC];
	_ =	sdelay $0x3  }
0x37: {  	[smem:$0x3FAC] =	sst s10  }
0x38: {  	s10 =	sld [smem:$0x3FAD]  }
0x39: {  	_ = 	snop;
	(pc) =	sbr.ind lr, $3  }
0x3a: {  	_ = 	snop  }
0x3b: {  	_ = 	snop  }
0x3c: {  	p2 =	seq.s32 s10, $0x1;
	s10 =	sld [smem:$0x3FAC]  }
0x3d: {  	_ =	shalt  }
0x3e: {  	_ =	shalt  }
0x3f: {  	_ =	shalt  }
0x40: {  	_ =	shalt  }
0x41: {  	_ =	shalt  }
0x42: {  	_ =	shalt  }
0x43: {  	_ =	shalt  }
0x44: {  	_ =	shalt  }
0x45: {  	_ =	shalt  }
0x46: {  	_ =	shalt  }
0x47: {  	_ =	shalt  }
0x48: {  	_ =	shalt  }
0x49: {  	_ =	shalt  }
0x4a: {  	_ =	shalt  }
0x4b: {  	_ =	shalt  }
0x4c: {  	_ =	shalt  }
0x4d: {  	_ =	shalt  }
0x4e: {  	_ =	shalt  }
0x4f: {  	_ =	shalt  }
0x50: {  	_ =	shalt  }
0x51: {  	_ =	shalt  }
0x52: {  	_ =	shalt  }
0x53: {  	_ =	shalt  }
0x54: {  	_ =	shalt  }
0x55: {  	_ =	shalt  }
0x56: {  	_ =	shalt  }
0x57: {  	_ =	shalt  }
0x58: {  	_ =	shalt  }
0x59: {  	_ =	shalt  }
0x5a: {  	_ =	shalt  }
0x5b: {  	_ =	shalt  }
0x5c: {  	_ =	shalt  }
0x5d: {  	_ =	shalt  }
0x5e: {  	_ =	shalt  }
0x5f: {  	_ =	shalt  }
0x60: {  	_ =	shalt  }
0x61: {  	_ =	shalt  }
0x62: {  	_ =	shalt  }
0x63: {  	_ =	shalt  }
0x64: {  	_ =	shalt  }
0x65: {  	_ =	shalt  }
0x66: {  	_ =	shalt  }
0x67: {  	_ =	shalt  }
0x68: {  	_ =	shalt  }
0x69: {  	_ =	shalt  }
0x6a: {  	_ =	shalt  }
0x6b: {  	_ =	shalt  }
0x6c: {  	_ =	shalt  }
0x6d: {  	_ =	shalt  }
0x6e: {  	_ =	shalt  }
0x6f: {  	_ =	shalt  }
0x70: {  	_ =	shalt  }
0x71: {  	_ =	shalt  }
0x72: {  	_ =	shalt  }
0x73: {  	_ =	shalt  }
0x74: {  	_ =	shalt  }
0x75: {  	_ =	shalt  }
0x76: {  	_ =	shalt  }
0x77: {  	_ =	shalt  }
0x78: {  	_ =	shalt  }
0x79: {  	_ =	shalt  }
0x7a: {  	_ =	shalt  }
0x7b: {  	_ =	shalt  }
0x7c: {  	_ =	shalt  }
0x7d: {  	_ =	shalt  }
0x7e: {  	_ =	shalt  }
0x7f: {  	_ =	shalt  }
0x80: {  	_ =	shalt  }
0x81: {  	_ =	shalt  }
0x82: {  	_ =	shalt  }
0x83: {  	_ =	shalt  }
0x84: {  	_ =	shalt  }
0x85: {  	_ =	shalt  }
0x86: {  	_ =	shalt  }
0x87: {  	_ =	shalt  }
.Lfunc_end0:
.L_simem_size_0:
called_computation.1_lowered:
.L_overlay_start_0:
0x88: {  	s0 =	sld [smem:$0x3FD9]  }
0x89: {  	s1 =	sld [smem:$0x3FFE];
	_ =	sdelay $0x3  }
0x8a: {  	s0 =	sadd.s32 s1, s0  }
0x8b: {  	[smem:$0x3FB8] =	sst s0  }
0x8c: {  	_ = 	snop  }
0x8d: {  	(tm) =	ssettm $0x1  }
0x8e: {  	s15 =	sld [smem:$0x3FFB];
	_ =	sdelay $0x3  }
0x8f: {  	_ =	strace s15  }
0x90: {  	s0 =	sld [smem:$0x3FFC];
	_ =	sdelay $0x3  }
0x91: {  	_ =	strace s0  }
0x92: {  	s0 =	sld [smem:$0x3FFD];
	_ =	sdelay $0x3  }
0x93: {  	_ =	strace s0  }
0x94: {  	_ =	strace $0x8FFFFFFF  }
0x95: {  	s16 =	sld [smem:$0x3FDB];
	_ =	sdelay $0x1  }
0x96: {  	s17 =	simm.s32 $_scs_section_size  }
0x97: {  	s2 =	simm.s32 $_size__tile_overlayer_lowered;
	s3 =	simm.s32 $_tile_overlayer_lowered  }
0x98: {  	s20 =	simm.s32 $0x1BFF;
	s19 =	sshll.u32 s3, $0x1;
	s0 =	sadd.s32 s17, s16  }
0x99: {  	s4 =	simm.s32 $0x0;
	s18 =	sshll.u32 s2, $0x1;
	s2 =	sadd.s32 s19, s0  }
0x9a: {  	[timem:s4], [sflag:s20] =	dma.local [hbm:s2], s18  }
0x9b: {  	_ =	swait.ge [sflag:s20], s18  }
0x9c: {  	s1 =	ssub.s32 $0x0, s18;
	[sflag:s20] =	ssyncset.done $0x0  }
0x9d: {  	[sflag:s20] =	ssyncadd.s32 s1;
	_ =	sdelay $0x1  }
0x9e: {  	s21 =	simm.s32 $0x1B8B  }
0x9f: {  	_ =	swait.ge [sflag:s21], $0x1  }
0xa0: {  	[sflag:s21] =	ssyncset.done $0x0  }
0xa1: {  	s23 =	simm.s32 $0x1B8E;
	s22 =	sld [smem:$0x3FFE];
	[sflag:s21] =	ssyncadd.s32 $0xFFFFFFFF  }
0xa2: {  	s24 =	simm.s32 $execute0_lowered;
	[smem:$0x3FD2] =	sst s23  }
0xa3: {  	s2 =	sshll.u32 s24, $0x1;
	_ =	strace $0x80000049;
	[dreg:$0x1] =	wrdreg $0xFFFFFFFF  }
0xa4: {  	s25 =	simm.s32 $_size_execute0_lowered;
	s0 =	sadd.s32 s0, s2;
	[dreg:$0x0] =	wrdreg $0x0  }
0xa5: {  	s2 =	sshll.u32 s25, $0x1;
	[dreg:$0x2] =	wrdreg s0  }
0xa6: {  	[dreg:$0x3] =	wrdreg s2  }
0xa7: {  	[dreg:$0x4] =	wrdreg $0xC0  }
0xa8: {  	_ =	task [dreg:s4], $0x5FFFF  }
0xa9: {  	[dreg:$0x1] =	wrdreg $0xFFFFFFFF  }
0xaa: {  	[dreg:$0x0] =	wrdreg $0x60  }
0xab: {  	[dreg:$0x2] =	wrdreg s22  }
0xac: {  	[dreg:$0x3] =	wrdreg $0xD0000  }
0xad: {  	[dreg:$0x4] =	wrdreg $0x9  }
0xae: {  	_ =	task.clear_ibuf [dreg:s4], $0x5FFFF;
	_ =	strace $0x90000049  }
0xaf: {  	s26 =	simm.s32 $0x9;
	_ =	strace $0x8000004B  }
0xb0: {  	_ =	swait.ge [sflag:s26], $0x1  }
0xb1: {  	[sflag:s26] =	ssyncadd.s32 $0xFFFFFFFF  }
0xb2: {  	_ =	strace $0x9000004B  }
0xb3: {  	_ =	sfence  }
0xb4: {  	s28 =	sld [smem:$0x0];
	_ =	sdelay $0x1  }
0xb5: {  	s29 =	srdreg.scid  }
0xb6: {  	s30 =	sshll.u32 s29, $0xD;
	s31 =	sshrl.u32 s29, $0x2  }
0xb7: {  	s1 =	sand.u32 $0x1, s29;
	s2 =	sand.u32 $0x4000, s30;
	s0 =	sadd.s32 s31, s28  }
0xb8: {  	s1 =	sor.u32 s2, s1;
	s0 =	sshll.u32 s0, $0x11  }
0xb9: {  	s0 =	sor.u32 s0, s1  }
0xba: {  	s0 =	sadd.s32 $0x8F2B, s0  }
0xbb: {  	[sflag:s0] =	ssyncadd.remote.s32 $0x1  }
0xbc: {  	_ =	sfence.sel $0xFFFF  }
0xbd: {  	[dreg:$0x0] =	wrdreg $0xFFFFFFFF;
	(pc) =	sbr.abs _section_cstart, $3  }
0xbe: {  	[dreg:$0x1] =	wrdreg $0xFFFFFFFF  }
0xbf: {  	_ =	task.clear_ibuf [dreg:s4], $0x2FFFF;
	_ =	strace $0x9FFFFFFF  }
0xc0: {  	(tm) =	ssettm $0x7FFFFFFF  }
0xc1: {  	_ =	shalt  }
tec
execute0_lowered:
.L_overlay_start_1:
0x0: {  	(tag) =	ssettag $0x1  }
0x1: {  	s16 =	rddreg [dreg:$0x0]  }
0x2: {  	s5 =	rddreg [dreg:$0x1];
	s1 =	stileid.u32  }
0x3: {  	s0 =	rddreg [dreg:$0x2];
	s6 =	simm.s32 $0x0;
	s2 =	smul.u32 $0x5000, s1  }
0x4: {  	s8 =	simm.s32 $0x3;
	[smem:$0x7FF] =	sst s6;
	s3 =	sshll.u32 s1, $0x6  }
0x5: {  	s7 =	sadd.s32 $0x15200, s16;
	s20 =	smul.u32 $0x500, s1;
	s4 =	sadd.s32 s2, s5  }
0x6: {  	_ =	strace $0x8000004A;
	s3 =	sor.u32 $0x1C03, s3;
	s4 =	sshrl.u32 s4, $0x3  }
0x7: {  	[spmem:s4], [sflag:s3] =	dma.local [hbm:s7], $0xA00  }
0x8: {  	_ =	swait.ge [sflag:s8], $0xA00  }
0x9: {  	s7 =	sadd.s32 s20, s16;
	[sflag:s8] =	ssyncset.done $0x0  }
0xa: {  	s9 =	sadd.s32 $0x10200, s7;
	[sflag:s8] =	ssyncadd.s32 $0xFFFFF600  }
0xb: {  	[tilespmem:s6], [sflag:$0x3] =	stream.linear.gather [hbm4b:s9+s6], $0x2800, $0x38;
	[tilespmem:$0x12000] =	vst v63  }
0xc: {  	_ =	swait.ge [sflag:s8], $0x2800  }
0xd: {  	[sflag:s8] =	ssyncset.done $0x0  }
0xe: {  	s21 =	simm.s32 $0x2800;
	s7 =	sadd.s32 $0xB200, s7;
	[sflag:s8] =	ssyncadd.s32 $0xFFFFD800  }
0xf: {  	[tilespmem:s21], [sflag:$0x3] =	stream.linear.gather [hbm4b:s7+s6], $0x2800, $0x38;
	[tilespmem:$0x12000] =	vst v63  }
0x10: {  	_ =	swait.ge [sflag:s8], $0x2800  }
0x11: {  	p0 =	por $0x1, $0x1;
	[sflag:s8] =	ssyncset.done $0x0  }
0x12: {  	p0 =	por p0, p0;
	[sflag:s8] =	ssyncadd.s32 $0xFFFFD800  }
0x13: {  	s8 =	simm.s32 @!p0 $0x2;
	[bflag:$0x0] =	sbarrier.arrive $0xFFFF  }
0x14: {  	_ =	swait.ge @!p0 [sflag:s8], $0x1000  }
0x15: {  	[sflag:s8] =	ssyncset.done @!p0 $0x0  }
0x16: {  	[sflag:s8] =	ssyncadd.s32 @!p0 $0xFFFFF000  }
0x17: {  	_ =	swait.ge @!p0 [sflag:s8], $0x1000  }
0x18: {  	[sflag:s8] =	ssyncset.done @!p0 $0x0  }
0x19: {  	[sflag:s8] =	ssyncadd.s32 @!p0 $0xFFFFF000  }
0x1a: {  	_ =	swait.ge @!p0 [sflag:s8], $0x1000  }
0x1b: {  	[sflag:s8] =	ssyncset.done @!p0 $0x0  }
0x1c: {  	[sflag:s8] =	ssyncadd.s32 @!p0 $0xFFFFF000  }
0x1d: {  	_ =	swait.ge @!p0 [sflag:s8], $0x1000  }
0x1e: {  	[sflag:s8] =	ssyncset.done @!p0 $0x0  }
0x1f: {  	[sflag:s8] =	ssyncadd.s32 @!p0 $0xFFFFF000  }
0x20: {  	_ =	swait.ge @!p0 [sflag:s8], $0x1000  }
0x21: {  	[sflag:s8] =	ssyncset.done @!p0 $0x0  }
0x22: {  	[sflag:s8] =	ssyncadd.s32 @!p0 $0xFFFFF000  }
0x23: {  	_ =	swait.ge @!p0 [sflag:s8], $0x1000  }
0x24: {  	[sflag:s8] =	ssyncset.done @!p0 $0x0  }
0x25: {  	[sflag:s8] =	ssyncadd.s32 @!p0 $0xFFFFF000  }
0x26: {  	_ =	swait.ge @!p0 [sflag:s8], $0x1000  }
0x27: {  	[sflag:s8] =	ssyncset.done @!p0 $0x0  }
0x28: {  	[sflag:s8] =	ssyncadd.s32 @!p0 $0xFFFFF000  }
0x29: {  	_ =	swait.ge @!p0 [sflag:s8], $0x1000  }
0x2a: {  	s22 =	simm.s32 $0x0;
	s15 =	sadd.s32 $0x1400, s16;
	[sflag:s8] =	ssyncset.done @!p0 $0x0  }
0x2b: {  	s6 =	simm.s32 $0x80;
	s7 =	simm.s32 $0x5000;
	[sflag:s8] =	ssyncadd.s32 @!p0 $0xFFFFF000  }
0x2c: {  	[tilespmem:s7], [sflag:$0x1] =	stream.indirect.gather [hbm4b:s15+s6], $0x20, s22, s6, $0xb8;
	[tilespmem:$0x12000] =	vst v63  }
0x2d: {  	s23 =	simm.s32 $0x80;
	s8 =	simm.s32 $0x6000  }
0x2e: {  	[tilespmem:s8], [sflag:$0x1] =	stream.indirect.gather [hbm4b:s15+s6], $0x20, s23, s6, $0xb8;
	[tilespmem:$0x12000] =	vst v63  }
0x2f: {  	s10 =	simm.s32 $0x100;
	s9 =	simm.s32 $0x7000  }
0x30: {  	[tilespmem:s9], [sflag:$0x1] =	stream.indirect.gather [hbm4b:s15+s6], $0x20, s10, s6, $0xb8;
	[tilespmem:$0x12000] =	vst v63  }
0x31: {  	s11 =	simm.s32 $0x180;
	s10 =	simm.s32 $0x8000  }
0x32: {  	[tilespmem:s10], [sflag:$0x1] =	stream.indirect.gather [hbm4b:s15+s6], $0x20, s11, s6, $0xb8;
	[tilespmem:$0x12000] =	vst v63  }
0x33: {  	s12 =	simm.s32 $0x200;
	s11 =	simm.s32 $0x9000  }
0x34: {  	[tilespmem:s11], [sflag:$0x1] =	stream.indirect.gather [hbm4b:s15+s6], $0x20, s12, s6, $0xb8;
	[tilespmem:$0x12000] =	vst v63  }
0x35: {  	s13 =	simm.s32 $0x280;
	s12 =	simm.s32 $0xA000  }
0x36: {  	[tilespmem:s12], [sflag:$0x1] =	stream.indirect.gather [hbm4b:s15+s6], $0x20, s13, s6, $0xb8;
	[tilespmem:$0x12000] =	vst v63  }
0x37: {  	s14 =	simm.s32 $0x300;
	s13 =	simm.s32 $0xB000  }
0x38: {  	[tilespmem:s13], [sflag:$0x1] =	stream.indirect.gather [hbm4b:s15+s6], $0x20, s14, s6, $0xb8;
	[tilespmem:$0x12000] =	vst v63  }
0x39: {  	s17 =	simm.s32 $0x1;
	s18 =	simm.s32 $0x380;
	s14 =	simm.s32 $0xC000  }
0x3a: {  	[tilespmem:s14], [sflag:$0x1] =	stream.indirect.gather [hbm4b:s15+s6], $0x20, s18, s6, $0xb8;
	[tilespmem:$0x12000] =	vst v63  }
0x3b: {  	_ =	swait.ge [sflag:s17], $0x1000  }
0x3c: {  	[sflag:s17] =	ssyncset.done $0x0  }
0x3d: {  	[sflag:s17] =	ssyncadd.s32 $0xFFFFF000  }
0x3e: {  	_ =	swait.ge [sflag:s17], $0x1000  }
0x3f: {  	[sflag:s17] =	ssyncset.done $0x0  }
0x40: {  	[sflag:s17] =	ssyncadd.s32 $0xFFFFF000  }
0x41: {  	_ =	swait.ge [sflag:s17], $0x1000  }
0x42: {  	[sflag:s17] =	ssyncset.done $0x0  }
0x43: {  	[sflag:s17] =	ssyncadd.s32 $0xFFFFF000  }
0x44: {  	_ =	swait.ge [sflag:s17], $0x1000  }
0x45: {  	[sflag:s17] =	ssyncset.done $0x0  }
0x46: {  	[sflag:s17] =	ssyncadd.s32 $0xFFFFF000  }
0x47: {  	_ =	swait.ge [sflag:s17], $0x1000  }
0x48: {  	[sflag:s17] =	ssyncset.done $0x0  }
0x49: {  	[sflag:s17] =	ssyncadd.s32 $0xFFFFF000  }
0x4a: {  	_ =	swait.ge [sflag:s17], $0x1000  }
0x4b: {  	[sflag:s17] =	ssyncset.done $0x0  }
0x4c: {  	[sflag:s17] =	ssyncadd.s32 $0xFFFFF000  }
0x4d: {  	_ =	swait.ge [sflag:s17], $0x1000  }
0x4e: {  	[sflag:s17] =	ssyncset.done $0x0  }
0x4f: {  	[sflag:s17] =	ssyncadd.s32 $0xFFFFF000  }
0x50: {  	_ =	swait.ge [sflag:s17], $0x1000  }
0x51: {  	[sflag:s17] =	ssyncset.done $0x0  }
0x52: {  	s24 =	simm.s32 $0x2800;
	[sflag:s17] =	ssyncadd.s32 $0xFFFFF000  }
0x53: {  	[spmem:s5] =	stream.indirect.scatter.add.f32 [tilespmem:s7], [sflag:$0x2], $0x20, s24, s6, $0xb8;
	[tilespmem:$0x12000] =	vst v63  }
0x54: {  	s25 =	simm.s32 $0x2880  }
0x55: {  	[spmem:s5] =	stream.indirect.scatter.add.f32 [tilespmem:s8], [sflag:$0x2], $0x20, s25, s6, $0xb8;
	[tilespmem:$0x12000] =	vst v63  }
0x56: {  	s26 =	simm.s32 $0x2900  }
0x57: {  	[spmem:s5] =	stream.indirect.scatter.add.f32 [tilespmem:s9], [sflag:$0x2], $0x20, s26, s6, $0xb8;
	[tilespmem:$0x12000] =	vst v63  }
0x58: {  	s28 =	simm.s32 $0x2980  }
0x59: {  	[spmem:s5] =	stream.indirect.scatter.add.f32 [tilespmem:s10], [sflag:$0x2], $0x20, s28, s6, $0xb8;
	[tilespmem:$0x12000] =	vst v63  }
0x5a: {  	s29 =	simm.s32 $0x2A00;
	s30 =	simm.s32 $0x2A80;
	s31 =	simm.s32 $0x2B00  }
0x5b: {  	[spmem:s5] =	stream.indirect.scatter.add.f32 [tilespmem:s11], [sflag:$0x2], $0x20, s29, s6, $0xb8;
	[tilespmem:$0x12000] =	vst v63  }
0x5c: {  	p6 =	por $0x0, $0x0;
	s19 =	simm.s32 $0x2000;
	s16 =	sadd.s32 $0x64000, s16  }
0x5d: {  	[spmem:s5] =	stream.indirect.scatter.add.f32 [tilespmem:s12], [sflag:$0x2], $0x20, s30, s6, $0xb8;
	[tilespmem:$0x12000] =	vst v63  }
0x5e: {  	s20 =	simm.s32 $0x2B80;
	p0 =	por p6, p6;
	s18 =	simm.s32 $0x1000  }
0x5f: {  	[spmem:s5] =	stream.indirect.scatter.add.f32 [tilespmem:s13], [sflag:$0x2], $0x20, s31, s6, $0xb8;
	[tilespmem:$0x12000] =	vst v63  }
.LBB2_1:
0x60: {  	[spmem:s5] =	stream.indirect.scatter.add.f32 [tilespmem:s14], [sflag:$0x2], $0x20, s20, s6, $0xb8;
	[tilespmem:$0x12000] =	vst v63  }
0x61: {  	s21 =	smov.u32 s19  }
0x62: {  	s19 =	sadd.s32 $0x1000, s19;
	s20 =	simm.s32 @!p0 $0x2;
	p2 =	seq.s32 s21, $0x0  }
0x63: {  	p1 =	sne.s32 s19, $0xA000;
	_ =	swait.ge @!p0 [sflag:s20], $0x1000  }
0x64: {  	[sflag:s20] =	ssyncset.done @!p0 $0x0  }
0x65: {  	[sflag:s20] =	ssyncadd.s32 @!p0 $0xFFFFF000  }
0x66: {  	_ =	swait.ge @!p0 [sflag:s20], $0x1000  }
0x67: {  	[sflag:s20] =	ssyncset.done @!p0 $0x0  }
0x68: {  	[sflag:s20] =	ssyncadd.s32 @!p0 $0xFFFFF000  }
0x69: {  	_ =	swait.ge @!p0 [sflag:s20], $0x1000  }
0x6a: {  	[sflag:s20] =	ssyncset.done @!p0 $0x0  }
0x6b: {  	[sflag:s20] =	ssyncadd.s32 @!p0 $0xFFFFF000  }
0x6c: {  	_ =	swait.ge @!p0 [sflag:s20], $0x1000  }
0x6d: {  	[sflag:s20] =	ssyncset.done @!p0 $0x0  }
0x6e: {  	[sflag:s20] =	ssyncadd.s32 @!p0 $0xFFFFF000  }
0x6f: {  	_ =	swait.ge @!p0 [sflag:s20], $0x1000  }
0x70: {  	[sflag:s20] =	ssyncset.done @!p0 $0x0  }
0x71: {  	[sflag:s20] =	ssyncadd.s32 @!p0 $0xFFFFF000  }
0x72: {  	_ =	swait.ge @!p0 [sflag:s20], $0x1000  }
0x73: {  	[sflag:s20] =	ssyncset.done @!p0 $0x0  }
0x74: {  	[sflag:s20] =	ssyncadd.s32 @!p0 $0xFFFFF000  }
0x75: {  	_ =	swait.ge @!p0 [sflag:s20], $0x1000  }
0x76: {  	[sflag:s20] =	ssyncset.done @!p0 $0x0  }
0x77: {  	[sflag:s20] =	ssyncadd.s32 @!p0 $0xFFFFF000  }
0x78: {  	_ =	swait.ge @!p0 [sflag:s20], $0x1000  }
0x79: {  	[sflag:s20] =	ssyncset.done @!p0 $0x0  }
0x7a: {  	[sflag:s20] =	ssyncadd.s32 @!p0 $0xFFFFF000;
	s20 =	sshra.s32 s18, $0x2;
	s18 =	smov.u32 s21  }
0x7b: {  	[tilespmem:s7], [sflag:$0x1] =	stream.indirect.gather [hbm4b:s15+s6], $0x20, s20, s6, $0xb8;
	[tilespmem:$0x12000] =	vst v63  }
0x7c: {  	p0 =	por p2, p2;
	s21 =	sadd.s32 $0x80, s20  }
0x7d: {  	[tilespmem:s8], [sflag:$0x1] =	stream.indirect.gather [hbm4b:s15+s6], $0x20, s21, s6, $0xb8;
	[tilespmem:$0x12000] =	vst v63  }
0x7e: {  	s21 =	sadd.s32 $0x100, s20  }
0x7f: {  	[tilespmem:s9], [sflag:$0x1] =	stream.indirect.gather [hbm4b:s15+s6], $0x20, s21, s6, $0xb8;
	[tilespmem:$0x12000] =	vst v63  }
0x80: {  	s21 =	sadd.s32 $0x180, s20  }
0x81: {  	[tilespmem:s10], [sflag:$0x1] =	stream.indirect.gather [hbm4b:s15+s6], $0x20, s21, s6, $0xb8;
	[tilespmem:$0x12000] =	vst v63  }
0x82: {  	s21 =	sadd.s32 $0x200, s20  }
0x83: {  	[tilespmem:s11], [sflag:$0x1] =	stream.indirect.gather [hbm4b:s15+s6], $0x20, s21, s6, $0xb8;
	[tilespmem:$0x12000] =	vst v63  }
0x84: {  	s21 =	sadd.s32 $0x280, s20  }
0x85: {  	[tilespmem:s12], [sflag:$0x1] =	stream.indirect.gather [hbm4b:s15+s6], $0x20, s21, s6, $0xb8;
	[tilespmem:$0x12000] =	vst v63  }
0x86: {  	s21 =	sadd.s32 $0x300, s20  }
0x87: {  	[tilespmem:s13], [sflag:$0x1] =	stream.indirect.gather [hbm4b:s15+s6], $0x20, s21, s6, $0xb8;
	[tilespmem:$0x12000] =	vst v63  }
0x88: {  	s21 =	sadd.s32 $0x380, s20  }
0x89: {  	[tilespmem:s14], [sflag:$0x1] =	stream.indirect.gather [hbm4b:s15+s6], $0x20, s21, s6, $0xb8;
	[tilespmem:$0x12000] =	vst v63  }
0x8a: {  	_ =	swait.ge [sflag:s17], $0x1000  }
0x8b: {  	[sflag:s17] =	ssyncset.done $0x0  }
0x8c: {  	[sflag:s17] =	ssyncadd.s32 $0xFFFFF000  }
0x8d: {  	_ =	swait.ge [sflag:s17], $0x1000  }
0x8e: {  	[sflag:s17] =	ssyncset.done $0x0  }
0x8f: {  	[sflag:s17] =	ssyncadd.s32 $0xFFFFF000  }
0x90: {  	_ =	swait.ge [sflag:s17], $0x1000  }
0x91: {  	[sflag:s17] =	ssyncset.done $0x0  }
0x92: {  	[sflag:s17] =	ssyncadd.s32 $0xFFFFF000  }
0x93: {  	_ =	swait.ge [sflag:s17], $0x1000  }
0x94: {  	[sflag:s17] =	ssyncset.done $0x0  }
0x95: {  	[sflag:s17] =	ssyncadd.s32 $0xFFFFF000  }
0x96: {  	_ =	swait.ge [sflag:s17], $0x1000  }
0x97: {  	[sflag:s17] =	ssyncset.done $0x0  }
0x98: {  	[sflag:s17] =	ssyncadd.s32 $0xFFFFF000  }
0x99: {  	_ =	swait.ge [sflag:s17], $0x1000  }
0x9a: {  	[sflag:s17] =	ssyncset.done $0x0  }
0x9b: {  	[sflag:s17] =	ssyncadd.s32 $0xFFFFF000  }
0x9c: {  	_ =	swait.ge [sflag:s17], $0x1000  }
0x9d: {  	[sflag:s17] =	ssyncset.done $0x0  }
0x9e: {  	[sflag:s17] =	ssyncadd.s32 $0xFFFFF000  }
0x9f: {  	_ =	swait.ge [sflag:s17], $0x1000  }
0xa0: {  	[sflag:s17] =	ssyncset.done $0x0  }
0xa1: {  	s21 =	sadd.s32 $0x2800, s20;
	[sflag:s17] =	ssyncadd.s32 $0xFFFFF000  }
0xa2: {  	[spmem:s5] =	stream.indirect.scatter.add.f32 [tilespmem:s7], [sflag:$0x2], $0x20, s21, s6, $0xb8;
	[tilespmem:$0x12000] =	vst v63  }
0xa3: {  	s21 =	sadd.s32 $0x2880, s20  }
0xa4: {  	[spmem:s5] =	stream.indirect.scatter.add.f32 [tilespmem:s8], [sflag:$0x2], $0x20, s21, s6, $0xb8;
	[tilespmem:$0x12000] =	vst v63  }
0xa5: {  	s21 =	sadd.s32 $0x2900, s20  }
0xa6: {  	[spmem:s5] =	stream.indirect.scatter.add.f32 [tilespmem:s9], [sflag:$0x2], $0x20, s21, s6, $0xb8;
	[tilespmem:$0x12000] =	vst v63  }
0xa7: {  	s21 =	sadd.s32 $0x2980, s20  }
0xa8: {  	[spmem:s5] =	stream.indirect.scatter.add.f32 [tilespmem:s10], [sflag:$0x2], $0x20, s21, s6, $0xb8;
	[tilespmem:$0x12000] =	vst v63  }
0xa9: {  	s21 =	sadd.s32 $0x2A00, s20  }
0xaa: {  	[spmem:s5] =	stream.indirect.scatter.add.f32 [tilespmem:s11], [sflag:$0x2], $0x20, s21, s6, $0xb8;
	[tilespmem:$0x12000] =	vst v63  }
.Ltmp0:
0xab: {  	s21 =	sadd.s32 $0x2A80, s20;
	(pc) =	sbr.rel @p1 .LBB2_1-.Ltmp0, $4  }
0xac: {  	[spmem:s5] =	stream.indirect.scatter.add.f32 [tilespmem:s12], [sflag:$0x2], $0x20, s21, s6, $0xb8;
	[tilespmem:$0x12000] =	vst v63  }
0xad: {  	s21 =	sadd.s32 $0x2B00, s20  }
0xae: {  	[spmem:s5] =	stream.indirect.scatter.add.f32 [tilespmem:s13], [sflag:$0x2], $0x20, s21, s6, $0xb8;
	[tilespmem:$0x12000] =	vst v63  }
0xaf: {  	s20 =	sadd.s32 $0x2B80, s20  }
0xb0: {  	[spmem:s5] =	stream.indirect.scatter.add.f32 [tilespmem:s14], [sflag:$0x2], $0x20, s20, s6, $0xb8;
	[tilespmem:$0x12000] =	vst v63  }
0xb1: {  	s19 =	simm.s32 @!p0 $0x2  }
0xb2: {  	_ =	swait.ge @!p0 [sflag:s19], $0x1000  }
0xb3: {  	[sflag:s19] =	ssyncset.done @!p0 $0x0  }
0xb4: {  	[sflag:s19] =	ssyncadd.s32 @!p0 $0xFFFFF000  }
0xb5: {  	_ =	swait.ge @!p0 [sflag:s19], $0x1000  }
0xb6: {  	[sflag:s19] =	ssyncset.done @!p0 $0x0  }
0xb7: {  	[sflag:s19] =	ssyncadd.s32 @!p0 $0xFFFFF000  }
0xb8: {  	_ =	swait.ge @!p0 [sflag:s19], $0x1000  }
0xb9: {  	[sflag:s19] =	ssyncset.done @!p0 $0x0  }
0xba: {  	[sflag:s19] =	ssyncadd.s32 @!p0 $0xFFFFF000  }
0xbb: {  	_ =	swait.ge @!p0 [sflag:s19], $0x1000  }
0xbc: {  	[sflag:s19] =	ssyncset.done @!p0 $0x0  }
0xbd: {  	[sflag:s19] =	ssyncadd.s32 @!p0 $0xFFFFF000  }
0xbe: {  	_ =	swait.ge @!p0 [sflag:s19], $0x1000  }
0xbf: {  	[sflag:s19] =	ssyncset.done @!p0 $0x0  }
0xc0: {  	[sflag:s19] =	ssyncadd.s32 @!p0 $0xFFFFF000  }
0xc1: {  	_ =	swait.ge @!p0 [sflag:s19], $0x1000  }
0xc2: {  	[sflag:s19] =	ssyncset.done @!p0 $0x0  }
0xc3: {  	[sflag:s19] =	ssyncadd.s32 @!p0 $0xFFFFF000  }
0xc4: {  	_ =	swait.ge @!p0 [sflag:s19], $0x1000  }
0xc5: {  	[sflag:s19] =	ssyncset.done @!p0 $0x0  }
0xc6: {  	[sflag:s19] =	ssyncadd.s32 @!p0 $0xFFFFF000  }
0xc7: {  	_ =	swait.ge @!p0 [sflag:s19], $0x1000  }
0xc8: {  	[sflag:s19] =	ssyncset.done @!p0 $0x0  }
0xc9: {  	s18 =	sshra.s32 s18, $0x2;
	[sflag:s19] =	ssyncadd.s32 @!p0 $0xFFFFF000  }
0xca: {  	[tilespmem:s7], [sflag:$0x1] =	stream.indirect.gather [hbm4b:s15+s6], $0x20, s18, s6, $0xb8;
	[tilespmem:$0x12000] =	vst v63  }
0xcb: {  	s25 =	sadd.s32 $0x80, s18  }
0xcc: {  	[tilespmem:s8], [sflag:$0x1] =	stream.indirect.gather [hbm4b:s15+s6], $0x20, s25, s6, $0xb8;
	[tilespmem:$0x12000] =	vst v63  }
0xcd: {  	s26 =	sadd.s32 $0x100, s18  }
0xce: {  	[tilespmem:s9], [sflag:$0x1] =	stream.indirect.gather [hbm4b:s15+s6], $0x20, s26, s6, $0xb8;
	[tilespmem:$0x12000] =	vst v63  }
0xcf: {  	s28 =	sadd.s32 $0x180, s18  }
0xd0: {  	[tilespmem:s10], [sflag:$0x1] =	stream.indirect.gather [hbm4b:s15+s6], $0x20, s28, s6, $0xb8;
	[tilespmem:$0x12000] =	vst v63  }
0xd1: {  	s29 =	sadd.s32 $0x200, s18  }
0xd2: {  	[tilespmem:s11], [sflag:$0x1] =	stream.indirect.gather [hbm4b:s15+s6], $0x20, s29, s6, $0xb8;
	[tilespmem:$0x12000] =	vst v63  }
0xd3: {  	s30 =	sadd.s32 $0x280, s18  }
0xd4: {  	[tilespmem:s12], [sflag:$0x1] =	stream.indirect.gather [hbm4b:s15+s6], $0x20, s30, s6, $0xb8;
	[tilespmem:$0x12000] =	vst v63  }
0xd5: {  	s31 =	sadd.s32 $0x300, s18  }
0xd6: {  	[tilespmem:s13], [sflag:$0x1] =	stream.indirect.gather [hbm4b:s15+s6], $0x20, s31, s6, $0xb8;
	[tilespmem:$0x12000] =	vst v63  }
0xd7: {  	s20 =	sadd.s32 $0x380, s18  }
0xd8: {  	[tilespmem:s14], [sflag:$0x1] =	stream.indirect.gather [hbm4b:s15+s6], $0x20, s20, s6, $0xb8;
	[tilespmem:$0x12000] =	vst v63  }
0xd9: {  	_ =	swait.ge [sflag:s17], $0x1000  }
0xda: {  	[sflag:s17] =	ssyncset.done $0x0  }
0xdb: {  	[sflag:s17] =	ssyncadd.s32 $0xFFFFF000  }
0xdc: {  	_ =	swait.ge [sflag:s17], $0x1000  }
0xdd: {  	[sflag:s17] =	ssyncset.done $0x0  }
0xde: {  	[sflag:s17] =	ssyncadd.s32 $0xFFFFF000  }
0xdf: {  	_ =	swait.ge [sflag:s17], $0x1000  }
0xe0: {  	[sflag:s17] =	ssyncset.done $0x0  }
0xe1: {  	[sflag:s17] =	ssyncadd.s32 $0xFFFFF000  }
0xe2: {  	_ =	swait.ge [sflag:s17], $0x1000  }
0xe3: {  	[sflag:s17] =	ssyncset.done $0x0  }
0xe4: {  	[sflag:s17] =	ssyncadd.s32 $0xFFFFF000  }
0xe5: {  	_ =	swait.ge [sflag:s17], $0x1000  }
0xe6: {  	[sflag:s17] =	ssyncset.done $0x0  }
0xe7: {  	[sflag:s17] =	ssyncadd.s32 $0xFFFFF000  }
0xe8: {  	_ =	swait.ge [sflag:s17], $0x1000  }
0xe9: {  	[sflag:s17] =	ssyncset.done $0x0  }
0xea: {  	[sflag:s17] =	ssyncadd.s32 $0xFFFFF000  }
0xeb: {  	_ =	swait.ge [sflag:s17], $0x1000  }
0xec: {  	[sflag:s17] =	ssyncset.done $0x0  }
0xed: {  	[sflag:s17] =	ssyncadd.s32 $0xFFFFF000  }
0xee: {  	_ =	swait.ge [sflag:s17], $0x1000  }
0xef: {  	[sflag:s17] =	ssyncset.done $0x0  }
0xf0: {  	s21 =	sadd.s32 $0x2800, s18;
	[sflag:s17] =	ssyncadd.s32 $0xFFFFF000  }
0xf1: {  	[spmem:s5] =	stream.indirect.scatter.add.f32 [tilespmem:s7], [sflag:$0x2], $0x20, s21, s6, $0xb8;
	[tilespmem:$0x12000] =	vst v63  }
0xf2: {  	s22 =	sadd.s32 $0x2880, s18  }
0xf3: {  	[spmem:s5] =	stream.indirect.scatter.add.f32 [tilespmem:s8], [sflag:$0x2], $0x20, s22, s6, $0xb8;
	[tilespmem:$0x12000] =	vst v63  }
0xf4: {  	s23 =	sadd.s32 $0x2900, s18  }
0xf5: {  	[spmem:s5] =	stream.indirect.scatter.add.f32 [tilespmem:s9], [sflag:$0x2], $0x20, s23, s6, $0xb8;
	[tilespmem:$0x12000] =	vst v63  }
0xf6: {  	s24 =	sadd.s32 $0x2980, s18  }
0xf7: {  	[spmem:s5] =	stream.indirect.scatter.add.f32 [tilespmem:s10], [sflag:$0x2], $0x20, s24, s6, $0xb8;
	[tilespmem:$0x12000] =	vst v63  }
0xf8: {  	s25 =	sadd.s32 $0x2A00, s18  }
0xf9: {  	[spmem:s5] =	stream.indirect.scatter.add.f32 [tilespmem:s11], [sflag:$0x2], $0x20, s25, s6, $0xb8;
	[tilespmem:$0x12000] =	vst v63  }
0xfa: {  	s26 =	sadd.s32 $0x2A80, s18  }
0xfb: {  	[spmem:s5] =	stream.indirect.scatter.add.f32 [tilespmem:s12], [sflag:$0x2], $0x20, s26, s6, $0xb8;
	[tilespmem:$0x12000] =	vst v63  }
0xfc: {  	s28 =	sadd.s32 $0x2B00, s18  }
0xfd: {  	[spmem:s5] =	stream.indirect.scatter.add.f32 [tilespmem:s13], [sflag:$0x2], $0x20, s28, s6, $0xb8;
	[tilespmem:$0x12000] =	vst v63  }
0xfe: {  	s29 =	sadd.s32 $0x2B80, s18;
	s30 =	simm.s32 $0x2  }
0xff: {  	[spmem:s5] =	stream.indirect.scatter.add.f32 [tilespmem:s14], [sflag:$0x2], $0x20, s29, s6, $0xb8;
	[tilespmem:$0x12000] =	vst v63  }
0x100: {  	_ =	swait.ge [sflag:s30], $0x1000  }
0x101: {  	[sflag:s30] =	ssyncset.done $0x0  }
0x102: {  	[sflag:s30] =	ssyncadd.s32 $0xFFFFF000  }
0x103: {  	_ =	swait.ge [sflag:s30], $0x1000  }
0x104: {  	[sflag:s30] =	ssyncset.done $0x0  }
0x105: {  	[sflag:s30] =	ssyncadd.s32 $0xFFFFF000  }
0x106: {  	_ =	swait.ge [sflag:s30], $0x1000  }
0x107: {  	[sflag:s30] =	ssyncset.done $0x0  }
0x108: {  	[sflag:s30] =	ssyncadd.s32 $0xFFFFF000  }
0x109: {  	_ =	swait.ge [sflag:s30], $0x1000  }
0x10a: {  	[sflag:s30] =	ssyncset.done $0x0  }
0x10b: {  	[sflag:s30] =	ssyncadd.s32 $0xFFFFF000  }
0x10c: {  	_ =	swait.ge [sflag:s30], $0x1000  }
0x10d: {  	[sflag:s30] =	ssyncset.done $0x0  }
0x10e: {  	[sflag:s30] =	ssyncadd.s32 $0xFFFFF000  }
0x10f: {  	_ =	swait.ge [sflag:s30], $0x1000  }
0x110: {  	[sflag:s30] =	ssyncset.done $0x0  }
0x111: {  	[sflag:s30] =	ssyncadd.s32 $0xFFFFF000  }
0x112: {  	_ =	swait.ge [sflag:s30], $0x1000  }
0x113: {  	[sflag:s30] =	ssyncset.done $0x0  }
0x114: {  	[sflag:s30] =	ssyncadd.s32 $0xFFFFF000  }
0x115: {  	_ =	swait.ge [sflag:s30], $0x1000  }
0x116: {  	[sflag:s30] =	ssyncset.done $0x0  }
0x117: {  	s2 =	sshrl.u32 s2, $0x3;
	[sflag:s30] =	ssyncadd.s32 $0xFFFFF000  }
0x118: {  	s2 =	sadd.s32 s16, s2;
	s31 =	simm.s32 $0x3;
	[bflag:$0x0] =	sbarrier.arrive $0xFFFF  }
0x119: {  	[hbm:s2], [sflag:s3] =	dma.local [spmem:s4], $0xA00  }
0x11a: {  	_ =	swait.ge [sflag:s31], $0xA00  }
0x11b: {  	[sflag:s31] =	ssyncset.done $0x0  }
0x11c: {  	[sflag:s31] =	ssyncadd.s32 $0xFFFFF600  }
0x11d: {  	_ =	sfence.sel $0x180000  }
0x11e: {  	[bflag:$0x0] =	sbarrier.arrive $0xFFFF  }
0x11f: {  	p0 =	sne.s32 s1, $0x0;
	_ =	strace $0x9000004A  }
0x120: {  	s0 =	sadd.s32 @!p0 $0x100000, s0;
	[bflag:$0x2] =	sbarrier.arrive $0xFFFF  }
0x121: {  	[sflag:s0] =	ssyncadd.tile.s32 @!p0 $0x1;
	_ =	shalt  }
.Lfunc_end2:
_tile_overlayer_lowered:
.L_overlay_start_2:
0x122: {  	(tag) =	ssettag $0x2  }
0x123: {  	s0 =	rddreg [dreg:$0x0];
	s2 =	stileid.u32  }
0x124: {  	s1 =	rddreg [dreg:$0x1];
	p0 =	sne.s32 s2, $0x0  }
0x125: {  	s3 =	rddreg [dreg:$0x2];
	[bflag:$0x3] =	sbarrier.arrive $0xFFFF;
	s2 =	simm.s32 @!p0 $0x1C03  }
0x126: {  	[timem:s3], [sflag:s2] =	dma.local @!p0 [hbm:s0], s1  }
0x127: {  	s0 =	simm.s32 @!p0 $0x3  }
0x128: {  	_ =	swait.ge @!p0 [sflag:s0], s1  }
0x129: {  	s1 =	ssub.s32 @!p0 $0x0, s1;
	[sflag:s0] =	ssyncset.done @!p0 $0x0  }
0x12a: {  	[sflag:s0] =	ssyncadd.s32 @!p0 s1  }
0x12b: {  	[bflag:$0x3] =	sbarrier.arrive $0xFFFF  }
0x12c: {  	_ =	shalt  }

// kernel: kernel.7.cloned.1.call-start
scs
__scs_entry_jumppad:
0x0: {  	(pc) =	sbr.rel $0x88, $3  }
0x1: {  	(tag) =	ssettag $0x0;
	lr =	simm.s32 $0x1  }
0x2: {  	[smem:$0x3F91] =	sst lr;
	_ =	strace $0xD0000000  }
0x3: {  	_ = 	snop  }
0x4: {  	_ = 	snop  }
0x5: {  	_ = 	snop  }
0x6: {  	_ = 	snop  }
0x7: {  	_ = 	snop  }
__scs_overlays_trampoline_lowered:
0x8: {  	[smem:$0x3FA0] =	sst s0  }
0x9: {  	[smem:$0x3FA1] =	sst s1  }
0xa: {  	[smem:$0x3FA2] =	sst s2  }
0xb: {  	[smem:$0x3FA3] =	sst s3  }
0xc: {  	[smem:$0x3FA4] =	sst s4  }
0xd: {  	[smem:$0x3FA5] =	sst s5  }
0xe: {  	[smem:$0x3FA6] =	sst s6  }
0xf: {  	[smem:$0x3FA7] =	sst s7  }
0x10: {  	[smem:$0x3FA8] =	sst s8  }
0x11: {  	[smem:$0x3FA9] =	sst s9;
	s0 =	simm.s32 @!p0 $0x0  }
0x12: {  	s1 =	sld [smem:$0x3F8F];
	s0 =	simm.s32 @p0 $0x1  }
0x13: {  	[smem:$0x3FAA] =	sst s0;
	s0 =	simm.s32 @!p1 $0x0  }
0x14: {  	s2 =	sld [smem:$0x3F8E];
	s0 =	simm.s32 @p1 $0x1  }
0x15: {  	[smem:$0x3FAB] =	sst s0;
	s0 =	simm.s32 @!p2 $0x0  }
0x16: {  	s3 =	sld [smem:$0x3FDB];
	s0 =	simm.s32 @p2 $0x1  }
0x17: {  	s4 =	simm.s32 $0x1BF5;
	[smem:$0x3FAD] =	sst s0  }
0x18: {  	s0 =	sld [smem:$0x3F90];
	_ =	swait.ge [sflag:s4], $0x0  }
0x19: {  	s7 =	sld [smem:$0x3F91]  }
0x1a: {  	s8 =	sadd.s32 $0xFFFFE003, lr  }
0x1b: {  	s9 =	sadd.s32 $0xFFFFFEF7, lr;
	s5 =	simm.s32 $0xFFFFFFFF;
	p2 =	slt.u32 s8, $0xFFFFF086  }
0x1c: {  	p1 =	slt.u32 s9, $0xF7A;
	s5 =	simm.s32 @!p2 $0x0  }
0x1d: {  	s5 =	simm.s32 @p1 $0x1;
	p0 =	seq.s32 s7, s2  }
0x1e: {  	s7 =	smul.u32 @!p0 $0xF7A, s2;
	p2 =	seq.s32 @!p0 s5, $0x0  }
0x1f: {  	s9 =	smul.u32 $0xF7A, s1;
	s8 =	simm.s32 @!p0 $0x1BF5;
	p2 =	por !p2, p0  }
0x20: {  	[sflag:s8] =	ssyncset.s32 @!p0 $0xFFFFF086;
	s6 =	sadd.s32 @!p0 s3, s7;
	s7 =	simm.s32 @!p0 $0x108  }
0x21: {  	s3 =	sadd.s32 s3, s9;
	s6 =	sadd.s32 @!p0 $0x88, s6;
	s7 =	simm.s32 @p2 $0x1082  }
0x22: {  	[simem:s7], [sflag:s8] =	dma.local @!p0 [hbm:s6], $0xF7A  }
0x23: {  	s9 =	sor.u32 $0xD0000000, s2;
	s6 =	simm.s32 $0x108;
	_ =	swait.ge @!p0 [sflag:s8], $0x0  }
0x24: {  	s3 =	sadd.s32 $0x88, s3;
	s6 =	simm.s32 @!p1 $0x1082;
	[sflag:s4] =	ssyncset.s32 $0xFFFFF086  }
0x25: {  	[simem:s6], [sflag:s4] =	dma.local [hbm:s3], $0xF7A  }
0x26: {  	[smem:$0x3F91] =	sst s1;
	(tag) =	ssettag s2;
	_ =	strace s9  }
0x27: {  	s1 =	sld [smem:$0x3FA1]  }
0x28: {  	s2 =	sld [smem:$0x3FA2]  }
0x29: {  	s4 =	sld [smem:$0x3FA4]  }
0x2a: {  	p0 =	seq.s32 s5, $0x0;
	s5 =	sld [smem:$0x3FA5]  }
0x2b: {  	s6 =	sld [smem:$0x3FA6]  }
0x2c: {  	s7 =	sld [smem:$0x3FA7]  }
0x2d: {  	s3 =	simm.s32 $0x108;
	s8 =	sld [smem:$0x3FA8]  }
0x2e: {  	s3 =	simm.s32 @!p0 $0x1082;
	s9 =	sld [smem:$0x3FA9]  }
0x2f: {  	lr =	sadd.s32 s0, s3;
	s0 =	sld [smem:$0x3FA0]  }
0x30: {  	s3 =	sld [smem:$0x3FA3]  }
0x31: {  	[smem:$0x3FAC] =	sst s10  }
0x32: {  	s10 =	sld [smem:$0x3FAA];
	_ =	sdelay $0x3  }
0x33: {  	p0 =	seq.s32 s10, $0x1;
	s10 =	sld [smem:$0x3FAC];
	_ =	sdelay $0x3  }
0x34: {  	[smem:$0x3FAC] =	sst s10  }
0x35: {  	s10 =	sld [smem:$0x3FAB];
	_ =	sdelay $0x3  }
0x36: {  	p1 =	seq.s32 s10, $0x1;
	s10 =	sld [smem:$0x3FAC];
	_ =	sdelay $0x3  }
0x37: {  	[smem:$0x3FAC] =	sst s10  }
0x38: {  	s10 =	sld [smem:$0x3FAD]  }
0x39: {  	_ = 	snop;
	(pc) =	sbr.ind lr, $3  }
0x3a: {  	_ = 	snop  }
0x3b: {  	_ = 	snop  }
0x3c: {  	p2 =	seq.s32 s10, $0x1;
	s10 =	sld [smem:$0x3FAC]  }
0x3d: {  	_ =	shalt  }
0x3e: {  	_ =	shalt  }
0x3f: {  	_ =	shalt  }
0x40: {  	_ =	shalt  }
0x41: {  	_ =	shalt  }
0x42: {  	_ =	shalt  }
0x43: {  	_ =	shalt  }
0x44: {  	_ =	shalt  }
0x45: {  	_ =	shalt  }
0x46: {  	_ =	shalt  }
0x47: {  	_ =	shalt  }
0x48: {  	_ =	shalt  }
0x49: {  	_ =	shalt  }
0x4a: {  	_ =	shalt  }
0x4b: {  	_ =	shalt  }
0x4c: {  	_ =	shalt  }
0x4d: {  	_ =	shalt  }
0x4e: {  	_ =	shalt  }
0x4f: {  	_ =	shalt  }
0x50: {  	_ =	shalt  }
0x51: {  	_ =	shalt  }
0x52: {  	_ =	shalt  }
0x53: {  	_ =	shalt  }
0x54: {  	_ =	shalt  }
0x55: {  	_ =	shalt  }
0x56: {  	_ =	shalt  }
0x57: {  	_ =	shalt  }
0x58: {  	_ =	shalt  }
0x59: {  	_ =	shalt  }
0x5a: {  	_ =	shalt  }
0x5b: {  	_ =	shalt  }
0x5c: {  	_ =	shalt  }
0x5d: {  	_ =	shalt  }
0x5e: {  	_ =	shalt  }
0x5f: {  	_ =	shalt  }
0x60: {  	_ =	shalt  }
0x61: {  	_ =	shalt  }
0x62: {  	_ =	shalt  }
0x63: {  	_ =	shalt  }
0x64: {  	_ =	shalt  }
0x65: {  	_ =	shalt  }
0x66: {  	_ =	shalt  }
0x67: {  	_ =	shalt  }
0x68: {  	_ =	shalt  }
0x69: {  	_ =	shalt  }
0x6a: {  	_ =	shalt  }
0x6b: {  	_ =	shalt  }
0x6c: {  	_ =	shalt  }
0x6d: {  	_ =	shalt  }
0x6e: {  	_ =	shalt  }
0x6f: {  	_ =	shalt  }
0x70: {  	_ =	shalt  }
0x71: {  	_ =	shalt  }
0x72: {  	_ =	shalt  }
0x73: {  	_ =	shalt  }
0x74: {  	_ =	shalt  }
0x75: {  	_ =	shalt  }
0x76: {  	_ =	shalt  }
0x77: {  	_ =	shalt  }
0x78: {  	_ =	shalt  }
0x79: {  	_ =	shalt  }
0x7a: {  	_ =	shalt  }
0x7b: {  	_ =	shalt  }
0x7c: {  	_ =	shalt  }
0x7d: {  	_ =	shalt  }
0x7e: {  	_ =	shalt  }
0x7f: {  	_ =	shalt  }
0x80: {  	_ =	shalt  }
0x81: {  	_ =	shalt  }
0x82: {  	_ =	shalt  }
0x83: {  	_ =	shalt  }
0x84: {  	_ =	shalt  }
0x85: {  	_ =	shalt  }
0x86: {  	_ =	shalt  }
0x87: {  	_ =	shalt  }
.Lfunc_end0:
.L_simem_size_0:
called_computation_lowered:
.L_overlay_start_0:
0x88: {  	s0 =	sld [smem:$0x3FD9]  }
0x89: {  	s1 =	sld [smem:$0x3FFE];
	_ =	sdelay $0x3  }
0x8a: {  	s0 =	sadd.s32 s1, s0  }
0x8b: {  	[smem:$0x3FB8] =	sst s0  }
0x8c: {  	_ = 	snop  }
0x8d: {  	(tm) =	ssettm $0x1  }
0x8e: {  	s15 =	sld [smem:$0x3FFB];
	_ =	sdelay $0x3  }
0x8f: {  	_ =	strace s15  }
0x90: {  	s0 =	sld [smem:$0x3FFC];
	_ =	sdelay $0x3  }
0x91: {  	_ =	strace s0  }
0x92: {  	s0 =	sld [smem:$0x3FFD];
	_ =	sdelay $0x3  }
0x93: {  	_ =	strace s0  }
0x94: {  	_ =	strace $0x8FFFFFFF  }
0x95: {  	s16 =	sld [smem:$0x3FDB];
	_ =	sdelay $0x1  }
0x96: {  	s17 =	simm.s32 $_scs_section_size  }
0x97: {  	s2 =	simm.s32 $_size__tile_overlayer_lowered;
	s3 =	simm.s32 $_tile_overlayer_lowered  }
0x98: {  	s20 =	simm.s32 $0x1BFF;
	s19 =	sshll.u32 s3, $0x1;
	s0 =	sadd.s32 s17, s16  }
0x99: {  	s4 =	simm.s32 $0x0;
	s18 =	sshll.u32 s2, $0x1;
	s2 =	sadd.s32 s19, s0  }
0x9a: {  	[timem:s4], [sflag:s20] =	dma.local [hbm:s2], s18  }
0x9b: {  	_ =	swait.ge [sflag:s20], s18  }
0x9c: {  	s1 =	ssub.s32 $0x0, s18;
	[sflag:s20] =	ssyncset.done $0x0  }
0x9d: {  	[sflag:s20] =	ssyncadd.s32 s1;
	_ =	sdelay $0x1  }
0x9e: {  	s21 =	simm.s32 $0x1B8B  }
0x9f: {  	_ =	swait.ge [sflag:s21], $0x1  }
0xa0: {  	[sflag:s21] =	ssyncset.done $0x0  }
0xa1: {  	s23 =	simm.s32 $0x1B8E;
	s22 =	sld [smem:$0x3FFE];
	[sflag:s21] =	ssyncadd.s32 $0xFFFFFFFF  }
0xa2: {  	s24 =	simm.s32 $execute0_lowered;
	[smem:$0x3FD2] =	sst s23  }
0xa3: {  	s2 =	sshll.u32 s24, $0x1;
	_ =	strace $0x80000046;
	[dreg:$0x1] =	wrdreg $0xFFFFFFFF  }
0xa4: {  	s25 =	simm.s32 $_size_execute0_lowered;
	s0 =	sadd.s32 s0, s2;
	[dreg:$0x0] =	wrdreg $0x0  }
0xa5: {  	s2 =	sshll.u32 s25, $0x1;
	[dreg:$0x2] =	wrdreg s0  }
0xa6: {  	[dreg:$0x3] =	wrdreg s2  }
0xa7: {  	[dreg:$0x4] =	wrdreg $0xC0  }
0xa8: {  	_ =	task [dreg:s4], $0x5FFFF  }
0xa9: {  	[dreg:$0x1] =	wrdreg $0xFFFFFFFF  }
0xaa: {  	[dreg:$0x0] =	wrdreg $0x60  }
0xab: {  	[dreg:$0x2] =	wrdreg s22  }
0xac: {  	[dreg:$0x3] =	wrdreg $0xD0000  }
0xad: {  	[dreg:$0x4] =	wrdreg $0x9  }
0xae: {  	_ =	task.clear_ibuf [dreg:s4], $0x5FFFF;
	_ =	strace $0x90000046  }
0xaf: {  	s26 =	simm.s32 $0x9;
	_ =	strace $0x80000048  }
0xb0: {  	_ =	swait.ge [sflag:s26], $0x1  }
0xb1: {  	[sflag:s26] =	ssyncadd.s32 $0xFFFFFFFF  }
0xb2: {  	_ =	strace $0x90000048  }
0xb3: {  	_ =	sfence  }
0xb4: {  	s28 =	sld [smem:$0x0];
	_ =	sdelay $0x1  }
0xb5: {  	s29 =	srdreg.scid  }
0xb6: {  	s30 =	sshll.u32 s29, $0xD;
	s31 =	sshrl.u32 s29, $0x2  }
0xb7: {  	s1 =	sand.u32 $0x1, s29;
	s2 =	sand.u32 $0x4000, s30;
	s0 =	sadd.s32 s31, s28  }
0xb8: {  	s1 =	sor.u32 s2, s1;
	s0 =	sshll.u32 s0, $0x11  }
0xb9: {  	s0 =	sor.u32 s0, s1  }
0xba: {  	s0 =	sadd.s32 $0x8F2B, s0  }
0xbb: {  	[sflag:s0] =	ssyncadd.remote.s32 $0x1  }
0xbc: {  	_ =	sfence.sel $0xFFFF  }
0xbd: {  	[dreg:$0x0] =	wrdreg $0xFFFFFFFF;
	(pc) =	sbr.abs _section_cstart, $3  }
0xbe: {  	[dreg:$0x1] =	wrdreg $0xFFFFFFFF  }
0xbf: {  	_ =	task.clear_ibuf [dreg:s4], $0x2FFFF;
	_ =	strace $0x9FFFFFFF  }
0xc0: {  	(tm) =	ssettm $0x7FFFFFFF  }
0xc1: {  	_ =	shalt  }
tec
execute0_lowered:
.L_overlay_start_1:
0x0: {  	(tag) =	ssettag $0x1  }
0x1: {  	s16 =	rddreg [dreg:$0x0]  }
0x2: {  	s5 =	rddreg [dreg:$0x1];
	s1 =	stileid.u32  }
0x3: {  	s0 =	rddreg [dreg:$0x2];
	s6 =	simm.s32 $0x0;
	s2 =	smul.u32 $0x5000, s1  }
0x4: {  	s8 =	simm.s32 $0x3;
	[smem:$0x7FF] =	sst s6;
	s3 =	sshll.u32 s1, $0x6  }
0x5: {  	s7 =	sadd.s32 $0x15200, s16;
	s20 =	smul.u32 $0x500, s1;
	s4 =	sadd.s32 s2, s5  }
0x6: {  	_ =	strace $0x80000047;
	s3 =	sor.u32 $0x1C03, s3;
	s4 =	sshrl.u32 s4, $0x3  }
0x7: {  	[spmem:s4], [sflag:s3] =	dma.local [hbm:s7], $0xA00  }
0x8: {  	_ =	swait.ge [sflag:s8], $0xA00  }
0x9: {  	s7 =	sadd.s32 s20, s16;
	[sflag:s8] =	ssyncset.done $0x0  }
0xa: {  	s9 =	sadd.s32 $0x10200, s7;
	[sflag:s8] =	ssyncadd.s32 $0xFFFFF600  }
0xb: {  	[tilespmem:s6], [sflag:$0x3] =	stream.linear.gather [hbm4b:s9+s6], $0x2800, $0x38;
	[tilespmem:$0x12000] =	vst v63  }
0xc: {  	_ =	swait.ge [sflag:s8], $0x2800  }
0xd: {  	[sflag:s8] =	ssyncset.done $0x0  }
0xe: {  	s21 =	simm.s32 $0x2800;
	s7 =	sadd.s32 $0xB200, s7;
	[sflag:s8] =	ssyncadd.s32 $0xFFFFD800  }
0xf: {  	[tilespmem:s21], [sflag:$0x3] =	stream.linear.gather [hbm4b:s7+s6], $0x2800, $0x38;
	[tilespmem:$0x12000] =	vst v63  }
0x10: {  	_ =	swait.ge [sflag:s8], $0x2800  }
0x11: {  	p0 =	por $0x1, $0x1;
	[sflag:s8] =	ssyncset.done $0x0  }
0x12: {  	p0 =	por p0, p0;
	[sflag:s8] =	ssyncadd.s32 $0xFFFFD800  }
0x13: {  	s8 =	simm.s32 @!p0 $0x2;
	[bflag:$0x0] =	sbarrier.arrive $0xFFFF  }
0x14: {  	_ =	swait.ge @!p0 [sflag:s8], $0x1000  }
0x15: {  	[sflag:s8] =	ssyncset.done @!p0 $0x0  }
0x16: {  	[sflag:s8] =	ssyncadd.s32 @!p0 $0xFFFFF000  }
0x17: {  	_ =	swait.ge @!p0 [sflag:s8], $0x1000  }
0x18: {  	[sflag:s8] =	ssyncset.done @!p0 $0x0  }
0x19: {  	[sflag:s8] =	ssyncadd.s32 @!p0 $0xFFFFF000  }
0x1a: {  	_ =	swait.ge @!p0 [sflag:s8], $0x1000  }
0x1b: {  	[sflag:s8] =	ssyncset.done @!p0 $0x0  }
0x1c: {  	[sflag:s8] =	ssyncadd.s32 @!p0 $0xFFFFF000  }
0x1d: {  	_ =	swait.ge @!p0 [sflag:s8], $0x1000  }
0x1e: {  	[sflag:s8] =	ssyncset.done @!p0 $0x0  }
0x1f: {  	[sflag:s8] =	ssyncadd.s32 @!p0 $0xFFFFF000  }
0x20: {  	_ =	swait.ge @!p0 [sflag:s8], $0x1000  }
0x21: {  	[sflag:s8] =	ssyncset.done @!p0 $0x0  }
0x22: {  	[sflag:s8] =	ssyncadd.s32 @!p0 $0xFFFFF000  }
0x23: {  	_ =	swait.ge @!p0 [sflag:s8], $0x1000  }
0x24: {  	[sflag:s8] =	ssyncset.done @!p0 $0x0  }
0x25: {  	[sflag:s8] =	ssyncadd.s32 @!p0 $0xFFFFF000  }
0x26: {  	_ =	swait.ge @!p0 [sflag:s8], $0x1000  }
0x27: {  	[sflag:s8] =	ssyncset.done @!p0 $0x0  }
0x28: {  	[sflag:s8] =	ssyncadd.s32 @!p0 $0xFFFFF000  }
0x29: {  	_ =	swait.ge @!p0 [sflag:s8], $0x1000  }
0x2a: {  	s22 =	simm.s32 $0x0;
	s15 =	sadd.s32 $0x1400, s16;
	[sflag:s8] =	ssyncset.done @!p0 $0x0  }
0x2b: {  	s6 =	simm.s32 $0x80;
	s7 =	simm.s32 $0x5000;
	[sflag:s8] =	ssyncadd.s32 @!p0 $0xFFFFF000  }
0x2c: {  	[tilespmem:s7], [sflag:$0x1] =	stream.indirect.gather [hbm4b:s15+s6], $0x20, s22, s6, $0xb8;
	[tilespmem:$0x12000] =	vst v63  }
0x2d: {  	s23 =	simm.s32 $0x80;
	s8 =	simm.s32 $0x6000  }
0x2e: {  	[tilespmem:s8], [sflag:$0x1] =	stream.indirect.gather [hbm4b:s15+s6], $0x20, s23, s6, $0xb8;
	[tilespmem:$0x12000] =	vst v63  }
0x2f: {  	s10 =	simm.s32 $0x100;
	s9 =	simm.s32 $0x7000  }
0x30: {  	[tilespmem:s9], [sflag:$0x1] =	stream.indirect.gather [hbm4b:s15+s6], $0x20, s10, s6, $0xb8;
	[tilespmem:$0x12000] =	vst v63  }
0x31: {  	s11 =	simm.s32 $0x180;
	s10 =	simm.s32 $0x8000  }
0x32: {  	[tilespmem:s10], [sflag:$0x1] =	stream.indirect.gather [hbm4b:s15+s6], $0x20, s11, s6, $0xb8;
	[tilespmem:$0x12000] =	vst v63  }
0x33: {  	s12 =	simm.s32 $0x200;
	s11 =	simm.s32 $0x9000  }
0x34: {  	[tilespmem:s11], [sflag:$0x1] =	stream.indirect.gather [hbm4b:s15+s6], $0x20, s12, s6, $0xb8;
	[tilespmem:$0x12000] =	vst v63  }
0x35: {  	s13 =	simm.s32 $0x280;
	s12 =	simm.s32 $0xA000  }
0x36: {  	[tilespmem:s12], [sflag:$0x1] =	stream.indirect.gather [hbm4b:s15+s6], $0x20, s13, s6, $0xb8;
	[tilespmem:$0x12000] =	vst v63  }
0x37: {  	s14 =	simm.s32 $0x300;
	s13 =	simm.s32 $0xB000  }
0x38: {  	[tilespmem:s13], [sflag:$0x1] =	stream.indirect.gather [hbm4b:s15+s6], $0x20, s14, s6, $0xb8;
	[tilespmem:$0x12000] =	vst v63  }
0x39: {  	s17 =	simm.s32 $0x1;
	s18 =	simm.s32 $0x380;
	s14 =	simm.s32 $0xC000  }
0x3a: {  	[tilespmem:s14], [sflag:$0x1] =	stream.indirect.gather [hbm4b:s15+s6], $0x20, s18, s6, $0xb8;
	[tilespmem:$0x12000] =	vst v63  }
0x3b: {  	_ =	swait.ge [sflag:s17], $0x1000  }
0x3c: {  	[sflag:s17] =	ssyncset.done $0x0  }
0x3d: {  	[sflag:s17] =	ssyncadd.s32 $0xFFFFF000  }
0x3e: {  	_ =	swait.ge [sflag:s17], $0x1000  }
0x3f: {  	[sflag:s17] =	ssyncset.done $0x0  }
0x40: {  	[sflag:s17] =	ssyncadd.s32 $0xFFFFF000  }
0x41: {  	_ =	swait.ge [sflag:s17], $0x1000  }
0x42: {  	[sflag:s17] =	ssyncset.done $0x0  }
0x43: {  	[sflag:s17] =	ssyncadd.s32 $0xFFFFF000  }
0x44: {  	_ =	swait.ge [sflag:s17], $0x1000  }
0x45: {  	[sflag:s17] =	ssyncset.done $0x0  }
0x46: {  	[sflag:s17] =	ssyncadd.s32 $0xFFFFF000  }
0x47: {  	_ =	swait.ge [sflag:s17], $0x1000  }
0x48: {  	[sflag:s17] =	ssyncset.done $0x0  }
0x49: {  	[sflag:s17] =	ssyncadd.s32 $0xFFFFF000  }
0x4a: {  	_ =	swait.ge [sflag:s17], $0x1000  }
0x4b: {  	[sflag:s17] =	ssyncset.done $0x0  }
0x4c: {  	[sflag:s17] =	ssyncadd.s32 $0xFFFFF000  }
0x4d: {  	_ =	swait.ge [sflag:s17], $0x1000  }
0x4e: {  	[sflag:s17] =	ssyncset.done $0x0  }
0x4f: {  	[sflag:s17] =	ssyncadd.s32 $0xFFFFF000  }
0x50: {  	_ =	swait.ge [sflag:s17], $0x1000  }
0x51: {  	[sflag:s17] =	ssyncset.done $0x0  }
0x52: {  	s24 =	simm.s32 $0x2800;
	[sflag:s17] =	ssyncadd.s32 $0xFFFFF000  }
0x53: {  	[spmem:s5] =	stream.indirect.scatter.add.f32 [tilespmem:s7], [sflag:$0x2], $0x20, s24, s6, $0xb8;
	[tilespmem:$0x12000] =	vst v63  }
0x54: {  	s25 =	simm.s32 $0x2880  }
0x55: {  	[spmem:s5] =	stream.indirect.scatter.add.f32 [tilespmem:s8], [sflag:$0x2], $0x20, s25, s6, $0xb8;
	[tilespmem:$0x12000] =	vst v63  }
0x56: {  	s26 =	simm.s32 $0x2900  }
0x57: {  	[spmem:s5] =	stream.indirect.scatter.add.f32 [tilespmem:s9], [sflag:$0x2], $0x20, s26, s6, $0xb8;
	[tilespmem:$0x12000] =	vst v63  }
0x58: {  	s28 =	simm.s32 $0x2980  }
0x59: {  	[spmem:s5] =	stream.indirect.scatter.add.f32 [tilespmem:s10], [sflag:$0x2], $0x20, s28, s6, $0xb8;
	[tilespmem:$0x12000] =	vst v63  }
0x5a: {  	s29 =	simm.s32 $0x2A00;
	s30 =	simm.s32 $0x2A80;
	s31 =	simm.s32 $0x2B00  }
0x5b: {  	[spmem:s5] =	stream.indirect.scatter.add.f32 [tilespmem:s11], [sflag:$0x2], $0x20, s29, s6, $0xb8;
	[tilespmem:$0x12000] =	vst v63  }
0x5c: {  	p6 =	por $0x0, $0x0;
	s19 =	simm.s32 $0x2000;
	s16 =	sadd.s32 $0x15C00, s16  }
0x5d: {  	[spmem:s5] =	stream.indirect.scatter.add.f32 [tilespmem:s12], [sflag:$0x2], $0x20, s30, s6, $0xb8;
	[tilespmem:$0x12000] =	vst v63  }
0x5e: {  	s20 =	simm.s32 $0x2B80;
	p0 =	por p6, p6;
	s18 =	simm.s32 $0x1000  }
0x5f: {  	[spmem:s5] =	stream.indirect.scatter.add.f32 [tilespmem:s13], [sflag:$0x2], $0x20, s31, s6, $0xb8;
	[tilespmem:$0x12000] =	vst v63  }
.LBB2_1:
0x60: {  	[spmem:s5] =	stream.indirect.scatter.add.f32 [tilespmem:s14], [sflag:$0x2], $0x20, s20, s6, $0xb8;
	[tilespmem:$0x12000] =	vst v63  }
0x61: {  	s21 =	smov.u32 s19  }
0x62: {  	s19 =	sadd.s32 $0x1000, s19;
	s20 =	simm.s32 @!p0 $0x2;
	p2 =	seq.s32 s21, $0x0  }
0x63: {  	p1 =	sne.s32 s19, $0xA000;
	_ =	swait.ge @!p0 [sflag:s20], $0x1000  }
0x64: {  	[sflag:s20] =	ssyncset.done @!p0 $0x0  }
0x65: {  	[sflag:s20] =	ssyncadd.s32 @!p0 $0xFFFFF000  }
0x66: {  	_ =	swait.ge @!p0 [sflag:s20], $0x1000  }
0x67: {  	[sflag:s20] =	ssyncset.done @!p0 $0x0  }
0x68: {  	[sflag:s20] =	ssyncadd.s32 @!p0 $0xFFFFF000  }
0x69: {  	_ =	swait.ge @!p0 [sflag:s20], $0x1000  }
0x6a: {  	[sflag:s20] =	ssyncset.done @!p0 $0x0  }
0x6b: {  	[sflag:s20] =	ssyncadd.s32 @!p0 $0xFFFFF000  }
0x6c: {  	_ =	swait.ge @!p0 [sflag:s20], $0x1000  }
0x6d: {  	[sflag:s20] =	ssyncset.done @!p0 $0x0  }
0x6e: {  	[sflag:s20] =	ssyncadd.s32 @!p0 $0xFFFFF000  }
0x6f: {  	_ =	swait.ge @!p0 [sflag:s20], $0x1000  }
0x70: {  	[sflag:s20] =	ssyncset.done @!p0 $0x0  }
0x71: {  	[sflag:s20] =	ssyncadd.s32 @!p0 $0xFFFFF000  }
0x72: {  	_ =	swait.ge @!p0 [sflag:s20], $0x1000  }
0x73: {  	[sflag:s20] =	ssyncset.done @!p0 $0x0  }
0x74: {  	[sflag:s20] =	ssyncadd.s32 @!p0 $0xFFFFF000  }
0x75: {  	_ =	swait.ge @!p0 [sflag:s20], $0x1000  }
0x76: {  	[sflag:s20] =	ssyncset.done @!p0 $0x0  }
0x77: {  	[sflag:s20] =	ssyncadd.s32 @!p0 $0xFFFFF000  }
0x78: {  	_ =	swait.ge @!p0 [sflag:s20], $0x1000  }
0x79: {  	[sflag:s20] =	ssyncset.done @!p0 $0x0  }
0x7a: {  	[sflag:s20] =	ssyncadd.s32 @!p0 $0xFFFFF000;
	s20 =	sshra.s32 s18, $0x2;
	s18 =	smov.u32 s21  }
0x7b: {  	[tilespmem:s7], [sflag:$0x1] =	stream.indirect.gather [hbm4b:s15+s6], $0x20, s20, s6, $0xb8;
	[tilespmem:$0x12000] =	vst v63  }
0x7c: {  	p0 =	por p2, p2;
	s21 =	sadd.s32 $0x80, s20  }
0x7d: {  	[tilespmem:s8], [sflag:$0x1] =	stream.indirect.gather [hbm4b:s15+s6], $0x20, s21, s6, $0xb8;
	[tilespmem:$0x12000] =	vst v63  }
0x7e: {  	s21 =	sadd.s32 $0x100, s20  }
0x7f: {  	[tilespmem:s9], [sflag:$0x1] =	stream.indirect.gather [hbm4b:s15+s6], $0x20, s21, s6, $0xb8;
	[tilespmem:$0x12000] =	vst v63  }
0x80: {  	s21 =	sadd.s32 $0x180, s20  }
0x81: {  	[tilespmem:s10], [sflag:$0x1] =	stream.indirect.gather [hbm4b:s15+s6], $0x20, s21, s6, $0xb8;
	[tilespmem:$0x12000] =	vst v63  }
0x82: {  	s21 =	sadd.s32 $0x200, s20  }
0x83: {  	[tilespmem:s11], [sflag:$0x1] =	stream.indirect.gather [hbm4b:s15+s6], $0x20, s21, s6, $0xb8;
	[tilespmem:$0x12000] =	vst v63  }
0x84: {  	s21 =	sadd.s32 $0x280, s20  }
0x85: {  	[tilespmem:s12], [sflag:$0x1] =	stream.indirect.gather [hbm4b:s15+s6], $0x20, s21, s6, $0xb8;
	[tilespmem:$0x12000] =	vst v63  }
0x86: {  	s21 =	sadd.s32 $0x300, s20  }
0x87: {  	[tilespmem:s13], [sflag:$0x1] =	stream.indirect.gather [hbm4b:s15+s6], $0x20, s21, s6, $0xb8;
	[tilespmem:$0x12000] =	vst v63  }
0x88: {  	s21 =	sadd.s32 $0x380, s20  }
0x89: {  	[tilespmem:s14], [sflag:$0x1] =	stream.indirect.gather [hbm4b:s15+s6], $0x20, s21, s6, $0xb8;
	[tilespmem:$0x12000] =	vst v63  }
0x8a: {  	_ =	swait.ge [sflag:s17], $0x1000  }
0x8b: {  	[sflag:s17] =	ssyncset.done $0x0  }
0x8c: {  	[sflag:s17] =	ssyncadd.s32 $0xFFFFF000  }
0x8d: {  	_ =	swait.ge [sflag:s17], $0x1000  }
0x8e: {  	[sflag:s17] =	ssyncset.done $0x0  }
0x8f: {  	[sflag:s17] =	ssyncadd.s32 $0xFFFFF000  }
0x90: {  	_ =	swait.ge [sflag:s17], $0x1000  }
0x91: {  	[sflag:s17] =	ssyncset.done $0x0  }
0x92: {  	[sflag:s17] =	ssyncadd.s32 $0xFFFFF000  }
0x93: {  	_ =	swait.ge [sflag:s17], $0x1000  }
0x94: {  	[sflag:s17] =	ssyncset.done $0x0  }
0x95: {  	[sflag:s17] =	ssyncadd.s32 $0xFFFFF000  }
0x96: {  	_ =	swait.ge [sflag:s17], $0x1000  }
0x97: {  	[sflag:s17] =	ssyncset.done $0x0  }
0x98: {  	[sflag:s17] =	ssyncadd.s32 $0xFFFFF000  }
0x99: {  	_ =	swait.ge [sflag:s17], $0x1000  }
0x9a: {  	[sflag:s17] =	ssyncset.done $0x0  }
0x9b: {  	[sflag:s17] =	ssyncadd.s32 $0xFFFFF000  }
0x9c: {  	_ =	swait.ge [sflag:s17], $0x1000  }
0x9d: {  	[sflag:s17] =	ssyncset.done $0x0  }
0x9e: {  	[sflag:s17] =	ssyncadd.s32 $0xFFFFF000  }
0x9f: {  	_ =	swait.ge [sflag:s17], $0x1000  }
0xa0: {  	[sflag:s17] =	ssyncset.done $0x0  }
0xa1: {  	s21 =	sadd.s32 $0x2800, s20;
	[sflag:s17] =	ssyncadd.s32 $0xFFFFF000  }
0xa2: {  	[spmem:s5] =	stream.indirect.scatter.add.f32 [tilespmem:s7], [sflag:$0x2], $0x20, s21, s6, $0xb8;
	[tilespmem:$0x12000] =	vst v63  }
0xa3: {  	s21 =	sadd.s32 $0x2880, s20  }
0xa4: {  	[spmem:s5] =	stream.indirect.scatter.add.f32 [tilespmem:s8], [sflag:$0x2], $0x20, s21, s6, $0xb8;
	[tilespmem:$0x12000] =	vst v63  }
0xa5: {  	s21 =	sadd.s32 $0x2900, s20  }
0xa6: {  	[spmem:s5] =	stream.indirect.scatter.add.f32 [tilespmem:s9], [sflag:$0x2], $0x20, s21, s6, $0xb8;
	[tilespmem:$0x12000] =	vst v63  }
0xa7: {  	s21 =	sadd.s32 $0x2980, s20  }
0xa8: {  	[spmem:s5] =	stream.indirect.scatter.add.f32 [tilespmem:s10], [sflag:$0x2], $0x20, s21, s6, $0xb8;
	[tilespmem:$0x12000] =	vst v63  }
0xa9: {  	s21 =	sadd.s32 $0x2A00, s20  }
0xaa: {  	[spmem:s5] =	stream.indirect.scatter.add.f32 [tilespmem:s11], [sflag:$0x2], $0x20, s21, s6, $0xb8;
	[tilespmem:$0x12000] =	vst v63  }
.Ltmp0:
0xab: {  	s21 =	sadd.s32 $0x2A80, s20;
	(pc) =	sbr.rel @p1 .LBB2_1-.Ltmp0, $4  }
0xac: {  	[spmem:s5] =	stream.indirect.scatter.add.f32 [tilespmem:s12], [sflag:$0x2], $0x20, s21, s6, $0xb8;
	[tilespmem:$0x12000] =	vst v63  }
0xad: {  	s21 =	sadd.s32 $0x2B00, s20  }
0xae: {  	[spmem:s5] =	stream.indirect.scatter.add.f32 [tilespmem:s13], [sflag:$0x2], $0x20, s21, s6, $0xb8;
	[tilespmem:$0x12000] =	vst v63  }
0xaf: {  	s20 =	sadd.s32 $0x2B80, s20  }
0xb0: {  	[spmem:s5] =	stream.indirect.scatter.add.f32 [tilespmem:s14], [sflag:$0x2], $0x20, s20, s6, $0xb8;
	[tilespmem:$0x12000] =	vst v63  }
0xb1: {  	s19 =	simm.s32 @!p0 $0x2  }
0xb2: {  	_ =	swait.ge @!p0 [sflag:s19], $0x1000  }
0xb3: {  	[sflag:s19] =	ssyncset.done @!p0 $0x0  }
0xb4: {  	[sflag:s19] =	ssyncadd.s32 @!p0 $0xFFFFF000  }
0xb5: {  	_ =	swait.ge @!p0 [sflag:s19], $0x1000  }
0xb6: {  	[sflag:s19] =	ssyncset.done @!p0 $0x0  }
0xb7: {  	[sflag:s19] =	ssyncadd.s32 @!p0 $0xFFFFF000  }
0xb8: {  	_ =	swait.ge @!p0 [sflag:s19], $0x1000  }
0xb9: {  	[sflag:s19] =	ssyncset.done @!p0 $0x0  }
0xba: {  	[sflag:s19] =	ssyncadd.s32 @!p0 $0xFFFFF000  }
0xbb: {  	_ =	swait.ge @!p0 [sflag:s19], $0x1000  }
0xbc: {  	[sflag:s19] =	ssyncset.done @!p0 $0x0  }
0xbd: {  	[sflag:s19] =	ssyncadd.s32 @!p0 $0xFFFFF000  }
0xbe: {  	_ =	swait.ge @!p0 [sflag:s19], $0x1000  }
0xbf: {  	[sflag:s19] =	ssyncset.done @!p0 $0x0  }
0xc0: {  	[sflag:s19] =	ssyncadd.s32 @!p0 $0xFFFFF000  }
0xc1: {  	_ =	swait.ge @!p0 [sflag:s19], $0x1000  }
0xc2: {  	[sflag:s19] =	ssyncset.done @!p0 $0x0  }
0xc3: {  	[sflag:s19] =	ssyncadd.s32 @!p0 $0xFFFFF000  }
0xc4: {  	_ =	swait.ge @!p0 [sflag:s19], $0x1000  }
0xc5: {  	[sflag:s19] =	ssyncset.done @!p0 $0x0  }
0xc6: {  	[sflag:s19] =	ssyncadd.s32 @!p0 $0xFFFFF000  }
0xc7: {  	_ =	swait.ge @!p0 [sflag:s19], $0x1000  }
0xc8: {  	[sflag:s19] =	ssyncset.done @!p0 $0x0  }
0xc9: {  	s18 =	sshra.s32 s18, $0x2;
	[sflag:s19] =	ssyncadd.s32 @!p0 $0xFFFFF000  }
0xca: {  	[tilespmem:s7], [sflag:$0x1] =	stream.indirect.gather [hbm4b:s15+s6], $0x20, s18, s6, $0xb8;
	[tilespmem:$0x12000] =	vst v63  }
0xcb: {  	s25 =	sadd.s32 $0x80, s18  }
0xcc: {  	[tilespmem:s8], [sflag:$0x1] =	stream.indirect.gather [hbm4b:s15+s6], $0x20, s25, s6, $0xb8;
	[tilespmem:$0x12000] =	vst v63  }
0xcd: {  	s26 =	sadd.s32 $0x100, s18  }
0xce: {  	[tilespmem:s9], [sflag:$0x1] =	stream.indirect.gather [hbm4b:s15+s6], $0x20, s26, s6, $0xb8;
	[tilespmem:$0x12000] =	vst v63  }
0xcf: {  	s28 =	sadd.s32 $0x180, s18  }
0xd0: {  	[tilespmem:s10], [sflag:$0x1] =	stream.indirect.gather [hbm4b:s15+s6], $0x20, s28, s6, $0xb8;
	[tilespmem:$0x12000] =	vst v63  }
0xd1: {  	s29 =	sadd.s32 $0x200, s18  }
0xd2: {  	[tilespmem:s11], [sflag:$0x1] =	stream.indirect.gather [hbm4b:s15+s6], $0x20, s29, s6, $0xb8;
	[tilespmem:$0x12000] =	vst v63  }
0xd3: {  	s30 =	sadd.s32 $0x280, s18  }
0xd4: {  	[tilespmem:s12], [sflag:$0x1] =	stream.indirect.gather [hbm4b:s15+s6], $0x20, s30, s6, $0xb8;
	[tilespmem:$0x12000] =	vst v63  }
0xd5: {  	s31 =	sadd.s32 $0x300, s18  }
0xd6: {  	[tilespmem:s13], [sflag:$0x1] =	stream.indirect.gather [hbm4b:s15+s6], $0x20, s31, s6, $0xb8;
	[tilespmem:$0x12000] =	vst v63  }
0xd7: {  	s20 =	sadd.s32 $0x380, s18  }
0xd8: {  	[tilespmem:s14], [sflag:$0x1] =	stream.indirect.gather [hbm4b:s15+s6], $0x20, s20, s6, $0xb8;
	[tilespmem:$0x12000] =	vst v63  }
0xd9: {  	_ =	swait.ge [sflag:s17], $0x1000  }
0xda: {  	[sflag:s17] =	ssyncset.done $0x0  }
0xdb: {  	[sflag:s17] =	ssyncadd.s32 $0xFFFFF000  }
0xdc: {  	_ =	swait.ge [sflag:s17], $0x1000  }
0xdd: {  	[sflag:s17] =	ssyncset.done $0x0  }
0xde: {  	[sflag:s17] =	ssyncadd.s32 $0xFFFFF000  }
0xdf: {  	_ =	swait.ge [sflag:s17], $0x1000  }
0xe0: {  	[sflag:s17] =	ssyncset.done $0x0  }
0xe1: {  	[sflag:s17] =	ssyncadd.s32 $0xFFFFF000  }
0xe2: {  	_ =	swait.ge [sflag:s17], $0x1000  }
0xe3: {  	[sflag:s17] =	ssyncset.done $0x0  }
0xe4: {  	[sflag:s17] =	ssyncadd.s32 $0xFFFFF000  }
0xe5: {  	_ =	swait.ge [sflag:s17], $0x1000  }
0xe6: {  	[sflag:s17] =	ssyncset.done $0x0  }
0xe7: {  	[sflag:s17] =	ssyncadd.s32 $0xFFFFF000  }
0xe8: {  	_ =	swait.ge [sflag:s17], $0x1000  }
0xe9: {  	[sflag:s17] =	ssyncset.done $0x0  }
0xea: {  	[sflag:s17] =	ssyncadd.s32 $0xFFFFF000  }
0xeb: {  	_ =	swait.ge [sflag:s17], $0x1000  }
0xec: {  	[sflag:s17] =	ssyncset.done $0x0  }
0xed: {  	[sflag:s17] =	ssyncadd.s32 $0xFFFFF000  }
0xee: {  	_ =	swait.ge [sflag:s17], $0x1000  }
0xef: {  	[sflag:s17] =	ssyncset.done $0x0  }
0xf0: {  	s21 =	sadd.s32 $0x2800, s18;
	[sflag:s17] =	ssyncadd.s32 $0xFFFFF000  }
0xf1: {  	[spmem:s5] =	stream.indirect.scatter.add.f32 [tilespmem:s7], [sflag:$0x2], $0x20, s21, s6, $0xb8;
	[tilespmem:$0x12000] =	vst v63  }
0xf2: {  	s22 =	sadd.s32 $0x2880, s18  }
0xf3: {  	[spmem:s5] =	stream.indirect.scatter.add.f32 [tilespmem:s8], [sflag:$0x2], $0x20, s22, s6, $0xb8;
	[tilespmem:$0x12000] =	vst v63  }
0xf4: {  	s23 =	sadd.s32 $0x2900, s18  }
0xf5: {  	[spmem:s5] =	stream.indirect.scatter.add.f32 [tilespmem:s9], [sflag:$0x2], $0x20, s23, s6, $0xb8;
	[tilespmem:$0x12000] =	vst v63  }
0xf6: {  	s24 =	sadd.s32 $0x2980, s18  }
0xf7: {  	[spmem:s5] =	stream.indirect.scatter.add.f32 [tilespmem:s10], [sflag:$0x2], $0x20, s24, s6, $0xb8;
	[tilespmem:$0x12000] =	vst v63  }
0xf8: {  	s25 =	sadd.s32 $0x2A00, s18  }
0xf9: {  	[spmem:s5] =	stream.indirect.scatter.add.f32 [tilespmem:s11], [sflag:$0x2], $0x20, s25, s6, $0xb8;
	[tilespmem:$0x12000] =	vst v63  }
0xfa: {  	s26 =	sadd.s32 $0x2A80, s18  }
0xfb: {  	[spmem:s5] =	stream.indirect.scatter.add.f32 [tilespmem:s12], [sflag:$0x2], $0x20, s26, s6, $0xb8;
	[tilespmem:$0x12000] =	vst v63  }
0xfc: {  	s28 =	sadd.s32 $0x2B00, s18  }
0xfd: {  	[spmem:s5] =	stream.indirect.scatter.add.f32 [tilespmem:s13], [sflag:$0x2], $0x20, s28, s6, $0xb8;
	[tilespmem:$0x12000] =	vst v63  }
0xfe: {  	s29 =	sadd.s32 $0x2B80, s18;
	s30 =	simm.s32 $0x2  }
0xff: {  	[spmem:s5] =	stream.indirect.scatter.add.f32 [tilespmem:s14], [sflag:$0x2], $0x20, s29, s6, $0xb8;
	[tilespmem:$0x12000] =	vst v63  }
0x100: {  	_ =	swait.ge [sflag:s30], $0x1000  }
0x101: {  	[sflag:s30] =	ssyncset.done $0x0  }
0x102: {  	[sflag:s30] =	ssyncadd.s32 $0xFFFFF000  }
0x103: {  	_ =	swait.ge [sflag:s30], $0x1000  }
0x104: {  	[sflag:s30] =	ssyncset.done $0x0  }
0x105: {  	[sflag:s30] =	ssyncadd.s32 $0xFFFFF000  }
0x106: {  	_ =	swait.ge [sflag:s30], $0x1000  }
0x107: {  	[sflag:s30] =	ssyncset.done $0x0  }
0x108: {  	[sflag:s30] =	ssyncadd.s32 $0xFFFFF000  }
0x109: {  	_ =	swait.ge [sflag:s30], $0x1000  }
0x10a: {  	[sflag:s30] =	ssyncset.done $0x0  }
0x10b: {  	[sflag:s30] =	ssyncadd.s32 $0xFFFFF000  }
0x10c: {  	_ =	swait.ge [sflag:s30], $0x1000  }
0x10d: {  	[sflag:s30] =	ssyncset.done $0x0  }
0x10e: {  	[sflag:s30] =	ssyncadd.s32 $0xFFFFF000  }
0x10f: {  	_ =	swait.ge [sflag:s30], $0x1000  }
0x110: {  	[sflag:s30] =	ssyncset.done $0x0  }
0x111: {  	[sflag:s30] =	ssyncadd.s32 $0xFFFFF000  }
0x112: {  	_ =	swait.ge [sflag:s30], $0x1000  }
0x113: {  	[sflag:s30] =	ssyncset.done $0x0  }
0x114: {  	[sflag:s30] =	ssyncadd.s32 $0xFFFFF000  }
0x115: {  	_ =	swait.ge [sflag:s30], $0x1000  }
0x116: {  	[sflag:s30] =	ssyncset.done $0x0  }
0x117: {  	s2 =	sshrl.u32 s2, $0x3;
	[sflag:s30] =	ssyncadd.s32 $0xFFFFF000  }
0x118: {  	s2 =	sadd.s32 s16, s2;
	s31 =	simm.s32 $0x3;
	[bflag:$0x0] =	sbarrier.arrive $0xFFFF  }
0x119: {  	[hbm:s2], [sflag:s3] =	dma.local [spmem:s4], $0xA00  }
0x11a: {  	_ =	swait.ge [sflag:s31], $0xA00  }
0x11b: {  	[sflag:s31] =	ssyncset.done $0x0  }
0x11c: {  	[sflag:s31] =	ssyncadd.s32 $0xFFFFF600  }
0x11d: {  	_ =	sfence.sel $0x180000  }
0x11e: {  	[bflag:$0x0] =	sbarrier.arrive $0xFFFF  }
0x11f: {  	p0 =	sne.s32 s1, $0x0;
	_ =	strace $0x90000047  }
0x120: {  	s0 =	sadd.s32 @!p0 $0x100000, s0;
	[bflag:$0x2] =	sbarrier.arrive $0xFFFF  }
0x121: {  	[sflag:s0] =	ssyncadd.tile.s32 @!p0 $0x1;
	_ =	shalt  }
.Lfunc_end2:
_tile_overlayer_lowered:
.L_overlay_start_2:
0x122: {  	(tag) =	ssettag $0x2  }
0x123: {  	s0 =	rddreg [dreg:$0x0];
	s2 =	stileid.u32  }
0x124: {  	s1 =	rddreg [dreg:$0x1];
	p0 =	sne.s32 s2, $0x0  }
0x125: {  	s3 =	rddreg [dreg:$0x2];
	[bflag:$0x3] =	sbarrier.arrive $0xFFFF;
	s2 =	simm.s32 @!p0 $0x1C03  }
0x126: {  	[timem:s3], [sflag:s2] =	dma.local @!p0 [hbm:s0], s1  }
0x127: {  	s0 =	simm.s32 @!p0 $0x3  }
0x128: {  	_ =	swait.ge @!p0 [sflag:s0], s1  }
0x129: {  	s1 =	ssub.s32 @!p0 $0x0, s1;
	[sflag:s0] =	ssyncset.done @!p0 $0x0  }
0x12a: {  	[sflag:s0] =	ssyncadd.s32 @!p0 s1  }
0x12b: {  	[bflag:$0x3] =	sbarrier.arrive $0xFFFF  }
0x12c: {  	_ =	shalt  }

</sc_bundles>
